<compile_context>
chip_gen: v7x
topology: tpu7x:2x2x1
jax: 0.10.2.dev20260603
libtpu: 0.0.44.dev20260713+nightly
codegen_flags: <defaults>
</compile_context>

<pallas_src>
import functools

import jax
import jax.numpy as jnp
from jax import lax
from jax.experimental import pallas as pl
from jax.experimental.pallas import tpu as pltpu
from jax.experimental.pallas import tpu_sc as plsc

BB, TT, DD, KK = 16, 576, 256, 8192
NN = BB * TT
COMMIT_W = 0.25


BM = 512
BK = 1024
NM = NN // BM
NK = KK // BK


def _argmin_body(zn_ref, cn_ref, x_ref, c_ref, idx_ref, rmin_ref, ridx_ref):
    k = pl.program_id(1)

    @pl.when(k == 0)
    def _init():
        rmin_ref[...] = jnp.full((BM, 1), jnp.inf, jnp.float32)
        ridx_ref[...] = jnp.zeros((BM, 1), jnp.int32)

    dot = lax.dot_general(x_ref[...], c_ref[...], (((1,), (1,)), ((), ())),
                          preferred_element_type=jnp.float32)
    dist = (zn_ref[...] - 2.0 * dot) + cn_ref[...]
    bmin = jnp.min(dist, axis=1, keepdims=True)
    cols = lax.broadcasted_iota(jnp.int32, (BM, BK), 1) + k * BK
    cand = jnp.where(dist == bmin, cols, jnp.int32(2 ** 30))
    bidx = jnp.min(cand, axis=1, keepdims=True)
    better = bmin < rmin_ref[...]
    rmin_ref[...] = jnp.where(better, bmin, rmin_ref[...])
    ridx_ref[...] = jnp.where(better, bidx, ridx_ref[...])

    @pl.when(k == NK - 1)
    def _fin():
        idx_ref[...] = ridx_ref[...]


def _argmin_call(zf, codebook, zn, cn):
    return pl.pallas_call(
        _argmin_body,
        grid=(NM, NK),
        in_specs=[
            pl.BlockSpec((BM, 1), lambda m, k: (m, 0)),
            pl.BlockSpec((1, BK), lambda m, k: (0, k)),
            pl.BlockSpec((BM, DD), lambda m, k: (m, 0)),
            pl.BlockSpec((BK, DD), lambda m, k: (k, 0)),
        ],
        out_specs=pl.BlockSpec((BM, 1), lambda m, k: (m, 0)),
        out_shape=jax.ShapeDtypeStruct((NN, 1), jnp.int32),
        scratch_shapes=[
            pltpu.VMEM((BM, 1), jnp.float32),
            pltpu.VMEM((BM, 1), jnp.int32),
        ],
    )(zn, cn, zf, codebook)



SC_CORES = 2
SC_SUB = 16
SC_W = SC_CORES * SC_SUB
TPW = NN // SC_W
CH = 96
NCH = TPW // CH
DV = DD // 16


def _sc_body(idx_hbm, z_hbm, cb_hbm, zq_hbm, res_hbm, hist_hbm, ss_hbm,
             idx_v, rows_v, z_v, r_v, acc_v, ones_v, zer_v, hist_sh, sem):
    cid = lax.axis_index("c")
    sid = lax.axis_index("s")
    wid = sid * SC_CORES + cid
    base = wid * TPW
    bi = wid // 2
    half = (wid % 2) * TPW

    for ci in range(NCH):
        pltpu.sync_copy(idx_hbm.at[pl.ds(base + ci * CH, CH)], idx_v.at[ci])

    ones16 = jnp.ones((16,), jnp.float32)
    for j in range(CH // 16):
        ones_v[pl.ds(j * 16, 16)] = ones16

    @pl.when(sid == 0)
    def _zero_hist():
        zero16 = jnp.zeros((16,), jnp.float32)

        def zbody(i, carry):
            zer_v[pl.ds(i * 16, 16)] = zero16
            return carry

        lax.fori_loop(0, KK // 16, zbody, 0)
        pltpu.sync_copy(zer_v, hist_sh)

    plsc.subcore_barrier()

    for ci in range(NCH):
        pltpu.sync_copy(ones_v, hist_sh.at[idx_v.at[ci]], add=True)

    acc = jnp.zeros((16,), jnp.float32)
    for ci in range(NCH):
        row = half + ci * CH
        pltpu.sync_copy(z_hbm.at[bi, pl.ds(row, CH)], z_v)
        pltpu.async_copy(cb_hbm.at[idx_v.at[ci]], rows_v, sem).wait()

        def tbody(t, a):
            for d in range(DV):
                q = rows_v[t, pl.ds(d * 16, 16)]
                zz = z_v[t, pl.ds(d * 16, 16)]
                r = zz - q
                r_v[t, pl.ds(d * 16, 16)] = r
                a = a + r * r
            return a

        acc = lax.fori_loop(0, CH, tbody, acc)
        pltpu.sync_copy(rows_v, zq_hbm.at[bi, pl.ds(row, CH)])
        pltpu.sync_copy(r_v, res_hbm.at[bi, pl.ds(row, CH)])

    acc_v[...] = acc
    pltpu.sync_copy(acc_v, ss_hbm.at[wid])

    plsc.subcore_barrier()

    @pl.when(sid == 0)
    def _emit_hist():
        pltpu.sync_copy(hist_sh, hist_hbm.at[cid])


def _sc_call(idx, z3d, codebook):
    mesh = plsc.VectorSubcoreMesh(core_axis_name="c", subcore_axis_name="s")
    fn = pl.kernel(
        _sc_body,
        mesh=mesh,
        out_type=[
            jax.ShapeDtypeStruct((BB, TT, DD), jnp.float32),
            jax.ShapeDtypeStruct((BB, TT, DD), jnp.float32),
            jax.ShapeDtypeStruct((SC_CORES, KK), jnp.float32),
            jax.ShapeDtypeStruct((SC_W, 16), jnp.float32),
        ],
        scratch_types=[
            pltpu.VMEM((NCH, CH), jnp.int32),
            pltpu.VMEM((CH, DD), jnp.float32),
            pltpu.VMEM((CH, DD), jnp.float32),
            pltpu.VMEM((CH, DD), jnp.float32),
            pltpu.VMEM((16,), jnp.float32),
            pltpu.VMEM((CH,), jnp.float32),
            pltpu.VMEM((KK,), jnp.float32),
            pltpu.VMEM_SHARED((KK,), jnp.float32),
            pltpu.SemaphoreType.DMA,
        ],
    )
    return fn(idx, z3d, codebook)




def _stats_body(hist_ref, ss_ref, vq_ref, perp_ref, used_ref, frac_ref):
    counts = hist_ref[0:1, :] + hist_ref[1:2, :]
    total = jnp.maximum(jnp.sum(counts), 1.0)
    p = counts / total
    logp = jnp.log(p + 1e-10)
    ent = -jnp.sum(p * logp)
    perp = jnp.exp(ent)
    used = jnp.sum((counts > 0.0).astype(jnp.float32))
    ssum = jnp.sum(ss_ref[...])
    lm = ssum * (1.0 / float(NN * DD))
    vq_ref[0, 0] = lm + COMMIT_W * lm
    perp_ref[0, 0] = perp
    used_ref[0, 0] = used
    frac_ref[0, 0] = used / float(KK)


def _stats_call(hist, ss):
    smem = pl.BlockSpec(memory_space=pltpu.SMEM)
    return pl.pallas_call(
        _stats_body,
        out_specs=[smem, smem, smem, smem],
        out_shape=[jax.ShapeDtypeStruct((1, 1), jnp.float32)] * 4,
    )(hist, ss)


def kernel(z, codebook):
    zf = z.reshape(NN, DD)
    zn = jnp.sum(zf ** 2, axis=1, keepdims=True)
    cn = jnp.sum(codebook ** 2, axis=1)[None, :]
    idx = _argmin_call(zf, codebook, zn, cn).reshape(NN)
    zq, res, hist, ss = _sc_call(idx, z, codebook)
    vq, perp, used, frac = _stats_call(hist, ss)
    return (res, vq[0, 0], zq, perp[0, 0], used[0, 0], frac[0, 0])

# --- scband reference (transcript-rebuilt; emitter-appended) ---
"""Pipeline reference for scband-hard-vector-quantizer-52321291600402 (READ-ONLY COPY).

The authoritative reference and input builder live on the scoring server;
editing this copy changes nothing except your own understanding.
"""

import jax, jax.numpy as jnp
import numpy as np

B, T, DIM, K = 16, 576, 256, 8192
COMMIT = 0.25

def setup_inputs(seed: int = 0) -> dict:
    key = jax.random.key(seed)
    k1, k2 = jax.random.split(key)
    z = jax.random.normal(k1, (B, T, DIM), dtype=jnp.float32)
    codebook = jax.random.normal(k2, (K, DIM), dtype=jnp.float32) * (DIM ** -0.5)
    return {"z": z, "codebook": codebook}

def reference(z, codebook):
    Bs, Ts, D = z.shape
    flat = z.reshape(Bs * Ts, D)
    dist = jnp.sum(flat ** 2, axis=1, keepdims=True) - 2.0 * flat @ codebook.T + jnp.sum(codebook ** 2, axis=1)[None, :]
    indices = jnp.argmin(dist, axis=1)
    z_q = jnp.take(codebook, indices, axis=0).reshape(Bs, Ts, D)
    z_residual = z - jax.lax.stop_gradient(z_q)
    # batch VQ stats (all positions valid: no padding mask)
    counts = jnp.bincount(indices, length=K).astype(jnp.float32)
    total = jnp.maximum(counts.sum(), 1.0)
    p = counts / total
    log_p = jnp.log(p + 1e-10)
    entropy = -(p * log_p).sum()
    perplexity = jnp.exp(entropy)
    codes_used = (counts > 0).sum().astype(jnp.float32)
    codes_used_frac = codes_used / float(K)
    # losses: commitment (grad to z) + codebook (grad to codebook)
    loss_commit = jnp.mean((z - jax.lax.stop_gradient(z_q)) ** 2)
    loss_codebook = jnp.mean((z_q - jax.lax.stop_gradient(z)) ** 2)
    vq_loss = loss_codebook + COMMIT * loss_commit
    return z_residual, vq_loss, z_q, perplexity, codes_used, codes_used_frac

if __name__ == "__main__":
    import jax
    _d = setup_inputs()
    print(jax.jit(kernel)(*tuple(_d.values())))

</pallas_src>

<mosaic_0001>
#map = affine_map<(d0, d1) -> (0)>
#map1 = affine_map<(d0, d1) -> (0, 0, 0)>
#map2 = affine_map<(d0, d1) -> (0, 0)>
module attributes {stable_mosaic.version = 14 : i64} {
  func.func @_sc_body(%arg0: i32, %arg1: i32, %arg2: memref<9216xi32, #tpu.memory_space<hbm>>, %arg3: memref<16x576x256xf32, #tpu.memory_space<hbm>>, %arg4: memref<8192x256xf32, #tpu.memory_space<hbm>>, %arg5: memref<16x576x256xf32, #tpu.memory_space<hbm>>, %arg6: memref<16x576x256xf32, #tpu.memory_space<hbm>>, %arg7: memref<2x8192xf32, #tpu.memory_space<hbm>>, %arg8: memref<32x16xf32, #tpu.memory_space<hbm>>, %arg9: memref<3x96xi32, #tpu.memory_space<vmem>>, %arg10: memref<96x256xf32, #tpu.memory_space<vmem>>, %arg11: memref<96x256xf32, #tpu.memory_space<vmem>>, %arg12: memref<96x256xf32, #tpu.memory_space<vmem>>, %arg13: memref<16xf32, #tpu.memory_space<vmem>>, %arg14: memref<96xf32, #tpu.memory_space<vmem>>, %arg15: memref<8192xf32, #tpu.memory_space<vmem>>, %arg16: memref<8192xf32, #tpu.memory_space<vmem_shared>>, %arg17: memref<!tpu.dma_semaphore, #tpu.memory_space<semaphore_mem>>) attributes {dimension_semantics = [#tpu.dimension_semantics<core_parallel>, #tpu.dimension_semantics<subcore_parallel>], iteration_bounds = array<i64: 2, 16>, scalar_prefetch = 0 : i64, scratch_operands = 9 : i64, tpu.core_type = #tpu.core_type<sc_vector_subcore>, window_params = [{transform_indices = #map}, {transform_indices = #map1}, {transform_indices = #map2}, {transform_indices = #map1}, {transform_indices = #map1}, {transform_indices = #map2}, {transform_indices = #map2}]} {
    %mul3A = arith.constant 2 : i32
    %mul3A_0 = arith.muli %arg1, %mul3A : i32
    %add3A = arith.addi %mul3A_0, %arg0 : i32
    %mul3A_1 = arith.constant 288 : i32
    %mul3A_2 = arith.muli %add3A, %mul3A_1 : i32
    %jit3A = arith.constant 2 : i32
    %div3A = arith.divsi %add3A, %jit3A : i32
    %sign3A = arith.constant 0 : i32
    %sign3A_3 = arith.cmpi sgt, %add3A, %sign3A : i32
    %sign3A_4 = arith.extui %sign3A_3 : i1 to i32
    %sign3A_5 = arith.constant 0 : i32
    %sign3A_6 = arith.cmpi slt, %add3A, %sign3A_5 : i32
    %sign3A_7 = arith.extui %sign3A_6 : i1 to i32
    %sign3A_8 = arith.subi %sign3A_4, %sign3A_7 : i32
    %sign3A_9 = arith.constant 0 : i32
    %sign3A_10 = arith.cmpi sgt, %jit3A, %sign3A_9 : i32
    %sign3A_11 = arith.extui %sign3A_10 : i1 to i32
    %sign3A_12 = arith.constant 0 : i32
    %sign3A_13 = arith.cmpi slt, %jit3A, %sign3A_12 : i32
    %sign3A_14 = arith.extui %sign3A_13 : i1 to i32
    %sign3A_15 = arith.subi %sign3A_11, %sign3A_14 : i32
    %ne3A = arith.cmpi ne, %sign3A_8, %sign3A_15 : i32
    %rem3A = arith.remsi %add3A, %jit3A : i32
    %ne3A_16 = arith.constant 0 : i32
    %ne3A_17 = arith.cmpi ne, %rem3A, %ne3A_16 : i32
    %and3A = arith.andi %ne3A, %ne3A_17 : i1
    %sub3A = arith.constant 1 : i32
    %sub3A_18 = arith.subi %div3A, %sub3A : i32
    %select_n3A = arith.select %and3A, %sub3A_18, %div3A : i32
    %jit3A_19 = arith.constant 2 : i32
    %eq3A = arith.constant 0 : i32
    %eq3A_20 = arith.cmpi eq, %jit3A_19, %eq3A : i32
    %jit3A_21 = arith.constant 1 : i32
    %select_n3A_22 = arith.select %eq3A_20, %jit3A_21, %jit3A_19 : i32
    %rem3A_23 = arith.remsi %add3A, %select_n3A_22 : i32
    %ne3A_24 = arith.constant 0 : i32
    %ne3A_25 = arith.cmpi ne, %rem3A_23, %ne3A_24 : i32
    %lt3A = arith.constant 0 : i32
    %lt3A_26 = arith.cmpi slt, %rem3A_23, %lt3A : i32
    %lt3A_27 = arith.constant 0 : i32
    %lt3A_28 = arith.cmpi slt, %select_n3A_22, %lt3A_27 : i32
    %ne3A_29 = arith.xori %lt3A_26, %lt3A_28 : i1
    %and3A_30 = arith.andi %ne3A_29, %ne3A_25 : i1
    %add3A_31 = arith.addi %rem3A_23, %select_n3A_22 : i32
    %select_n3A_32 = arith.select %and3A_30, %add3A_31, %rem3A_23 : i32
    %mul3A_33 = arith.constant 288 : i32
    %mul3A_34 = arith.muli %select_n3A_32, %mul3A_33 : i32
    %add3A_35 = arith.constant 0 : i32
    %add3A_36 = arith.addi %mul3A_2, %add3A_35 : i32
    %run_scoped3A = arith.constant 0 : i32
    "tpu.region"() ({
      %run_scoped3A_148 = tpu.sem_alloc : memref<!tpu.dma_semaphore, #tpu.memory_space<semaphore_mem>>
      %dma_start3A_149 = arith.constant 0 : i32
      %dma_start3A_150 = tpu.memref_slice %arg9[%run_scoped3A, %dma_start3A_149] : memref<3x96xi32, #tpu.memory_space<vmem>> -> memref<1x96xi32, #tpu.memory_space<vmem>>
      %dma_start3A_151 = tpu.memref_squeeze %dma_start3A_150 : memref<1x96xi32, #tpu.memory_space<vmem>> -> memref<96xi32, #tpu.memory_space<vmem>>
      %dma_start3A_152 = tpu.memref_slice %arg2[%add3A_36] : memref<9216xi32, #tpu.memory_space<hbm>> -> memref<96xi32, #tpu.memory_space<hbm>>
      %dma_start3A_153 = arith.constant 0 : i32
      %dma_start3A_154 = tpu.memref_slice %arg9[%run_scoped3A, %dma_start3A_153] : memref<3x96xi32, #tpu.memory_space<vmem>> -> memref<1x96xi32, #tpu.memory_space<vmem>>
      %dma_start3A_155 = tpu.memref_squeeze %dma_start3A_154 : memref<1x96xi32, #tpu.memory_space<vmem>> -> memref<96xi32, #tpu.memory_space<vmem>>
      %dma_start3A_156 = tpu.memref_slice %arg2[%add3A_36] : memref<9216xi32, #tpu.memory_space<hbm>> -> memref<96xi32, #tpu.memory_space<hbm>>
      tpu.enqueue_dma source(%dma_start3A_156 : memref<96xi32, #tpu.memory_space<hbm>>) target(%dma_start3A_155 : memref<96xi32, #tpu.memory_space<vmem>>) target_semaphore(%run_scoped3A_148 : memref<!tpu.dma_semaphore, #tpu.memory_space<semaphore_mem>>)
      %dma_wait3A_157 = arith.constant 0 : i32
      %dma_wait3A_158 = tpu.memref_slice %arg9[%run_scoped3A, %dma_wait3A_157] : memref<3x96xi32, #tpu.memory_space<vmem>> -> memref<1x96xi32, #tpu.memory_space<vmem>>
      %dma_wait3A_159 = tpu.memref_squeeze %dma_wait3A_158 : memref<1x96xi32, #tpu.memory_space<vmem>> -> memref<96xi32, #tpu.memory_space<vmem>>
      %dma_wait3A_160 = tpu.memref_slice %arg2[%add3A_36] : memref<9216xi32, #tpu.memory_space<hbm>> -> memref<96xi32, #tpu.memory_space<hbm>>
      %dma_wait3A_161 = arith.constant 0 : i32
      %dma_wait3A_162 = tpu.memref_slice %arg9[%run_scoped3A, %dma_wait3A_161] : memref<3x96xi32, #tpu.memory_space<vmem>> -> memref<1x96xi32, #tpu.memory_space<vmem>>
      %dma_wait3A_163 = tpu.memref_squeeze %dma_wait3A_162 : memref<1x96xi32, #tpu.memory_space<vmem>> -> memref<96xi32, #tpu.memory_space<vmem>>
      %dma_wait3A_164 = tpu.memref_slice %arg2[%add3A_36] : memref<9216xi32, #tpu.memory_space<hbm>> -> memref<96xi32, #tpu.memory_space<hbm>>
      tpu.wait_dma2 semaphore(%run_scoped3A_148 : memref<!tpu.dma_semaphore, #tpu.memory_space<semaphore_mem>>) src(%dma_wait3A_164 : memref<96xi32, #tpu.memory_space<hbm>>) dst(%dma_wait3A_163 : memref<96xi32, #tpu.memory_space<vmem>>)
      tpu.yield
    }) : () -> ()
    %add3A_37 = arith.constant 96 : i32
    %add3A_38 = arith.addi %mul3A_2, %add3A_37 : i32
    %run_scoped3A_39 = arith.constant 1 : i32
    "tpu.region"() ({
      %run_scoped3A_148 = tpu.sem_alloc : memref<!tpu.dma_semaphore, #tpu.memory_space<semaphore_mem>>
      %dma_start3A_149 = arith.constant 0 : i32
      %dma_start3A_150 = tpu.memref_slice %arg9[%run_scoped3A_39, %dma_start3A_149] : memref<3x96xi32, #tpu.memory_space<vmem>> -> memref<1x96xi32, #tpu.memory_space<vmem>>
      %dma_start3A_151 = tpu.memref_squeeze %dma_start3A_150 : memref<1x96xi32, #tpu.memory_space<vmem>> -> memref<96xi32, #tpu.memory_space<vmem>>
      %dma_start3A_152 = tpu.memref_slice %arg2[%add3A_38] : memref<9216xi32, #tpu.memory_space<hbm>> -> memref<96xi32, #tpu.memory_space<hbm>>
      %dma_start3A_153 = arith.constant 0 : i32
      %dma_start3A_154 = tpu.memref_slice %arg9[%run_scoped3A_39, %dma_start3A_153] : memref<3x96xi32, #tpu.memory_space<vmem>> -> memref<1x96xi32, #tpu.memory_space<vmem>>
      %dma_start3A_155 = tpu.memref_squeeze %dma_start3A_154 : memref<1x96xi32, #tpu.memory_space<vmem>> -> memref<96xi32, #tpu.memory_space<vmem>>
      %dma_start3A_156 = tpu.memref_slice %arg2[%add3A_38] : memref<9216xi32, #tpu.memory_space<hbm>> -> memref<96xi32, #tpu.memory_space<hbm>>
      tpu.enqueue_dma source(%dma_start3A_156 : memref<96xi32, #tpu.memory_space<hbm>>) target(%dma_start3A_155 : memref<96xi32, #tpu.memory_space<vmem>>) target_semaphore(%run_scoped3A_148 : memref<!tpu.dma_semaphore, #tpu.memory_space<semaphore_mem>>)
      %dma_wait3A_157 = arith.constant 0 : i32
      %dma_wait3A_158 = tpu.memref_slice %arg9[%run_scoped3A_39, %dma_wait3A_157] : memref<3x96xi32, #tpu.memory_space<vmem>> -> memref<1x96xi32, #tpu.memory_space<vmem>>
      %dma_wait3A_159 = tpu.memref_squeeze %dma_wait3A_158 : memref<1x96xi32, #tpu.memory_space<vmem>> -> memref<96xi32, #tpu.memory_space<vmem>>
      %dma_wait3A_160 = tpu.memref_slice %arg2[%add3A_38] : memref<9216xi32, #tpu.memory_space<hbm>> -> memref<96xi32, #tpu.memory_space<hbm>>
      %dma_wait3A_161 = arith.constant 0 : i32
      %dma_wait3A_162 = tpu.memref_slice %arg9[%run_scoped3A_39, %dma_wait3A_161] : memref<3x96xi32, #tpu.memory_space<vmem>> -> memref<1x96xi32, #tpu.memory_space<vmem>>
      %dma_wait3A_163 = tpu.memref_squeeze %dma_wait3A_162 : memref<1x96xi32, #tpu.memory_space<vmem>> -> memref<96xi32, #tpu.memory_space<vmem>>
      %dma_wait3A_164 = tpu.memref_slice %arg2[%add3A_38] : memref<9216xi32, #tpu.memory_space<hbm>> -> memref<96xi32, #tpu.memory_space<hbm>>
      tpu.wait_dma2 semaphore(%run_scoped3A_148 : memref<!tpu.dma_semaphore, #tpu.memory_space<semaphore_mem>>) src(%dma_wait3A_164 : memref<96xi32, #tpu.memory_space<hbm>>) dst(%dma_wait3A_163 : memref<96xi32, #tpu.memory_space<vmem>>)
      tpu.yield
    }) : () -> ()
    %add3A_40 = arith.constant 192 : i32
    %add3A_41 = arith.addi %mul3A_2, %add3A_40 : i32
    %run_scoped3A_42 = arith.constant 2 : i32
    "tpu.region"() ({
      %run_scoped3A_148 = tpu.sem_alloc : memref<!tpu.dma_semaphore, #tpu.memory_space<semaphore_mem>>
      %dma_start3A_149 = arith.constant 0 : i32
      %dma_start3A_150 = tpu.memref_slice %arg9[%run_scoped3A_42, %dma_start3A_149] : memref<3x96xi32, #tpu.memory_space<vmem>> -> memref<1x96xi32, #tpu.memory_space<vmem>>
      %dma_start3A_151 = tpu.memref_squeeze %dma_start3A_150 : memref<1x96xi32, #tpu.memory_space<vmem>> -> memref<96xi32, #tpu.memory_space<vmem>>
      %dma_start3A_152 = tpu.memref_slice %arg2[%add3A_41] : memref<9216xi32, #tpu.memory_space<hbm>> -> memref<96xi32, #tpu.memory_space<hbm>>
      %dma_start3A_153 = arith.constant 0 : i32
      %dma_start3A_154 = tpu.memref_slice %arg9[%run_scoped3A_42, %dma_start3A_153] : memref<3x96xi32, #tpu.memory_space<vmem>> -> memref<1x96xi32, #tpu.memory_space<vmem>>
      %dma_start3A_155 = tpu.memref_squeeze %dma_start3A_154 : memref<1x96xi32, #tpu.memory_space<vmem>> -> memref<96xi32, #tpu.memory_space<vmem>>
      %dma_start3A_156 = tpu.memref_slice %arg2[%add3A_41] : memref<9216xi32, #tpu.memory_space<hbm>> -> memref<96xi32, #tpu.memory_space<hbm>>
      tpu.enqueue_dma source(%dma_start3A_156 : memref<96xi32, #tpu.memory_space<hbm>>) target(%dma_start3A_155 : memref<96xi32, #tpu.memory_space<vmem>>) target_semaphore(%run_scoped3A_148 : memref<!tpu.dma_semaphore, #tpu.memory_space<semaphore_mem>>)
      %dma_wait3A_157 = arith.constant 0 : i32
      %dma_wait3A_158 = tpu.memref_slice %arg9[%run_scoped3A_42, %dma_wait3A_157] : memref<3x96xi32, #tpu.memory_space<vmem>> -> memref<1x96xi32, #tpu.memory_space<vmem>>
      %dma_wait3A_159 = tpu.memref_squeeze %dma_wait3A_158 : memref<1x96xi32, #tpu.memory_space<vmem>> -> memref<96xi32, #tpu.memory_space<vmem>>
      %dma_wait3A_160 = tpu.memref_slice %arg2[%add3A_41] : memref<9216xi32, #tpu.memory_space<hbm>> -> memref<96xi32, #tpu.memory_space<hbm>>
      %dma_wait3A_161 = arith.constant 0 : i32
      %dma_wait3A_162 = tpu.memref_slice %arg9[%run_scoped3A_42, %dma_wait3A_161] : memref<3x96xi32, #tpu.memory_space<vmem>> -> memref<1x96xi32, #tpu.memory_space<vmem>>
      %dma_wait3A_163 = tpu.memref_squeeze %dma_wait3A_162 : memref<1x96xi32, #tpu.memory_space<vmem>> -> memref<96xi32, #tpu.memory_space<vmem>>
      %dma_wait3A_164 = tpu.memref_slice %arg2[%add3A_41] : memref<9216xi32, #tpu.memory_space<hbm>> -> memref<96xi32, #tpu.memory_space<hbm>>
      tpu.wait_dma2 semaphore(%run_scoped3A_148 : memref<!tpu.dma_semaphore, #tpu.memory_space<semaphore_mem>>) src(%dma_wait3A_164 : memref<96xi32, #tpu.memory_space<hbm>>) dst(%dma_wait3A_163 : memref<96xi32, #tpu.memory_space<vmem>>)
      tpu.yield
    }) : () -> ()
    %broadcast_in_dim3A = arith.constant 1.000000e+00 : f32
    %broadcast_in_dim3A_43 = vector.broadcast %broadcast_in_dim3A : f32 to vector<16xf32>
    %swap3A = arith.constant 0 : index
    %swap3A_44 = tpu.vector_load %arg14[%swap3A] {strides = array<i32>} : memref<96xf32, #tpu.memory_space<vmem>>, vector<16xf32>,
    %swap3A_45 = vector.shape_cast %swap3A_44 : vector<16xf32> to vector<16xf32>
    %swap3A_46 = vector.shape_cast %broadcast_in_dim3A_43 : vector<16xf32> to vector<16xf32>
    tpu.vector_store %arg14[%swap3A], %swap3A_46 {strides = array<i32>} : memref<96xf32, #tpu.memory_space<vmem>>, vector<16xf32>,
    %swap3A_47 = arith.constant 16 : index
    %swap3A_48 = tpu.vector_load %arg14[%swap3A_47] {strides = array<i32>} : memref<96xf32, #tpu.memory_space<vmem>>, vector<16xf32>,
    %swap3A_49 = vector.shape_cast %swap3A_48 : vector<16xf32> to vector<16xf32>
    %swap3A_50 = vector.shape_cast %broadcast_in_dim3A_43 : vector<16xf32> to vector<16xf32>
    tpu.vector_store %arg14[%swap3A_47], %swap3A_50 {strides = array<i32>} : memref<96xf32, #tpu.memory_space<vmem>>, vector<16xf32>,
    %swap3A_51 = arith.constant 32 : index
    %swap3A_52 = tpu.vector_load %arg14[%swap3A_51] {strides = array<i32>} : memref<96xf32, #tpu.memory_space<vmem>>, vector<16xf32>,
    %swap3A_53 = vector.shape_cast %swap3A_52 : vector<16xf32> to vector<16xf32>
    %swap3A_54 = vector.shape_cast %broadcast_in_dim3A_43 : vector<16xf32> to vector<16xf32>
    tpu.vector_store %arg14[%swap3A_51], %swap3A_54 {strides = array<i32>} : memref<96xf32, #tpu.memory_space<vmem>>, vector<16xf32>,
    %swap3A_55 = arith.constant 48 : index
    %swap3A_56 = tpu.vector_load %arg14[%swap3A_55] {strides = array<i32>} : memref<96xf32, #tpu.memory_space<vmem>>, vector<16xf32>,
    %swap3A_57 = vector.shape_cast %swap3A_56 : vector<16xf32> to vector<16xf32>
    %swap3A_58 = vector.shape_cast %broadcast_in_dim3A_43 : vector<16xf32> to vector<16xf32>
    tpu.vector_store %arg14[%swap3A_55], %swap3A_58 {strides = array<i32>} : memref<96xf32, #tpu.memory_space<vmem>>, vector<16xf32>,
    %swap3A_59 = arith.constant 64 : index
    %swap3A_60 = tpu.vector_load %arg14[%swap3A_59] {strides = array<i32>} : memref<96xf32, #tpu.memory_space<vmem>>, vector<16xf32>,
    %swap3A_61 = vector.shape_cast %swap3A_60 : vector<16xf32> to vector<16xf32>
    %swap3A_62 = vector.shape_cast %broadcast_in_dim3A_43 : vector<16xf32> to vector<16xf32>
    tpu.vector_store %arg14[%swap3A_59], %swap3A_62 {strides = array<i32>} : memref<96xf32, #tpu.memory_space<vmem>>, vector<16xf32>,
    %swap3A_63 = arith.constant 80 : index
    %swap3A_64 = tpu.vector_load %arg14[%swap3A_63] {strides = array<i32>} : memref<96xf32, #tpu.memory_space<vmem>>, vector<16xf32>,
    %swap3A_65 = vector.shape_cast %swap3A_64 : vector<16xf32> to vector<16xf32>
    %swap3A_66 = vector.shape_cast %broadcast_in_dim3A_43 : vector<16xf32> to vector<16xf32>
    tpu.vector_store %arg14[%swap3A_63], %swap3A_66 {strides = array<i32>} : memref<96xf32, #tpu.memory_space<vmem>>, vector<16xf32>,
    %eq3A_67 = arith.constant 0 : i32
    %eq3A_68 = arith.cmpi eq, %arg1, %eq3A_67 : i32
    %convert_element_type3A = arith.extui %eq3A_68 : i1 to i32
    %cond3A = arith.constant 0 : i32
    %cond3A_69 = arith.cmpi ne, %convert_element_type3A, %cond3A : i32
    scf.if %cond3A_69 {
      %broadcast_in_dim3A_148 = arith.constant 0.000000e+00 : f32
      %broadcast_in_dim3A_149 = vector.broadcast %broadcast_in_dim3A_148 : f32 to vector<16xf32>
      %scan3A_150 = arith.constant 0 : i32
      %scan3A_151 = arith.constant 0 : i32
      %scan3A_152 = arith.constant 512 : i32
      %scan3A_153 = arith.addi %scan3A_151, %scan3A_152 : i32
      %scan3A_154 = arith.constant 1 : i32
      scf.for %scan3A_156 = %scan3A_151 to %scan3A_153 step %scan3A_154  : i32 {
        %mul3A_157 = arith.constant 16 : i32
        %mul3A_158 = arith.muli %scan3A_156, %mul3A_157 : i32
        %swap3A_159 = arith.index_cast %mul3A_158 : i32 to index
        %swap3A_160 = tpu.vector_load %arg15[%swap3A_159] {strides = array<i32>} : memref<8192xf32, #tpu.memory_space<vmem>>, vector<16xf32>,
        %swap3A_161 = vector.shape_cast %swap3A_160 : vector<16xf32> to vector<16xf32>
        %swap3A_162 = vector.shape_cast %broadcast_in_dim3A_149 : vector<16xf32> to vector<16xf32>
        tpu.vector_store %arg15[%swap3A_159], %swap3A_162 {strides = array<i32>} : memref<8192xf32, #tpu.memory_space<vmem>>, vector<16xf32>,
      }
      %scan3A_155 = arith.constant 512 : i32
      "tpu.region"() ({
        %run_scoped3A_156 = tpu.sem_alloc : memref<!tpu.dma_semaphore, #tpu.memory_space<semaphore_mem>>
        tpu.enqueue_dma source(%arg15 : memref<8192xf32, #tpu.memory_space<vmem>>) target(%arg16 : memref<8192xf32, #tpu.memory_space<vmem_shared>>) target_semaphore(%run_scoped3A_156 : memref<!tpu.dma_semaphore, #tpu.memory_space<semaphore_mem>>)
        tpu.wait_dma2 semaphore(%run_scoped3A_156 : memref<!tpu.dma_semaphore, #tpu.memory_space<semaphore_mem>>) src(%arg15 : memref<8192xf32, #tpu.memory_space<vmem>>) dst(%arg16 : memref<8192xf32, #tpu.memory_space<vmem_shared>>)
        tpu.yield
      }) : () -> ()
    } else {
    }
    %barrier3A = arith.constant 0 : index
    tpu.barrier barrier_id(%barrier3A)
    %run_scoped3A_70 = arith.constant 0 : i32
    "tpu.region"() ({
      %run_scoped3A_148 = tpu.sem_alloc : memref<!tpu.dma_semaphore, #tpu.memory_space<semaphore_mem>>
      %dma_start3A_149 = arith.constant 0 : i32
      %dma_start3A_150 = tpu.memref_slice %arg9[%run_scoped3A_70, %dma_start3A_149] : memref<3x96xi32, #tpu.memory_space<vmem>> -> memref<1x96xi32, #tpu.memory_space<vmem>>
      %dma_start3A_151 = tpu.memref_squeeze %dma_start3A_150 : memref<1x96xi32, #tpu.memory_space<vmem>> -> memref<96xi32, #tpu.memory_space<vmem>>
      %dma_start3A_152 = arith.constant 0 : i32
      %dma_start3A_153 = tpu.memref_slice %arg16[%dma_start3A_152] : memref<8192xf32, #tpu.memory_space<vmem_shared>> -> memref<8192xf32, #tpu.memory_space<vmem_shared>>
      tpu.enqueue_indirect_dma source(%arg14 : memref<96xf32, #tpu.memory_space<vmem>>) target(%dma_start3A_153 : memref<8192xf32, #tpu.memory_space<vmem_shared>>) offsets(%dma_start3A_151 : memref<96xi32, #tpu.memory_space<vmem>>) semaphore(%run_scoped3A_148 : memref<!tpu.dma_semaphore, #tpu.memory_space<semaphore_mem>>) {add = true}
      %dma_wait3A_154 = arith.constant 0 : i32
      %dma_wait3A_155 = tpu.memref_slice %arg9[%run_scoped3A_70, %dma_wait3A_154] : memref<3x96xi32, #tpu.memory_space<vmem>> -> memref<1x96xi32, #tpu.memory_space<vmem>>
      %dma_wait3A_156 = tpu.memref_squeeze %dma_wait3A_155 : memref<1x96xi32, #tpu.memory_space<vmem>> -> memref<96xi32, #tpu.memory_space<vmem>>
      %dma_wait3A_157 = arith.constant 0 : i32
      %dma_wait3A_158 = tpu.memref_slice %arg16[%dma_wait3A_157] : memref<8192xf32, #tpu.memory_space<vmem_shared>> -> memref<8192xf32, #tpu.memory_space<vmem_shared>>
      tpu.wait_indirect_dma semaphore(%run_scoped3A_148 : memref<!tpu.dma_semaphore, #tpu.memory_space<semaphore_mem>>) src(%arg14 : memref<96xf32, #tpu.memory_space<vmem>>) dst(%dma_wait3A_158 : memref<8192xf32, #tpu.memory_space<vmem_shared>>)
      tpu.yield
    }) : () -> ()
    %run_scoped3A_71 = arith.constant 1 : i32
    "tpu.region"() ({
      %run_scoped3A_148 = tpu.sem_alloc : memref<!tpu.dma_semaphore, #tpu.memory_space<semaphore_mem>>
      %dma_start3A_149 = arith.constant 0 : i32
      %dma_start3A_150 = tpu.memref_slice %arg9[%run_scoped3A_71, %dma_start3A_149] : memref<3x96xi32, #tpu.memory_space<vmem>> -> memref<1x96xi32, #tpu.memory_space<vmem>>
      %dma_start3A_151 = tpu.memref_squeeze %dma_start3A_150 : memref<1x96xi32, #tpu.memory_space<vmem>> -> memref<96xi32, #tpu.memory_space<vmem>>
      %dma_start3A_152 = arith.constant 0 : i32
      %dma_start3A_153 = tpu.memref_slice %arg16[%dma_start3A_152] : memref<8192xf32, #tpu.memory_space<vmem_shared>> -> memref<8192xf32, #tpu.memory_space<vmem_shared>>
      tpu.enqueue_indirect_dma source(%arg14 : memref<96xf32, #tpu.memory_space<vmem>>) target(%dma_start3A_153 : memref<8192xf32, #tpu.memory_space<vmem_shared>>) offsets(%dma_start3A_151 : memref<96xi32, #tpu.memory_space<vmem>>) semaphore(%run_scoped3A_148 : memref<!tpu.dma_semaphore, #tpu.memory_space<semaphore_mem>>) {add = true}
      %dma_wait3A_154 = arith.constant 0 : i32
      %dma_wait3A_155 = tpu.memref_slice %arg9[%run_scoped3A_71, %dma_wait3A_154] : memref<3x96xi32, #tpu.memory_space<vmem>> -> memref<1x96xi32, #tpu.memory_space<vmem>>
      %dma_wait3A_156 = tpu.memref_squeeze %dma_wait3A_155 : memref<1x96xi32, #tpu.memory_space<vmem>> -> memref<96xi32, #tpu.memory_space<vmem>>
      %dma_wait3A_157 = arith.constant 0 : i32
      %dma_wait3A_158 = tpu.memref_slice %arg16[%dma_wait3A_157] : memref<8192xf32, #tpu.memory_space<vmem_shared>> -> memref<8192xf32, #tpu.memory_space<vmem_shared>>
      tpu.wait_indirect_dma semaphore(%run_scoped3A_148 : memref<!tpu.dma_semaphore, #tpu.memory_space<semaphore_mem>>) src(%arg14 : memref<96xf32, #tpu.memory_space<vmem>>) dst(%dma_wait3A_158 : memref<8192xf32, #tpu.memory_space<vmem_shared>>)
      tpu.yield
    }) : () -> ()
    %run_scoped3A_72 = arith.constant 2 : i32
    "tpu.region"() ({
      %run_scoped3A_148 = tpu.sem_alloc : memref<!tpu.dma_semaphore, #tpu.memory_space<semaphore_mem>>
      %dma_start3A_149 = arith.constant 0 : i32
      %dma_start3A_150 = tpu.memref_slice %arg9[%run_scoped3A_72, %dma_start3A_149] : memref<3x96xi32, #tpu.memory_space<vmem>> -> memref<1x96xi32, #tpu.memory_space<vmem>>
      %dma_start3A_151 = tpu.memref_squeeze %dma_start3A_150 : memref<1x96xi32, #tpu.memory_space<vmem>> -> memref<96xi32, #tpu.memory_space<vmem>>
      %dma_start3A_152 = arith.constant 0 : i32
      %dma_start3A_153 = tpu.memref_slice %arg16[%dma_start3A_152] : memref<8192xf32, #tpu.memory_space<vmem_shared>> -> memref<8192xf32, #tpu.memory_space<vmem_shared>>
      tpu.enqueue_indirect_dma source(%arg14 : memref<96xf32, #tpu.memory_space<vmem>>) target(%dma_start3A_153 : memref<8192xf32, #tpu.memory_space<vmem_shared>>) offsets(%dma_start3A_151 : memref<96xi32, #tpu.memory_space<vmem>>) semaphore(%run_scoped3A_148 : memref<!tpu.dma_semaphore, #tpu.memory_space<semaphore_mem>>) {add = true}
      %dma_wait3A_154 = arith.constant 0 : i32
      %dma_wait3A_155 = tpu.memref_slice %arg9[%run_scoped3A_72, %dma_wait3A_154] : memref<3x96xi32, #tpu.memory_space<vmem>> -> memref<1x96xi32, #tpu.memory_space<vmem>>
      %dma_wait3A_156 = tpu.memref_squeeze %dma_wait3A_155 : memref<1x96xi32, #tpu.memory_space<vmem>> -> memref<96xi32, #tpu.memory_space<vmem>>
      %dma_wait3A_157 = arith.constant 0 : i32
      %dma_wait3A_158 = tpu.memref_slice %arg16[%dma_wait3A_157] : memref<8192xf32, #tpu.memory_space<vmem_shared>> -> memref<8192xf32, #tpu.memory_space<vmem_shared>>
      tpu.wait_indirect_dma semaphore(%run_scoped3A_148 : memref<!tpu.dma_semaphore, #tpu.memory_space<semaphore_mem>>) src(%arg14 : memref<96xf32, #tpu.memory_space<vmem>>) dst(%dma_wait3A_158 : memref<8192xf32, #tpu.memory_space<vmem_shared>>)
      tpu.yield
    }) : () -> ()
    %broadcast_in_dim3A_73 = arith.constant 0.000000e+00 : f32
    %broadcast_in_dim3A_74 = vector.broadcast %broadcast_in_dim3A_73 : f32 to vector<16xf32>
    %add3A_75 = arith.constant 0 : i32
    %add3A_76 = arith.addi %mul3A_34, %add3A_75 : i32
    "tpu.region"() ({
      %run_scoped3A_148 = tpu.sem_alloc : memref<!tpu.dma_semaphore, #tpu.memory_space<semaphore_mem>>
      %dma_start3A_149 = arith.constant 0 : i32
      %dma_start3A_150 = tpu.memref_slice %arg3[%select_n3A, %add3A_76, %dma_start3A_149] : memref<16x576x256xf32, #tpu.memory_space<hbm>> -> memref<1x96x256xf32, #tpu.memory_space<hbm>>
      %dma_start3A_151 = tpu.memref_squeeze %dma_start3A_150 : memref<1x96x256xf32, #tpu.memory_space<hbm>> -> memref<96x256xf32, #tpu.memory_space<hbm>>
      %dma_start3A_152 = arith.constant 0 : i32
      %dma_start3A_153 = tpu.memref_slice %arg3[%select_n3A, %add3A_76, %dma_start3A_152] : memref<16x576x256xf32, #tpu.memory_space<hbm>> -> memref<1x96x256xf32, #tpu.memory_space<hbm>>
      %dma_start3A_154 = tpu.memref_squeeze %dma_start3A_153 : memref<1x96x256xf32, #tpu.memory_space<hbm>> -> memref<96x256xf32, #tpu.memory_space<hbm>>
      tpu.enqueue_dma source(%dma_start3A_154 : memref<96x256xf32, #tpu.memory_space<hbm>>) target(%arg11 : memref<96x256xf32, #tpu.memory_space<vmem>>) target_semaphore(%run_scoped3A_148 : memref<!tpu.dma_semaphore, #tpu.memory_space<semaphore_mem>>)
      %dma_wait3A_155 = arith.constant 0 : i32
      %dma_wait3A_156 = tpu.memref_slice %arg3[%select_n3A, %add3A_76, %dma_wait3A_155] : memref<16x576x256xf32, #tpu.memory_space<hbm>> -> memref<1x96x256xf32, #tpu.memory_space<hbm>>
      %dma_wait3A_157 = tpu.memref_squeeze %dma_wait3A_156 : memref<1x96x256xf32, #tpu.memory_space<hbm>> -> memref<96x256xf32, #tpu.memory_space<hbm>>
      %dma_wait3A_158 = arith.constant 0 : i32
      %dma_wait3A_159 = tpu.memref_slice %arg3[%select_n3A, %add3A_76, %dma_wait3A_158] : memref<16x576x256xf32, #tpu.memory_space<hbm>> -> memref<1x96x256xf32, #tpu.memory_space<hbm>>
      %dma_wait3A_160 = tpu.memref_squeeze %dma_wait3A_159 : memref<1x96x256xf32, #tpu.memory_space<hbm>> -> memref<96x256xf32, #tpu.memory_space<hbm>>
      tpu.wait_dma2 semaphore(%run_scoped3A_148 : memref<!tpu.dma_semaphore, #tpu.memory_space<semaphore_mem>>) src(%dma_wait3A_160 : memref<96x256xf32, #tpu.memory_space<hbm>>) dst(%arg11 : memref<96x256xf32, #tpu.memory_space<vmem>>)
      tpu.yield
    }) : () -> ()
    %dma_start3A = arith.constant 0 : i32
    %dma_start3A_77 = arith.constant 0 : i32
    %dma_start3A_78 = tpu.memref_slice %arg9[%dma_start3A, %dma_start3A_77] : memref<3x96xi32, #tpu.memory_space<vmem>> -> memref<1x96xi32, #tpu.memory_space<vmem>>
    %dma_start3A_79 = tpu.memref_squeeze %dma_start3A_78 : memref<1x96xi32, #tpu.memory_space<vmem>> -> memref<96xi32, #tpu.memory_space<vmem>>
    %dma_start3A_80 = arith.constant 0 : i32
    %dma_start3A_81 = arith.constant 0 : i32
    %dma_start3A_82 = tpu.memref_slice %arg4[%dma_start3A_80, %dma_start3A_81] : memref<8192x256xf32, #tpu.memory_space<hbm>> -> memref<8192x256xf32, #tpu.memory_space<hbm>>
    tpu.enqueue_indirect_dma source(%dma_start3A_82 : memref<8192x256xf32, #tpu.memory_space<hbm>>) target(%arg10 : memref<96x256xf32, #tpu.memory_space<vmem>>) offsets(%dma_start3A_79 : memref<96xi32, #tpu.memory_space<vmem>>) semaphore(%arg17 : memref<!tpu.dma_semaphore, #tpu.memory_space<semaphore_mem>>)
    %dma_wait3A = arith.constant 0 : i32
    %dma_wait3A_83 = arith.constant 0 : i32
    %dma_wait3A_84 = tpu.memref_slice %arg9[%dma_wait3A, %dma_wait3A_83] : memref<3x96xi32, #tpu.memory_space<vmem>> -> memref<1x96xi32, #tpu.memory_space<vmem>>
    %dma_wait3A_85 = tpu.memref_squeeze %dma_wait3A_84 : memref<1x96xi32, #tpu.memory_space<vmem>> -> memref<96xi32, #tpu.memory_space<vmem>>
    %dma_wait3A_86 = arith.constant 0 : i32
    %dma_wait3A_87 = arith.constant 0 : i32
    %dma_wait3A_88 = tpu.memref_slice %arg4[%dma_wait3A_86, %dma_wait3A_87] : memref<8192x256xf32, #tpu.memory_space<hbm>> -> memref<8192x256xf32, #tpu.memory_space<hbm>>
    tpu.wait_indirect_dma semaphore(%arg17 : memref<!tpu.dma_semaphore, #tpu.memory_space<semaphore_mem>>) src(%dma_wait3A_88 : memref<8192x256xf32, #tpu.memory_space<hbm>>) dst(%arg10 : memref<96x256xf32, #tpu.memory_space<vmem>>)
    %scan3A = arith.constant 0 : i32
    %scan3A_89 = arith.constant 96 : i32
    %scan3A_90 = arith.addi %scan3A, %scan3A_89 : i32
    %scan3A_91 = arith.constant 1 : i32
    %scan3A_92 = scf.for %scan3A_148 = %scan3A to %scan3A_90 step %scan3A_91 iter_args(%scan3A_149 = %broadcast_in_dim3A_74) -> (vector<16xf32>)  : i32 {
      %get3A = arith.index_cast %scan3A_148 : i32 to index
      %get3A_150 = arith.constant 0 : index
      %get3A_151 = tpu.vector_load %arg10[%get3A, %get3A_150] {strides = array<i32>} : memref<96x256xf32, #tpu.memory_space<vmem>>, vector<1x16xf32>,
      %get3A_152 = vector.shape_cast %get3A_151 : vector<1x16xf32> to vector<16xf32>
      %get3A_153 = arith.index_cast %scan3A_148 : i32 to index
      %get3A_154 = arith.constant 0 : index
      %get3A_155 = tpu.vector_load %arg11[%get3A_153, %get3A_154] {strides = array<i32>} : memref<96x256xf32, #tpu.memory_space<vmem>>, vector<1x16xf32>,
      %get3A_156 = vector.shape_cast %get3A_155 : vector<1x16xf32> to vector<16xf32>
      %sub3A_157 = arith.subf %get3A_156, %get3A_152 : vector<16xf32>
      %swap3A_158 = arith.index_cast %scan3A_148 : i32 to index
      %swap3A_159 = arith.constant 0 : index
      %swap3A_160 = tpu.vector_load %arg12[%swap3A_158, %swap3A_159] {strides = array<i32>} : memref<96x256xf32, #tpu.memory_space<vmem>>, vector<1x16xf32>,
      %swap3A_161 = vector.shape_cast %swap3A_160 : vector<1x16xf32> to vector<16xf32>
      %swap3A_162 = vector.shape_cast %sub3A_157 : vector<16xf32> to vector<1x16xf32>
      tpu.vector_store %arg12[%swap3A_158, %swap3A_159], %swap3A_162 {strides = array<i32>} : memref<96x256xf32, #tpu.memory_space<vmem>>, vector<1x16xf32>,
      %mul3A_163 = arith.mulf %sub3A_157, %sub3A_157 : vector<16xf32>
      %add3A_164 = arith.addf %scan3A_149, %mul3A_163 : vector<16xf32>
      %get3A_165 = arith.index_cast %scan3A_148 : i32 to index
      %get3A_166 = arith.constant 16 : index
      %get3A_167 = tpu.vector_load %arg10[%get3A_165, %get3A_166] {strides = array<i32>} : memref<96x256xf32, #tpu.memory_space<vmem>>, vector<1x16xf32>,
      %get3A_168 = vector.shape_cast %get3A_167 : vector<1x16xf32> to vector<16xf32>
      %get3A_169 = arith.index_cast %scan3A_148 : i32 to index
      %get3A_170 = arith.constant 16 : index
      %get3A_171 = tpu.vector_load %arg11[%get3A_169, %get3A_170] {strides = array<i32>} : memref<96x256xf32, #tpu.memory_space<vmem>>, vector<1x16xf32>,
      %get3A_172 = vector.shape_cast %get3A_171 : vector<1x16xf32> to vector<16xf32>
      %sub3A_173 = arith.subf %get3A_172, %get3A_168 : vector<16xf32>
      %swap3A_174 = arith.index_cast %scan3A_148 : i32 to index
      %swap3A_175 = arith.constant 16 : index
      %swap3A_176 = tpu.vector_load %arg12[%swap3A_174, %swap3A_175] {strides = array<i32>} : memref<96x256xf32, #tpu.memory_space<vmem>>, vector<1x16xf32>,
      %swap3A_177 = vector.shape_cast %swap3A_176 : vector<1x16xf32> to vector<16xf32>
      %swap3A_178 = vector.shape_cast %sub3A_173 : vector<16xf32> to vector<1x16xf32>
      tpu.vector_store %arg12[%swap3A_174, %swap3A_175], %swap3A_178 {strides = array<i32>} : memref<96x256xf32, #tpu.memory_space<vmem>>, vector<1x16xf32>,
      %mul3A_179 = arith.mulf %sub3A_173, %sub3A_173 : vector<16xf32>
      %add3A_180 = arith.addf %add3A_164, %mul3A_179 : vector<16xf32>
      %get3A_181 = arith.index_cast %scan3A_148 : i32 to index
      %get3A_182 = arith.constant 32 : index
      %get3A_183 = tpu.vector_load %arg10[%get3A_181, %get3A_182] {strides = array<i32>} : memref<96x256xf32, #tpu.memory_space<vmem>>, vector<1x16xf32>,
      %get3A_184 = vector.shape_cast %get3A_183 : vector<1x16xf32> to vector<16xf32>
      %get3A_185 = arith.index_cast %scan3A_148 : i32 to index
      %get3A_186 = arith.constant 32 : index
      %get3A_187 = tpu.vector_load %arg11[%get3A_185, %get3A_186] {strides = array<i32>} : memref<96x256xf32, #tpu.memory_space<vmem>>, vector<1x16xf32>,
      %get3A_188 = vector.shape_cast %get3A_187 : vector<1x16xf32> to vector<16xf32>
      %sub3A_189 = arith.subf %get3A_188, %get3A_184 : vector<16xf32>
      %swap3A_190 = arith.index_cast %scan3A_148 : i32 to index
      %swap3A_191 = arith.constant 32 : index
      %swap3A_192 = tpu.vector_load %arg12[%swap3A_190, %swap3A_191] {strides = array<i32>} : memref<96x256xf32, #tpu.memory_space<vmem>>, vector<1x16xf32>,
      %swap3A_193 = vector.shape_cast %swap3A_192 : vector<1x16xf32> to vector<16xf32>
      %swap3A_194 = vector.shape_cast %sub3A_189 : vector<16xf32> to vector<1x16xf32>
      tpu.vector_store %arg12[%swap3A_190, %swap3A_191], %swap3A_194 {strides = array<i32>} : memref<96x256xf32, #tpu.memory_space<vmem>>, vector<1x16xf32>,
      %mul3A_195 = arith.mulf %sub3A_189, %sub3A_189 : vector<16xf32>
      %add3A_196 = arith.addf %add3A_180, %mul3A_195 : vector<16xf32>
      %get3A_197 = arith.index_cast %scan3A_148 : i32 to index
      %get3A_198 = arith.constant 48 : index
      %get3A_199 = tpu.vector_load %arg10[%get3A_197, %get3A_198] {strides = array<i32>} : memref<96x256xf32, #tpu.memory_space<vmem>>, vector<1x16xf32>,
      %get3A_200 = vector.shape_cast %get3A_199 : vector<1x16xf32> to vector<16xf32>
      %get3A_201 = arith.index_cast %scan3A_148 : i32 to index
      %get3A_202 = arith.constant 48 : index
      %get3A_203 = tpu.vector_load %arg11[%get3A_201, %get3A_202] {strides = array<i32>} : memref<96x256xf32, #tpu.memory_space<vmem>>, vector<1x16xf32>,
      %get3A_204 = vector.shape_cast %get3A_203 : vector<1x16xf32> to vector<16xf32>
      %sub3A_205 = arith.subf %get3A_204, %get3A_200 : vector<16xf32>
      %swap3A_206 = arith.index_cast %scan3A_148 : i32 to index
      %swap3A_207 = arith.constant 48 : index
      %swap3A_208 = tpu.vector_load %arg12[%swap3A_206, %swap3A_207] {strides = array<i32>} : memref<96x256xf32, #tpu.memory_space<vmem>>, vector<1x16xf32>,
      %swap3A_209 = vector.shape_cast %swap3A_208 : vector<1x16xf32> to vector<16xf32>
      %swap3A_210 = vector.shape_cast %sub3A_205 : vector<16xf32> to vector<1x16xf32>
      tpu.vector_store %arg12[%swap3A_206, %swap3A_207], %swap3A_210 {strides = array<i32>} : memref<96x256xf32, #tpu.memory_space<vmem>>, vector<1x16xf32>,
      %mul3A_211 = arith.mulf %sub3A_205, %sub3A_205 : vector<16xf32>
      %add3A_212 = arith.addf %add3A_196, %mul3A_211 : vector<16xf32>
      %get3A_213 = arith.index_cast %scan3A_148 : i32 to index
      %get3A_214 = arith.constant 64 : index
      %get3A_215 = tpu.vector_load %arg10[%get3A_213, %get3A_214] {strides = array<i32>} : memref<96x256xf32, #tpu.memory_space<vmem>>, vector<1x16xf32>,
      %get3A_216 = vector.shape_cast %get3A_215 : vector<1x16xf32> to vector<16xf32>
      %get3A_217 = arith.index_cast %scan3A_148 : i32 to index
      %get3A_218 = arith.constant 64 : index
      %get3A_219 = tpu.vector_load %arg11[%get3A_217, %get3A_218] {strides = array<i32>} : memref<96x256xf32, #tpu.memory_space<vmem>>, vector<1x16xf32>,
      %get3A_220 = vector.shape_cast %get3A_219 : vector<1x16xf32> to vector<16xf32>
      %sub3A_221 = arith.subf %get3A_220, %get3A_216 : vector<16xf32>
      %swap3A_222 = arith.index_cast %scan3A_148 : i32 to index
      %swap3A_223 = arith.constant 64 : index
      %swap3A_224 = tpu.vector_load %arg12[%swap3A_222, %swap3A_223] {strides = array<i32>} : memref<96x256xf32, #tpu.memory_space<vmem>>, vector<1x16xf32>,
      %swap3A_225 = vector.shape_cast %swap3A_224 : vector<1x16xf32> to vector<16xf32>
      %swap3A_226 = vector.shape_cast %sub3A_221 : vector<16xf32> to vector<1x16xf32>
      tpu.vector_store %arg12[%swap3A_222, %swap3A_223], %swap3A_226 {strides = array<i32>} : memref<96x256xf32, #tpu.memory_space<vmem>>, vector<1x16xf32>,
      %mul3A_227 = arith.mulf %sub3A_221, %sub3A_221 : vector<16xf32>
      %add3A_228 = arith.addf %add3A_212, %mul3A_227 : vector<16xf32>
      %get3A_229 = arith.index_cast %scan3A_148 : i32 to index
      %get3A_230 = arith.constant 80 : index
      %get3A_231 = tpu.vector_load %arg10[%get3A_229, %get3A_230] {strides = array<i32>} : memref<96x256xf32, #tpu.memory_space<vmem>>, vector<1x16xf32>,
      %get3A_232 = vector.shape_cast %get3A_231 : vector<1x16xf32> to vector<16xf32>
      %get3A_233 = arith.index_cast %scan3A_148 : i32 to index
      %get3A_234 = arith.constant 80 : index
      %get3A_235 = tpu.vector_load %arg11[%get3A_233, %get3A_234] {strides = array<i32>} : memref<96x256xf32, #tpu.memory_space<vmem>>, vector<1x16xf32>,
      %get3A_236 = vector.shape_cast %get3A_235 : vector<1x16xf32> to vector<16xf32>
      %sub3A_237 = arith.subf %get3A_236, %get3A_232 : vector<16xf32>
      %swap3A_238 = arith.index_cast %scan3A_148 : i32 to index
      %swap3A_239 = arith.constant 80 : index
      %swap3A_240 = tpu.vector_load %arg12[%swap3A_238, %swap3A_239] {strides = array<i32>} : memref<96x256xf32, #tpu.memory_space<vmem>>, vector<1x16xf32>,
      %swap3A_241 = vector.shape_cast %swap3A_240 : vector<1x16xf32> to vector<16xf32>
      %swap3A_242 = vector.shape_cast %sub3A_237 : vector<16xf32> to vector<1x16xf32>
      tpu.vector_store %arg12[%swap3A_238, %swap3A_239], %swap3A_242 {strides = array<i32>} : memref<96x256xf32, #tpu.memory_space<vmem>>, vector<1x16xf32>,
      %mul3A_243 = arith.mulf %sub3A_237, %sub3A_237 : vector<16xf32>
      %add3A_244 = arith.addf %add3A_228, %mul3A_243 : vector<16xf32>
      %get3A_245 = arith.index_cast %scan3A_148 : i32 to index
      %get3A_246 = arith.constant 96 : index
      %get3A_247 = tpu.vector_load %arg10[%get3A_245, %get3A_246] {strides = array<i32>} : memref<96x256xf32, #tpu.memory_space<vmem>>, vector<1x16xf32>,
      %get3A_248 = vector.shape_cast %get3A_247 : vector<1x16xf32> to vector<16xf32>
      %get3A_249 = arith.index_cast %scan3A_148 : i32 to index
      %get3A_250 = arith.constant 96 : index
      %get3A_251 = tpu.vector_load %arg11[%get3A_249, %get3A_250] {strides = array<i32>} : memref<96x256xf32, #tpu.memory_space<vmem>>, vector<1x16xf32>,
      %get3A_252 = vector.shape_cast %get3A_251 : vector<1x16xf32> to vector<16xf32>
      %sub3A_253 = arith.subf %get3A_252, %get3A_248 : vector<16xf32>
      %swap3A_254 = arith.index_cast %scan3A_148 : i32 to index
      %swap3A_255 = arith.constant 96 : index
      %swap3A_256 = tpu.vector_load %arg12[%swap3A_254, %swap3A_255] {strides = array<i32>} : memref<96x256xf32, #tpu.memory_space<vmem>>, vector<1x16xf32>,
      %swap3A_257 = vector.shape_cast %swap3A_256 : vector<1x16xf32> to vector<16xf32>
      %swap3A_258 = vector.shape_cast %sub3A_253 : vector<16xf32> to vector<1x16xf32>
      tpu.vector_store %arg12[%swap3A_254, %swap3A_255], %swap3A_258 {strides = array<i32>} : memref<96x256xf32, #tpu.memory_space<vmem>>, vector<1x16xf32>,
      %mul3A_259 = arith.mulf %sub3A_253, %sub3A_253 : vector<16xf32>
      %add3A_260 = arith.addf %add3A_244, %mul3A_259 : vector<16xf32>
      %get3A_261 = arith.index_cast %scan3A_148 : i32 to index
      %get3A_262 = arith.constant 112 : index
      %get3A_263 = tpu.vector_load %arg10[%get3A_261, %get3A_262] {strides = array<i32>} : memref<96x256xf32, #tpu.memory_space<vmem>>, vector<1x16xf32>,
      %get3A_264 = vector.shape_cast %get3A_263 : vector<1x16xf32> to vector<16xf32>
      %get3A_265 = arith.index_cast %scan3A_148 : i32 to index
      %get3A_266 = arith.constant 112 : index
      %get3A_267 = tpu.vector_load %arg11[%get3A_265, %get3A_266] {strides = array<i32>} : memref<96x256xf32, #tpu.memory_space<vmem>>, vector<1x16xf32>,
      %get3A_268 = vector.shape_cast %get3A_267 : vector<1x16xf32> to vector<16xf32>
      %sub3A_269 = arith.subf %get3A_268, %get3A_264 : vector<16xf32>
      %swap3A_270 = arith.index_cast %scan3A_148 : i32 to index
      %swap3A_271 = arith.constant 112 : index
      %swap3A_272 = tpu.vector_load %arg12[%swap3A_270, %swap3A_271] {strides = array<i32>} : memref<96x256xf32, #tpu.memory_space<vmem>>, vector<1x16xf32>,
      %swap3A_273 = vector.shape_cast %swap3A_272 : vector<1x16xf32> to vector<16xf32>
      %swap3A_274 = vector.shape_cast %sub3A_269 : vector<16xf32> to vector<1x16xf32>
      tpu.vector_store %arg12[%swap3A_270, %swap3A_271], %swap3A_274 {strides = array<i32>} : memref<96x256xf32, #tpu.memory_space<vmem>>, vector<1x16xf32>,
      %mul3A_275 = arith.mulf %sub3A_269, %sub3A_269 : vector<16xf32>
      %add3A_276 = arith.addf %add3A_260, %mul3A_275 : vector<16xf32>
      %get3A_277 = arith.index_cast %scan3A_148 : i32 to index
      %get3A_278 = arith.constant 128 : index
      %get3A_279 = tpu.vector_load %arg10[%get3A_277, %get3A_278] {strides = array<i32>} : memref<96x256xf32, #tpu.memory_space<vmem>>, vector<1x16xf32>,
      %get3A_280 = vector.shape_cast %get3A_279 : vector<1x16xf32> to vector<16xf32>
      %get3A_281 = arith.index_cast %scan3A_148 : i32 to index
      %get3A_282 = arith.constant 128 : index
      %get3A_283 = tpu.vector_load %arg11[%get3A_281, %get3A_282] {strides = array<i32>} : memref<96x256xf32, #tpu.memory_space<vmem>>, vector<1x16xf32>,
      %get3A_284 = vector.shape_cast %get3A_283 : vector<1x16xf32> to vector<16xf32>
      %sub3A_285 = arith.subf %get3A_284, %get3A_280 : vector<16xf32>
      %swap3A_286 = arith.index_cast %scan3A_148 : i32 to index
      %swap3A_287 = arith.constant 128 : index
      %swap3A_288 = tpu.vector_load %arg12[%swap3A_286, %swap3A_287] {strides = array<i32>} : memref<96x256xf32, #tpu.memory_space<vmem>>, vector<1x16xf32>,
      %swap3A_289 = vector.shape_cast %swap3A_288 : vector<1x16xf32> to vector<16xf32>
      %swap3A_290 = vector.shape_cast %sub3A_285 : vector<16xf32> to vector<1x16xf32>
      tpu.vector_store %arg12[%swap3A_286, %swap3A_287], %swap3A_290 {strides = array<i32>} : memref<96x256xf32, #tpu.memory_space<vmem>>, vector<1x16xf32>,
      %mul3A_291 = arith.mulf %sub3A_285, %sub3A_285 : vector<16xf32>
      %add3A_292 = arith.addf %add3A_276, %mul3A_291 : vector<16xf32>
      %get3A_293 = arith.index_cast %scan3A_148 : i32 to index
      %get3A_294 = arith.constant 144 : index
      %get3A_295 = tpu.vector_load %arg10[%get3A_293, %get3A_294] {strides = array<i32>} : memref<96x256xf32, #tpu.memory_space<vmem>>, vector<1x16xf32>,
      %get3A_296 = vector.shape_cast %get3A_295 : vector<1x16xf32> to vector<16xf32>
      %get3A_297 = arith.index_cast %scan3A_148 : i32 to index
      %get3A_298 = arith.constant 144 : index
      %get3A_299 = tpu.vector_load %arg11[%get3A_297, %get3A_298] {strides = array<i32>} : memref<96x256xf32, #tpu.memory_space<vmem>>, vector<1x16xf32>,
      %get3A_300 = vector.shape_cast %get3A_299 : vector<1x16xf32> to vector<16xf32>
      %sub3A_301 = arith.subf %get3A_300, %get3A_296 : vector<16xf32>
      %swap3A_302 = arith.index_cast %scan3A_148 : i32 to index
      %swap3A_303 = arith.constant 144 : index
      %swap3A_304 = tpu.vector_load %arg12[%swap3A_302, %swap3A_303] {strides = array<i32>} : memref<96x256xf32, #tpu.memory_space<vmem>>, vector<1x16xf32>,
      %swap3A_305 = vector.shape_cast %swap3A_304 : vector<1x16xf32> to vector<16xf32>
      %swap3A_306 = vector.shape_cast %sub3A_301 : vector<16xf32> to vector<1x16xf32>
      tpu.vector_store %arg12[%swap3A_302, %swap3A_303], %swap3A_306 {strides = array<i32>} : memref<96x256xf32, #tpu.memory_space<vmem>>, vector<1x16xf32>,
      %mul3A_307 = arith.mulf %sub3A_301, %sub3A_301 : vector<16xf32>
      %add3A_308 = arith.addf %add3A_292, %mul3A_307 : vector<16xf32>
      %get3A_309 = arith.index_cast %scan3A_148 : i32 to index
      %get3A_310 = arith.constant 160 : index
      %get3A_311 = tpu.vector_load %arg10[%get3A_309, %get3A_310] {strides = array<i32>} : memref<96x256xf32, #tpu.memory_space<vmem>>, vector<1x16xf32>,
      %get3A_312 = vector.shape_cast %get3A_311 : vector<1x16xf32> to vector<16xf32>
      %get3A_313 = arith.index_cast %scan3A_148 : i32 to index
      %get3A_314 = arith.constant 160 : index
      %get3A_315 = tpu.vector_load %arg11[%get3A_313, %get3A_314] {strides = array<i32>} : memref<96x256xf32, #tpu.memory_space<vmem>>, vector<1x16xf32>,
      %get3A_316 = vector.shape_cast %get3A_315 : vector<1x16xf32> to vector<16xf32>
      %sub3A_317 = arith.subf %get3A_316, %get3A_312 : vector<16xf32>
      %swap3A_318 = arith.index_cast %scan3A_148 : i32 to index
      %swap3A_319 = arith.constant 160 : index
      %swap3A_320 = tpu.vector_load %arg12[%swap3A_318, %swap3A_319] {strides = array<i32>} : memref<96x256xf32, #tpu.memory_space<vmem>>, vector<1x16xf32>,
      %swap3A_321 = vector.shape_cast %swap3A_320 : vector<1x16xf32> to vector<16xf32>
      %swap3A_322 = vector.shape_cast %sub3A_317 : vector<16xf32> to vector<1x16xf32>
      tpu.vector_store %arg12[%swap3A_318, %swap3A_319], %swap3A_322 {strides = array<i32>} : memref<96x256xf32, #tpu.memory_space<vmem>>, vector<1x16xf32>,
      %mul3A_323 = arith.mulf %sub3A_317, %sub3A_317 : vector<16xf32>
      %add3A_324 = arith.addf %add3A_308, %mul3A_323 : vector<16xf32>
      %get3A_325 = arith.index_cast %scan3A_148 : i32 to index
      %get3A_326 = arith.constant 176 : index
      %get3A_327 = tpu.vector_load %arg10[%get3A_325, %get3A_326] {strides = array<i32>} : memref<96x256xf32, #tpu.memory_space<vmem>>, vector<1x16xf32>,
      %get3A_328 = vector.shape_cast %get3A_327 : vector<1x16xf32> to vector<16xf32>
      %get3A_329 = arith.index_cast %scan3A_148 : i32 to index
      %get3A_330 = arith.constant 176 : index
      %get3A_331 = tpu.vector_load %arg11[%get3A_329, %get3A_330] {strides = array<i32>} : memref<96x256xf32, #tpu.memory_space<vmem>>, vector<1x16xf32>,
      %get3A_332 = vector.shape_cast %get3A_331 : vector<1x16xf32> to vector<16xf32>
      %sub3A_333 = arith.subf %get3A_332, %get3A_328 : vector<16xf32>
      %swap3A_334 = arith.index_cast %scan3A_148 : i32 to index
      %swap3A_335 = arith.constant 176 : index
      %swap3A_336 = tpu.vector_load %arg12[%swap3A_334, %swap3A_335] {strides = array<i32>} : memref<96x256xf32, #tpu.memory_space<vmem>>, vector<1x16xf32>,
      %swap3A_337 = vector.shape_cast %swap3A_336 : vector<1x16xf32> to vector<16xf32>
      %swap3A_338 = vector.shape_cast %sub3A_333 : vector<16xf32> to vector<1x16xf32>
      tpu.vector_store %arg12[%swap3A_334, %swap3A_335], %swap3A_338 {strides = array<i32>} : memref<96x256xf32, #tpu.memory_space<vmem>>, vector<1x16xf32>,
      %mul3A_339 = arith.mulf %sub3A_333, %sub3A_333 : vector<16xf32>
      %add3A_340 = arith.addf %add3A_324, %mul3A_339 : vector<16xf32>
      %get3A_341 = arith.index_cast %scan3A_148 : i32 to index
      %get3A_342 = arith.constant 192 : index
      %get3A_343 = tpu.vector_load %arg10[%get3A_341, %get3A_342] {strides = array<i32>} : memref<96x256xf32, #tpu.memory_space<vmem>>, vector<1x16xf32>,
      %get3A_344 = vector.shape_cast %get3A_343 : vector<1x16xf32> to vector<16xf32>
      %get3A_345 = arith.index_cast %scan3A_148 : i32 to index
      %get3A_346 = arith.constant 192 : index
      %get3A_347 = tpu.vector_load %arg11[%get3A_345, %get3A_346] {strides = array<i32>} : memref<96x256xf32, #tpu.memory_space<vmem>>, vector<1x16xf32>,
      %get3A_348 = vector.shape_cast %get3A_347 : vector<1x16xf32> to vector<16xf32>
      %sub3A_349 = arith.subf %get3A_348, %get3A_344 : vector<16xf32>
      %swap3A_350 = arith.index_cast %scan3A_148 : i32 to index
      %swap3A_351 = arith.constant 192 : index
      %swap3A_352 = tpu.vector_load %arg12[%swap3A_350, %swap3A_351] {strides = array<i32>} : memref<96x256xf32, #tpu.memory_space<vmem>>, vector<1x16xf32>,
      %swap3A_353 = vector.shape_cast %swap3A_352 : vector<1x16xf32> to vector<16xf32>
      %swap3A_354 = vector.shape_cast %sub3A_349 : vector<16xf32> to vector<1x16xf32>
      tpu.vector_store %arg12[%swap3A_350, %swap3A_351], %swap3A_354 {strides = array<i32>} : memref<96x256xf32, #tpu.memory_space<vmem>>, vector<1x16xf32>,
      %mul3A_355 = arith.mulf %sub3A_349, %sub3A_349 : vector<16xf32>
      %add3A_356 = arith.addf %add3A_340, %mul3A_355 : vector<16xf32>
      %get3A_357 = arith.index_cast %scan3A_148 : i32 to index
      %get3A_358 = arith.constant 208 : index
      %get3A_359 = tpu.vector_load %arg10[%get3A_357, %get3A_358] {strides = array<i32>} : memref<96x256xf32, #tpu.memory_space<vmem>>, vector<1x16xf32>,
      %get3A_360 = vector.shape_cast %get3A_359 : vector<1x16xf32> to vector<16xf32>
      %get3A_361 = arith.index_cast %scan3A_148 : i32 to index
      %get3A_362 = arith.constant 208 : index
      %get3A_363 = tpu.vector_load %arg11[%get3A_361, %get3A_362] {strides = array<i32>} : memref<96x256xf32, #tpu.memory_space<vmem>>, vector<1x16xf32>,
      %get3A_364 = vector.shape_cast %get3A_363 : vector<1x16xf32> to vector<16xf32>
      %sub3A_365 = arith.subf %get3A_364, %get3A_360 : vector<16xf32>
      %swap3A_366 = arith.index_cast %scan3A_148 : i32 to index
      %swap3A_367 = arith.constant 208 : index
      %swap3A_368 = tpu.vector_load %arg12[%swap3A_366, %swap3A_367] {strides = array<i32>} : memref<96x256xf32, #tpu.memory_space<vmem>>, vector<1x16xf32>,
      %swap3A_369 = vector.shape_cast %swap3A_368 : vector<1x16xf32> to vector<16xf32>
      %swap3A_370 = vector.shape_cast %sub3A_365 : vector<16xf32> to vector<1x16xf32>
      tpu.vector_store %arg12[%swap3A_366, %swap3A_367], %swap3A_370 {strides = array<i32>} : memref<96x256xf32, #tpu.memory_space<vmem>>, vector<1x16xf32>,
      %mul3A_371 = arith.mulf %sub3A_365, %sub3A_365 : vector<16xf32>
      %add3A_372 = arith.addf %add3A_356, %mul3A_371 : vector<16xf32>
      %get3A_373 = arith.index_cast %scan3A_148 : i32 to index
      %get3A_374 = arith.constant 224 : index
      %get3A_375 = tpu.vector_load %arg10[%get3A_373, %get3A_374] {strides = array<i32>} : memref<96x256xf32, #tpu.memory_space<vmem>>, vector<1x16xf32>,
      %get3A_376 = vector.shape_cast %get3A_375 : vector<1x16xf32> to vector<16xf32>
      %get3A_377 = arith.index_cast %scan3A_148 : i32 to index
      %get3A_378 = arith.constant 224 : index
      %get3A_379 = tpu.vector_load %arg11[%get3A_377, %get3A_378] {strides = array<i32>} : memref<96x256xf32, #tpu.memory_space<vmem>>, vector<1x16xf32>,
      %get3A_380 = vector.shape_cast %get3A_379 : vector<1x16xf32> to vector<16xf32>
      %sub3A_381 = arith.subf %get3A_380, %get3A_376 : vector<16xf32>
      %swap3A_382 = arith.index_cast %scan3A_148 : i32 to index
      %swap3A_383 = arith.constant 224 : index
      %swap3A_384 = tpu.vector_load %arg12[%swap3A_382, %swap3A_383] {strides = array<i32>} : memref<96x256xf32, #tpu.memory_space<vmem>>, vector<1x16xf32>,
      %swap3A_385 = vector.shape_cast %swap3A_384 : vector<1x16xf32> to vector<16xf32>
      %swap3A_386 = vector.shape_cast %sub3A_381 : vector<16xf32> to vector<1x16xf32>
      tpu.vector_store %arg12[%swap3A_382, %swap3A_383], %swap3A_386 {strides = array<i32>} : memref<96x256xf32, #tpu.memory_space<vmem>>, vector<1x16xf32>,
      %mul3A_387 = arith.mulf %sub3A_381, %sub3A_381 : vector<16xf32>
      %add3A_388 = arith.addf %add3A_372, %mul3A_387 : vector<16xf32>
      %get3A_389 = arith.index_cast %scan3A_148 : i32 to index
      %get3A_390 = arith.constant 240 : index
      %get3A_391 = tpu.vector_load %arg10[%get3A_389, %get3A_390] {strides = array<i32>} : memref<96x256xf32, #tpu.memory_space<vmem>>, vector<1x16xf32>,
      %get3A_392 = vector.shape_cast %get3A_391 : vector<1x16xf32> to vector<16xf32>
      %get3A_393 = arith.index_cast %scan3A_148 : i32 to index
      %get3A_394 = arith.constant 240 : index
      %get3A_395 = tpu.vector_load %arg11[%get3A_393, %get3A_394] {strides = array<i32>} : memref<96x256xf32, #tpu.memory_space<vmem>>, vector<1x16xf32>,
      %get3A_396 = vector.shape_cast %get3A_395 : vector<1x16xf32> to vector<16xf32>
      %sub3A_397 = arith.subf %get3A_396, %get3A_392 : vector<16xf32>
      %swap3A_398 = arith.index_cast %scan3A_148 : i32 to index
      %swap3A_399 = arith.constant 240 : index
      %swap3A_400 = tpu.vector_load %arg12[%swap3A_398, %swap3A_399] {strides = array<i32>} : memref<96x256xf32, #tpu.memory_space<vmem>>, vector<1x16xf32>,
      %swap3A_401 = vector.shape_cast %swap3A_400 : vector<1x16xf32> to vector<16xf32>
      %swap3A_402 = vector.shape_cast %sub3A_397 : vector<16xf32> to vector<1x16xf32>
      tpu.vector_store %arg12[%swap3A_398, %swap3A_399], %swap3A_402 {strides = array<i32>} : memref<96x256xf32, #tpu.memory_space<vmem>>, vector<1x16xf32>,
      %mul3A_403 = arith.mulf %sub3A_397, %sub3A_397 : vector<16xf32>
      %add3A_404 = arith.addf %add3A_388, %mul3A_403 : vector<16xf32>
      scf.yield %add3A_404 : vector<16xf32>
    }
    %scan3A_93 = arith.constant 96 : i32
    "tpu.region"() ({
      %run_scoped3A_148 = tpu.sem_alloc : memref<!tpu.dma_semaphore, #tpu.memory_space<semaphore_mem>>
      %dma_start3A_149 = arith.constant 0 : i32
      %dma_start3A_150 = tpu.memref_slice %arg5[%select_n3A, %add3A_76, %dma_start3A_149] : memref<16x576x256xf32, #tpu.memory_space<hbm>> -> memref<1x96x256xf32, #tpu.memory_space<hbm>>
      %dma_start3A_151 = tpu.memref_squeeze %dma_start3A_150 : memref<1x96x256xf32, #tpu.memory_space<hbm>> -> memref<96x256xf32, #tpu.memory_space<hbm>>
      %dma_start3A_152 = arith.constant 0 : i32
      %dma_start3A_153 = tpu.memref_slice %arg5[%select_n3A, %add3A_76, %dma_start3A_152] : memref<16x576x256xf32, #tpu.memory_space<hbm>> -> memref<1x96x256xf32, #tpu.memory_space<hbm>>
      %dma_start3A_154 = tpu.memref_squeeze %dma_start3A_153 : memref<1x96x256xf32, #tpu.memory_space<hbm>> -> memref<96x256xf32, #tpu.memory_space<hbm>>
      tpu.enqueue_dma source(%arg10 : memref<96x256xf32, #tpu.memory_space<vmem>>) target(%dma_start3A_154 : memref<96x256xf32, #tpu.memory_space<hbm>>) target_semaphore(%run_scoped3A_148 : memref<!tpu.dma_semaphore, #tpu.memory_space<semaphore_mem>>)
      %dma_wait3A_155 = arith.constant 0 : i32
      %dma_wait3A_156 = tpu.memref_slice %arg5[%select_n3A, %add3A_76, %dma_wait3A_155] : memref<16x576x256xf32, #tpu.memory_space<hbm>> -> memref<1x96x256xf32, #tpu.memory_space<hbm>>
      %dma_wait3A_157 = tpu.memref_squeeze %dma_wait3A_156 : memref<1x96x256xf32, #tpu.memory_space<hbm>> -> memref<96x256xf32, #tpu.memory_space<hbm>>
      %dma_wait3A_158 = arith.constant 0 : i32
      %dma_wait3A_159 = tpu.memref_slice %arg5[%select_n3A, %add3A_76, %dma_wait3A_158] : memref<16x576x256xf32, #tpu.memory_space<hbm>> -> memref<1x96x256xf32, #tpu.memory_space<hbm>>
      %dma_wait3A_160 = tpu.memref_squeeze %dma_wait3A_159 : memref<1x96x256xf32, #tpu.memory_space<hbm>> -> memref<96x256xf32, #tpu.memory_space<hbm>>
      tpu.wait_dma2 semaphore(%run_scoped3A_148 : memref<!tpu.dma_semaphore, #tpu.memory_space<semaphore_mem>>) src(%arg10 : memref<96x256xf32, #tpu.memory_space<vmem>>) dst(%dma_wait3A_160 : memref<96x256xf32, #tpu.memory_space<hbm>>)
      tpu.yield
    }) : () -> ()
    "tpu.region"() ({
      %run_scoped3A_148 = tpu.sem_alloc : memref<!tpu.dma_semaphore, #tpu.memory_space<semaphore_mem>>
      %dma_start3A_149 = arith.constant 0 : i32
      %dma_start3A_150 = tpu.memref_slice %arg6[%select_n3A, %add3A_76, %dma_start3A_149] : memref<16x576x256xf32, #tpu.memory_space<hbm>> -> memref<1x96x256xf32, #tpu.memory_space<hbm>>
      %dma_start3A_151 = tpu.memref_squeeze %dma_start3A_150 : memref<1x96x256xf32, #tpu.memory_space<hbm>> -> memref<96x256xf32, #tpu.memory_space<hbm>>
      %dma_start3A_152 = arith.constant 0 : i32
      %dma_start3A_153 = tpu.memref_slice %arg6[%select_n3A, %add3A_76, %dma_start3A_152] : memref<16x576x256xf32, #tpu.memory_space<hbm>> -> memref<1x96x256xf32, #tpu.memory_space<hbm>>
      %dma_start3A_154 = tpu.memref_squeeze %dma_start3A_153 : memref<1x96x256xf32, #tpu.memory_space<hbm>> -> memref<96x256xf32, #tpu.memory_space<hbm>>
      tpu.enqueue_dma source(%arg12 : memref<96x256xf32, #tpu.memory_space<vmem>>) target(%dma_start3A_154 : memref<96x256xf32, #tpu.memory_space<hbm>>) target_semaphore(%run_scoped3A_148 : memref<!tpu.dma_semaphore, #tpu.memory_space<semaphore_mem>>)
      %dma_wait3A_155 = arith.constant 0 : i32
      %dma_wait3A_156 = tpu.memref_slice %arg6[%select_n3A, %add3A_76, %dma_wait3A_155] : memref<16x576x256xf32, #tpu.memory_space<hbm>> -> memref<1x96x256xf32, #tpu.memory_space<hbm>>
      %dma_wait3A_157 = tpu.memref_squeeze %dma_wait3A_156 : memref<1x96x256xf32, #tpu.memory_space<hbm>> -> memref<96x256xf32, #tpu.memory_space<hbm>>
      %dma_wait3A_158 = arith.constant 0 : i32
      %dma_wait3A_159 = tpu.memref_slice %arg6[%select_n3A, %add3A_76, %dma_wait3A_158] : memref<16x576x256xf32, #tpu.memory_space<hbm>> -> memref<1x96x256xf32, #tpu.memory_space<hbm>>
      %dma_wait3A_160 = tpu.memref_squeeze %dma_wait3A_159 : memref<1x96x256xf32, #tpu.memory_space<hbm>> -> memref<96x256xf32, #tpu.memory_space<hbm>>
      tpu.wait_dma2 semaphore(%run_scoped3A_148 : memref<!tpu.dma_semaphore, #tpu.memory_space<semaphore_mem>>) src(%arg12 : memref<96x256xf32, #tpu.memory_space<vmem>>) dst(%dma_wait3A_160 : memref<96x256xf32, #tpu.memory_space<hbm>>)
      tpu.yield
    }) : () -> ()
    %add3A_94 = arith.constant 96 : i32
    %add3A_95 = arith.addi %mul3A_34, %add3A_94 : i32
    "tpu.region"() ({
      %run_scoped3A_148 = tpu.sem_alloc : memref<!tpu.dma_semaphore, #tpu.memory_space<semaphore_mem>>
      %dma_start3A_149 = arith.constant 0 : i32
      %dma_start3A_150 = tpu.memref_slice %arg3[%select_n3A, %add3A_95, %dma_start3A_149] : memref<16x576x256xf32, #tpu.memory_space<hbm>> -> memref<1x96x256xf32, #tpu.memory_space<hbm>>
      %dma_start3A_151 = tpu.memref_squeeze %dma_start3A_150 : memref<1x96x256xf32, #tpu.memory_space<hbm>> -> memref<96x256xf32, #tpu.memory_space<hbm>>
      %dma_start3A_152 = arith.constant 0 : i32
      %dma_start3A_153 = tpu.memref_slice %arg3[%select_n3A, %add3A_95, %dma_start3A_152] : memref<16x576x256xf32, #tpu.memory_space<hbm>> -> memref<1x96x256xf32, #tpu.memory_space<hbm>>
      %dma_start3A_154 = tpu.memref_squeeze %dma_start3A_153 : memref<1x96x256xf32, #tpu.memory_space<hbm>> -> memref<96x256xf32, #tpu.memory_space<hbm>>
      tpu.enqueue_dma source(%dma_start3A_154 : memref<96x256xf32, #tpu.memory_space<hbm>>) target(%arg11 : memref<96x256xf32, #tpu.memory_space<vmem>>) target_semaphore(%run_scoped3A_148 : memref<!tpu.dma_semaphore, #tpu.memory_space<semaphore_mem>>)
      %dma_wait3A_155 = arith.constant 0 : i32
      %dma_wait3A_156 = tpu.memref_slice %arg3[%select_n3A, %add3A_95, %dma_wait3A_155] : memref<16x576x256xf32, #tpu.memory_space<hbm>> -> memref<1x96x256xf32, #tpu.memory_space<hbm>>
      %dma_wait3A_157 = tpu.memref_squeeze %dma_wait3A_156 : memref<1x96x256xf32, #tpu.memory_space<hbm>> -> memref<96x256xf32, #tpu.memory_space<hbm>>
      %dma_wait3A_158 = arith.constant 0 : i32
      %dma_wait3A_159 = tpu.memref_slice %arg3[%select_n3A, %add3A_95, %dma_wait3A_158] : memref<16x576x256xf32, #tpu.memory_space<hbm>> -> memref<1x96x256xf32, #tpu.memory_space<hbm>>
      %dma_wait3A_160 = tpu.memref_squeeze %dma_wait3A_159 : memref<1x96x256xf32, #tpu.memory_space<hbm>> -> memref<96x256xf32, #tpu.memory_space<hbm>>
      tpu.wait_dma2 semaphore(%run_scoped3A_148 : memref<!tpu.dma_semaphore, #tpu.memory_space<semaphore_mem>>) src(%dma_wait3A_160 : memref<96x256xf32, #tpu.memory_space<hbm>>) dst(%arg11 : memref<96x256xf32, #tpu.memory_space<vmem>>)
      tpu.yield
    }) : () -> ()
    %dma_start3A_96 = arith.constant 1 : i32
    %dma_start3A_97 = arith.constant 0 : i32
    %dma_start3A_98 = tpu.memref_slice %arg9[%dma_start3A_96, %dma_start3A_97] : memref<3x96xi32, #tpu.memory_space<vmem>> -> memref<1x96xi32, #tpu.memory_space<vmem>>
    %dma_start3A_99 = tpu.memref_squeeze %dma_start3A_98 : memref<1x96xi32, #tpu.memory_space<vmem>> -> memref<96xi32, #tpu.memory_space<vmem>>
    %dma_start3A_100 = arith.constant 0 : i32
    %dma_start3A_101 = arith.constant 0 : i32
    %dma_start3A_102 = tpu.memref_slice %arg4[%dma_start3A_100, %dma_start3A_101] : memref<8192x256xf32, #tpu.memory_space<hbm>> -> memref<8192x256xf32, #tpu.memory_space<hbm>>
    tpu.enqueue_indirect_dma source(%dma_start3A_102 : memref<8192x256xf32, #tpu.memory_space<hbm>>) target(%arg10 : memref<96x256xf32, #tpu.memory_space<vmem>>) offsets(%dma_start3A_99 : memref<96xi32, #tpu.memory_space<vmem>>) semaphore(%arg17 : memref<!tpu.dma_semaphore, #tpu.memory_space<semaphore_mem>>)
    %dma_wait3A_103 = arith.constant 1 : i32
    %dma_wait3A_104 = arith.constant 0 : i32
    %dma_wait3A_105 = tpu.memref_slice %arg9[%dma_wait3A_103, %dma_wait3A_104] : memref<3x96xi32, #tpu.memory_space<vmem>> -> memref<1x96xi32, #tpu.memory_space<vmem>>
    %dma_wait3A_106 = tpu.memref_squeeze %dma_wait3A_105 : memref<1x96xi32, #tpu.memory_space<vmem>> -> memref<96xi32, #tpu.memory_space<vmem>>
    %dma_wait3A_107 = arith.constant 0 : i32
    %dma_wait3A_108 = arith.constant 0 : i32
    %dma_wait3A_109 = tpu.memref_slice %arg4[%dma_wait3A_107, %dma_wait3A_108] : memref<8192x256xf32, #tpu.memory_space<hbm>> -> memref<8192x256xf32, #tpu.memory_space<hbm>>
    tpu.wait_indirect_dma semaphore(%arg17 : memref<!tpu.dma_semaphore, #tpu.memory_space<semaphore_mem>>) src(%dma_wait3A_109 : memref<8192x256xf32, #tpu.memory_space<hbm>>) dst(%arg10 : memref<96x256xf32, #tpu.memory_space<vmem>>)
    %scan3A_110 = arith.constant 0 : i32
    %scan3A_111 = arith.constant 96 : i32
    %scan3A_112 = arith.addi %scan3A_110, %scan3A_111 : i32
    %scan3A_113 = arith.constant 1 : i32
    %scan3A_114 = scf.for %scan3A_148 = %scan3A_110 to %scan3A_112 step %scan3A_113 iter_args(%scan3A_149 = %scan3A_92) -> (vector<16xf32>)  : i32 {
      %get3A = arith.index_cast %scan3A_148 : i32 to index
      %get3A_150 = arith.constant 0 : index
      %get3A_151 = tpu.vector_load %arg10[%get3A, %get3A_150] {strides = array<i32>} : memref<96x256xf32, #tpu.memory_space<vmem>>, vector<1x16xf32>,
      %get3A_152 = vector.shape_cast %get3A_151 : vector<1x16xf32> to vector<16xf32>
      %get3A_153 = arith.index_cast %scan3A_148 : i32 to index
      %get3A_154 = arith.constant 0 : index
      %get3A_155 = tpu.vector_load %arg11[%get3A_153, %get3A_154] {strides = array<i32>} : memref<96x256xf32, #tpu.memory_space<vmem>>, vector<1x16xf32>,
      %get3A_156 = vector.shape_cast %get3A_155 : vector<1x16xf32> to vector<16xf32>
      %sub3A_157 = arith.subf %get3A_156, %get3A_152 : vector<16xf32>
      %swap3A_158 = arith.index_cast %scan3A_148 : i32 to index
      %swap3A_159 = arith.constant 0 : index
      %swap3A_160 = tpu.vector_load %arg12[%swap3A_158, %swap3A_159] {strides = array<i32>} : memref<96x256xf32, #tpu.memory_space<vmem>>, vector<1x16xf32>,
      %swap3A_161 = vector.shape_cast %swap3A_160 : vector<1x16xf32> to vector<16xf32>
      %swap3A_162 = vector.shape_cast %sub3A_157 : vector<16xf32> to vector<1x16xf32>
      tpu.vector_store %arg12[%swap3A_158, %swap3A_159], %swap3A_162 {strides = array<i32>} : memref<96x256xf32, #tpu.memory_space<vmem>>, vector<1x16xf32>,
      %mul3A_163 = arith.mulf %sub3A_157, %sub3A_157 : vector<16xf32>
      %add3A_164 = arith.addf %scan3A_149, %mul3A_163 : vector<16xf32>
      %get3A_165 = arith.index_cast %scan3A_148 : i32 to index
      %get3A_166 = arith.constant 16 : index
      %get3A_167 = tpu.vector_load %arg10[%get3A_165, %get3A_166] {strides = array<i32>} : memref<96x256xf32, #tpu.memory_space<vmem>>, vector<1x16xf32>,
      %get3A_168 = vector.shape_cast %get3A_167 : vector<1x16xf32> to vector<16xf32>
      %get3A_169 = arith.index_cast %scan3A_148 : i32 to index
      %get3A_170 = arith.constant 16 : index
      %get3A_171 = tpu.vector_load %arg11[%get3A_169, %get3A_170] {strides = array<i32>} : memref<96x256xf32, #tpu.memory_space<vmem>>, vector<1x16xf32>,
      %get3A_172 = vector.shape_cast %get3A_171 : vector<1x16xf32> to vector<16xf32>
      %sub3A_173 = arith.subf %get3A_172, %get3A_168 : vector<16xf32>
      %swap3A_174 = arith.index_cast %scan3A_148 : i32 to index
      %swap3A_175 = arith.constant 16 : index
      %swap3A_176 = tpu.vector_load %arg12[%swap3A_174, %swap3A_175] {strides = array<i32>} : memref<96x256xf32, #tpu.memory_space<vmem>>, vector<1x16xf32>,
      %swap3A_177 = vector.shape_cast %swap3A_176 : vector<1x16xf32> to vector<16xf32>
      %swap3A_178 = vector.shape_cast %sub3A_173 : vector<16xf32> to vector<1x16xf32>
      tpu.vector_store %arg12[%swap3A_174, %swap3A_175], %swap3A_178 {strides = array<i32>} : memref<96x256xf32, #tpu.memory_space<vmem>>, vector<1x16xf32>,
      %mul3A_179 = arith.mulf %sub3A_173, %sub3A_173 : vector<16xf32>
      %add3A_180 = arith.addf %add3A_164, %mul3A_179 : vector<16xf32>
      %get3A_181 = arith.index_cast %scan3A_148 : i32 to index
      %get3A_182 = arith.constant 32 : index
      %get3A_183 = tpu.vector_load %arg10[%get3A_181, %get3A_182] {strides = array<i32>} : memref<96x256xf32, #tpu.memory_space<vmem>>, vector<1x16xf32>,
      %get3A_184 = vector.shape_cast %get3A_183 : vector<1x16xf32> to vector<16xf32>
      %get3A_185 = arith.index_cast %scan3A_148 : i32 to index
      %get3A_186 = arith.constant 32 : index
      %get3A_187 = tpu.vector_load %arg11[%get3A_185, %get3A_186] {strides = array<i32>} : memref<96x256xf32, #tpu.memory_space<vmem>>, vector<1x16xf32>,
      %get3A_188 = vector.shape_cast %get3A_187 : vector<1x16xf32> to vector<16xf32>
      %sub3A_189 = arith.subf %get3A_188, %get3A_184 : vector<16xf32>
      %swap3A_190 = arith.index_cast %scan3A_148 : i32 to index
      %swap3A_191 = arith.constant 32 : index
      %swap3A_192 = tpu.vector_load %arg12[%swap3A_190, %swap3A_191] {strides = array<i32>} : memref<96x256xf32, #tpu.memory_space<vmem>>, vector<1x16xf32>,
      %swap3A_193 = vector.shape_cast %swap3A_192 : vector<1x16xf32> to vector<16xf32>
      %swap3A_194 = vector.shape_cast %sub3A_189 : vector<16xf32> to vector<1x16xf32>
      tpu.vector_store %arg12[%swap3A_190, %swap3A_191], %swap3A_194 {strides = array<i32>} : memref<96x256xf32, #tpu.memory_space<vmem>>, vector<1x16xf32>,
      %mul3A_195 = arith.mulf %sub3A_189, %sub3A_189 : vector<16xf32>
      %add3A_196 = arith.addf %add3A_180, %mul3A_195 : vector<16xf32>
      %get3A_197 = arith.index_cast %scan3A_148 : i32 to index
      %get3A_198 = arith.constant 48 : index
      %get3A_199 = tpu.vector_load %arg10[%get3A_197, %get3A_198] {strides = array<i32>} : memref<96x256xf32, #tpu.memory_space<vmem>>, vector<1x16xf32>,
      %get3A_200 = vector.shape_cast %get3A_199 : vector<1x16xf32> to vector<16xf32>
      %get3A_201 = arith.index_cast %scan3A_148 : i32 to index
      %get3A_202 = arith.constant 48 : index
      %get3A_203 = tpu.vector_load %arg11[%get3A_201, %get3A_202] {strides = array<i32>} : memref<96x256xf32, #tpu.memory_space<vmem>>, vector<1x16xf32>,
      %get3A_204 = vector.shape_cast %get3A_203 : vector<1x16xf32> to vector<16xf32>
      %sub3A_205 = arith.subf %get3A_204, %get3A_200 : vector<16xf32>
      %swap3A_206 = arith.index_cast %scan3A_148 : i32 to index
      %swap3A_207 = arith.constant 48 : index
      %swap3A_208 = tpu.vector_load %arg12[%swap3A_206, %swap3A_207] {strides = array<i32>} : memref<96x256xf32, #tpu.memory_space<vmem>>, vector<1x16xf32>,
      %swap3A_209 = vector.shape_cast %swap3A_208 : vector<1x16xf32> to vector<16xf32>
      %swap3A_210 = vector.shape_cast %sub3A_205 : vector<16xf32> to vector<1x16xf32>
      tpu.vector_store %arg12[%swap3A_206, %swap3A_207], %swap3A_210 {strides = array<i32>} : memref<96x256xf32, #tpu.memory_space<vmem>>, vector<1x16xf32>,
      %mul3A_211 = arith.mulf %sub3A_205, %sub3A_205 : vector<16xf32>
      %add3A_212 = arith.addf %add3A_196, %mul3A_211 : vector<16xf32>
      %get3A_213 = arith.index_cast %scan3A_148 : i32 to index
      %get3A_214 = arith.constant 64 : index
      %get3A_215 = tpu.vector_load %arg10[%get3A_213, %get3A_214] {strides = array<i32>} : memref<96x256xf32, #tpu.memory_space<vmem>>, vector<1x16xf32>,
      %get3A_216 = vector.shape_cast %get3A_215 : vector<1x16xf32> to vector<16xf32>
      %get3A_217 = arith.index_cast %scan3A_148 : i32 to index
      %get3A_218 = arith.constant 64 : index
      %get3A_219 = tpu.vector_load %arg11[%get3A_217, %get3A_218] {strides = array<i32>} : memref<96x256xf32, #tpu.memory_space<vmem>>, vector<1x16xf32>,
      %get3A_220 = vector.shape_cast %get3A_219 : vector<1x16xf32> to vector<16xf32>
      %sub3A_221 = arith.subf %get3A_220, %get3A_216 : vector<16xf32>
      %swap3A_222 = arith.index_cast %scan3A_148 : i32 to index
      %swap3A_223 = arith.constant 64 : index
      %swap3A_224 = tpu.vector_load %arg12[%swap3A_222, %swap3A_223] {strides = array<i32>} : memref<96x256xf32, #tpu.memory_space<vmem>>, vector<1x16xf32>,
      %swap3A_225 = vector.shape_cast %swap3A_224 : vector<1x16xf32> to vector<16xf32>
      %swap3A_226 = vector.shape_cast %sub3A_221 : vector<16xf32> to vector<1x16xf32>
      tpu.vector_store %arg12[%swap3A_222, %swap3A_223], %swap3A_226 {strides = array<i32>} : memref<96x256xf32, #tpu.memory_space<vmem>>, vector<1x16xf32>,
      %mul3A_227 = arith.mulf %sub3A_221, %sub3A_221 : vector<16xf32>
      %add3A_228 = arith.addf %add3A_212, %mul3A_227 : vector<16xf32>
      %get3A_229 = arith.index_cast %scan3A_148 : i32 to index
      %get3A_230 = arith.constant 80 : index
      %get3A_231 = tpu.vector_load %arg10[%get3A_229, %get3A_230] {strides = array<i32>} : memref<96x256xf32, #tpu.memory_space<vmem>>, vector<1x16xf32>,
      %get3A_232 = vector.shape_cast %get3A_231 : vector<1x16xf32> to vector<16xf32>
      %get3A_233 = arith.index_cast %scan3A_148 : i32 to index
      %get3A_234 = arith.constant 80 : index
      %get3A_235 = tpu.vector_load %arg11[%get3A_233, %get3A_234] {strides = array<i32>} : memref<96x256xf32, #tpu.memory_space<vmem>>, vector<1x16xf32>,
      %get3A_236 = vector.shape_cast %get3A_235 : vector<1x16xf32> to vector<16xf32>
      %sub3A_237 = arith.subf %get3A_236, %get3A_232 : vector<16xf32>
      %swap3A_238 = arith.index_cast %scan3A_148 : i32 to index
      %swap3A_239 = arith.constant 80 : index
      %swap3A_240 = tpu.vector_load %arg12[%swap3A_238, %swap3A_239] {strides = array<i32>} : memref<96x256xf32, #tpu.memory_space<vmem>>, vector<1x16xf32>,
      %swap3A_241 = vector.shape_cast %swap3A_240 : vector<1x16xf32> to vector<16xf32>
      %swap3A_242 = vector.shape_cast %sub3A_237 : vector<16xf32> to vector<1x16xf32>
      tpu.vector_store %arg12[%swap3A_238, %swap3A_239], %swap3A_242 {strides = array<i32>} : memref<96x256xf32, #tpu.memory_space<vmem>>, vector<1x16xf32>,
      %mul3A_243 = arith.mulf %sub3A_237, %sub3A_237 : vector<16xf32>
      %add3A_244 = arith.addf %add3A_228, %mul3A_243 : vector<16xf32>
      %get3A_245 = arith.index_cast %scan3A_148 : i32 to index
      %get3A_246 = arith.constant 96 : index
      %get3A_247 = tpu.vector_load %arg10[%get3A_245, %get3A_246] {strides = array<i32>} : memref<96x256xf32, #tpu.memory_space<vmem>>, vector<1x16xf32>,
      %get3A_248 = vector.shape_cast %get3A_247 : vector<1x16xf32> to vector<16xf32>
      %get3A_249 = arith.index_cast %scan3A_148 : i32 to index
      %get3A_250 = arith.constant 96 : index
      %get3A_251 = tpu.vector_load %arg11[%get3A_249, %get3A_250] {strides = array<i32>} : memref<96x256xf32, #tpu.memory_space<vmem>>, vector<1x16xf32>,
      %get3A_252 = vector.shape_cast %get3A_251 : vector<1x16xf32> to vector<16xf32>
      %sub3A_253 = arith.subf %get3A_252, %get3A_248 : vector<16xf32>
      %swap3A_254 = arith.index_cast %scan3A_148 : i32 to index
      %swap3A_255 = arith.constant 96 : index
      %swap3A_256 = tpu.vector_load %arg12[%swap3A_254, %swap3A_255] {strides = array<i32>} : memref<96x256xf32, #tpu.memory_space<vmem>>, vector<1x16xf32>,
      %swap3A_257 = vector.shape_cast %swap3A_256 : vector<1x16xf32> to vector<16xf32>
      %swap3A_258 = vector.shape_cast %sub3A_253 : vector<16xf32> to vector<1x16xf32>
      tpu.vector_store %arg12[%swap3A_254, %swap3A_255], %swap3A_258 {strides = array<i32>} : memref<96x256xf32, #tpu.memory_space<vmem>>, vector<1x16xf32>,
      %mul3A_259 = arith.mulf %sub3A_253, %sub3A_253 : vector<16xf32>
      %add3A_260 = arith.addf %add3A_244, %mul3A_259 : vector<16xf32>
      %get3A_261 = arith.index_cast %scan3A_148 : i32 to index
      %get3A_262 = arith.constant 112 : index
      %get3A_263 = tpu.vector_load %arg10[%get3A_261, %get3A_262] {strides = array<i32>} : memref<96x256xf32, #tpu.memory_space<vmem>>, vector<1x16xf32>,
      %get3A_264 = vector.shape_cast %get3A_263 : vector<1x16xf32> to vector<16xf32>
      %get3A_265 = arith.index_cast %scan3A_148 : i32 to index
      %get3A_266 = arith.constant 112 : index
      %get3A_267 = tpu.vector_load %arg11[%get3A_265, %get3A_266] {strides = array<i32>} : memref<96x256xf32, #tpu.memory_space<vmem>>, vector<1x16xf32>,
      %get3A_268 = vector.shape_cast %get3A_267 : vector<1x16xf32> to vector<16xf32>
      %sub3A_269 = arith.subf %get3A_268, %get3A_264 : vector<16xf32>
      %swap3A_270 = arith.index_cast %scan3A_148 : i32 to index
      %swap3A_271 = arith.constant 112 : index
      %swap3A_272 = tpu.vector_load %arg12[%swap3A_270, %swap3A_271] {strides = array<i32>} : memref<96x256xf32, #tpu.memory_space<vmem>>, vector<1x16xf32>,
      %swap3A_273 = vector.shape_cast %swap3A_272 : vector<1x16xf32> to vector<16xf32>
      %swap3A_274 = vector.shape_cast %sub3A_269 : vector<16xf32> to vector<1x16xf32>
      tpu.vector_store %arg12[%swap3A_270, %swap3A_271], %swap3A_274 {strides = array<i32>} : memref<96x256xf32, #tpu.memory_space<vmem>>, vector<1x16xf32>,
      %mul3A_275 = arith.mulf %sub3A_269, %sub3A_269 : vector<16xf32>
      %add3A_276 = arith.addf %add3A_260, %mul3A_275 : vector<16xf32>
      %get3A_277 = arith.index_cast %scan3A_148 : i32 to index
      %get3A_278 = arith.constant 128 : index
      %get3A_279 = tpu.vector_load %arg10[%get3A_277, %get3A_278] {strides = array<i32>} : memref<96x256xf32, #tpu.memory_space<vmem>>, vector<1x16xf32>,
      %get3A_280 = vector.shape_cast %get3A_279 : vector<1x16xf32> to vector<16xf32>
      %get3A_281 = arith.index_cast %scan3A_148 : i32 to index
      %get3A_282 = arith.constant 128 : index
      %get3A_283 = tpu.vector_load %arg11[%get3A_281, %get3A_282] {strides = array<i32>} : memref<96x256xf32, #tpu.memory_space<vmem>>, vector<1x16xf32>,
      %get3A_284 = vector.shape_cast %get3A_283 : vector<1x16xf32> to vector<16xf32>
      %sub3A_285 = arith.subf %get3A_284, %get3A_280 : vector<16xf32>
      %swap3A_286 = arith.index_cast %scan3A_148 : i32 to index
      %swap3A_287 = arith.constant 128 : index
      %swap3A_288 = tpu.vector_load %arg12[%swap3A_286, %swap3A_287] {strides = array<i32>} : memref<96x256xf32, #tpu.memory_space<vmem>>, vector<1x16xf32>,
      %swap3A_289 = vector.shape_cast %swap3A_288 : vector<1x16xf32> to vector<16xf32>
      %swap3A_290 = vector.shape_cast %sub3A_285 : vector<16xf32> to vector<1x16xf32>
      tpu.vector_store %arg12[%swap3A_286, %swap3A_287], %swap3A_290 {strides = array<i32>} : memref<96x256xf32, #tpu.memory_space<vmem>>, vector<1x16xf32>,
      %mul3A_291 = arith.mulf %sub3A_285, %sub3A_285 : vector<16xf32>
      %add3A_292 = arith.addf %add3A_276, %mul3A_291 : vector<16xf32>
      %get3A_293 = arith.index_cast %scan3A_148 : i32 to index
      %get3A_294 = arith.constant 144 : index
      %get3A_295 = tpu.vector_load %arg10[%get3A_293, %get3A_294] {strides = array<i32>} : memref<96x256xf32, #tpu.memory_space<vmem>>, vector<1x16xf32>,
      %get3A_296 = vector.shape_cast %get3A_295 : vector<1x16xf32> to vector<16xf32>
      %get3A_297 = arith.index_cast %scan3A_148 : i32 to index
      %get3A_298 = arith.constant 144 : index
      %get3A_299 = tpu.vector_load %arg11[%get3A_297, %get3A_298] {strides = array<i32>} : memref<96x256xf32, #tpu.memory_space<vmem>>, vector<1x16xf32>,
      %get3A_300 = vector.shape_cast %get3A_299 : vector<1x16xf32> to vector<16xf32>
      %sub3A_301 = arith.subf %get3A_300, %get3A_296 : vector<16xf32>
      %swap3A_302 = arith.index_cast %scan3A_148 : i32 to index
      %swap3A_303 = arith.constant 144 : index
      %swap3A_304 = tpu.vector_load %arg12[%swap3A_302, %swap3A_303] {strides = array<i32>} : memref<96x256xf32, #tpu.memory_space<vmem>>, vector<1x16xf32>,
      %swap3A_305 = vector.shape_cast %swap3A_304 : vector<1x16xf32> to vector<16xf32>
      %swap3A_306 = vector.shape_cast %sub3A_301 : vector<16xf32> to vector<1x16xf32>
      tpu.vector_store %arg12[%swap3A_302, %swap3A_303], %swap3A_306 {strides = array<i32>} : memref<96x256xf32, #tpu.memory_space<vmem>>, vector<1x16xf32>,
      %mul3A_307 = arith.mulf %sub3A_301, %sub3A_301 : vector<16xf32>
      %add3A_308 = arith.addf %add3A_292, %mul3A_307 : vector<16xf32>
      %get3A_309 = arith.index_cast %scan3A_148 : i32 to index
      %get3A_310 = arith.constant 160 : index
      %get3A_311 = tpu.vector_load %arg10[%get3A_309, %get3A_310] {strides = array<i32>} : memref<96x256xf32, #tpu.memory_space<vmem>>, vector<1x16xf32>,
      %get3A_312 = vector.shape_cast %get3A_311 : vector<1x16xf32> to vector<16xf32>
      %get3A_313 = arith.index_cast %scan3A_148 : i32 to index
      %get3A_314 = arith.constant 160 : index
      %get3A_315 = tpu.vector_load %arg11[%get3A_313, %get3A_314] {strides = array<i32>} : memref<96x256xf32, #tpu.memory_space<vmem>>, vector<1x16xf32>,
      %get3A_316 = vector.shape_cast %get3A_315 : vector<1x16xf32> to vector<16xf32>
      %sub3A_317 = arith.subf %get3A_316, %get3A_312 : vector<16xf32>
      %swap3A_318 = arith.index_cast %scan3A_148 : i32 to index
      %swap3A_319 = arith.constant 160 : index
      %swap3A_320 = tpu.vector_load %arg12[%swap3A_318, %swap3A_319] {strides = array<i32>} : memref<96x256xf32, #tpu.memory_space<vmem>>, vector<1x16xf32>,
      %swap3A_321 = vector.shape_cast %swap3A_320 : vector<1x16xf32> to vector<16xf32>
      %swap3A_322 = vector.shape_cast %sub3A_317 : vector<16xf32> to vector<1x16xf32>
      tpu.vector_store %arg12[%swap3A_318, %swap3A_319], %swap3A_322 {strides = array<i32>} : memref<96x256xf32, #tpu.memory_space<vmem>>, vector<1x16xf32>,
      %mul3A_323 = arith.mulf %sub3A_317, %sub3A_317 : vector<16xf32>
      %add3A_324 = arith.addf %add3A_308, %mul3A_323 : vector<16xf32>
      %get3A_325 = arith.index_cast %scan3A_148 : i32 to index
      %get3A_326 = arith.constant 176 : index
      %get3A_327 = tpu.vector_load %arg10[%get3A_325, %get3A_326] {strides = array<i32>} : memref<96x256xf32, #tpu.memory_space<vmem>>, vector<1x16xf32>,
      %get3A_328 = vector.shape_cast %get3A_327 : vector<1x16xf32> to vector<16xf32>
      %get3A_329 = arith.index_cast %scan3A_148 : i32 to index
      %get3A_330 = arith.constant 176 : index
      %get3A_331 = tpu.vector_load %arg11[%get3A_329, %get3A_330] {strides = array<i32>} : memref<96x256xf32, #tpu.memory_space<vmem>>, vector<1x16xf32>,
      %get3A_332 = vector.shape_cast %get3A_331 : vector<1x16xf32> to vector<16xf32>
      %sub3A_333 = arith.subf %get3A_332, %get3A_328 : vector<16xf32>
      %swap3A_334 = arith.index_cast %scan3A_148 : i32 to index
      %swap3A_335 = arith.constant 176 : index
      %swap3A_336 = tpu.vector_load %arg12[%swap3A_334, %swap3A_335] {strides = array<i32>} : memref<96x256xf32, #tpu.memory_space<vmem>>, vector<1x16xf32>,
      %swap3A_337 = vector.shape_cast %swap3A_336 : vector<1x16xf32> to vector<16xf32>
      %swap3A_338 = vector.shape_cast %sub3A_333 : vector<16xf32> to vector<1x16xf32>
      tpu.vector_store %arg12[%swap3A_334, %swap3A_335], %swap3A_338 {strides = array<i32>} : memref<96x256xf32, #tpu.memory_space<vmem>>, vector<1x16xf32>,
      %mul3A_339 = arith.mulf %sub3A_333, %sub3A_333 : vector<16xf32>
      %add3A_340 = arith.addf %add3A_324, %mul3A_339 : vector<16xf32>
      %get3A_341 = arith.index_cast %scan3A_148 : i32 to index
      %get3A_342 = arith.constant 192 : index
      %get3A_343 = tpu.vector_load %arg10[%get3A_341, %get3A_342] {strides = array<i32>} : memref<96x256xf32, #tpu.memory_space<vmem>>, vector<1x16xf32>,
      %get3A_344 = vector.shape_cast %get3A_343 : vector<1x16xf32> to vector<16xf32>
      %get3A_345 = arith.index_cast %scan3A_148 : i32 to index
      %get3A_346 = arith.constant 192 : index
      %get3A_347 = tpu.vector_load %arg11[%get3A_345, %get3A_346] {strides = array<i32>} : memref<96x256xf32, #tpu.memory_space<vmem>>, vector<1x16xf32>,
      %get3A_348 = vector.shape_cast %get3A_347 : vector<1x16xf32> to vector<16xf32>
      %sub3A_349 = arith.subf %get3A_348, %get3A_344 : vector<16xf32>
      %swap3A_350 = arith.index_cast %scan3A_148 : i32 to index
      %swap3A_351 = arith.constant 192 : index
      %swap3A_352 = tpu.vector_load %arg12[%swap3A_350, %swap3A_351] {strides = array<i32>} : memref<96x256xf32, #tpu.memory_space<vmem>>, vector<1x16xf32>,
      %swap3A_353 = vector.shape_cast %swap3A_352 : vector<1x16xf32> to vector<16xf32>
      %swap3A_354 = vector.shape_cast %sub3A_349 : vector<16xf32> to vector<1x16xf32>
      tpu.vector_store %arg12[%swap3A_350, %swap3A_351], %swap3A_354 {strides = array<i32>} : memref<96x256xf32, #tpu.memory_space<vmem>>, vector<1x16xf32>,
      %mul3A_355 = arith.mulf %sub3A_349, %sub3A_349 : vector<16xf32>
      %add3A_356 = arith.addf %add3A_340, %mul3A_355 : vector<16xf32>
      %get3A_357 = arith.index_cast %scan3A_148 : i32 to index
      %get3A_358 = arith.constant 208 : index
      %get3A_359 = tpu.vector_load %arg10[%get3A_357, %get3A_358] {strides = array<i32>} : memref<96x256xf32, #tpu.memory_space<vmem>>, vector<1x16xf32>,
      %get3A_360 = vector.shape_cast %get3A_359 : vector<1x16xf32> to vector<16xf32>
      %get3A_361 = arith.index_cast %scan3A_148 : i32 to index
      %get3A_362 = arith.constant 208 : index
      %get3A_363 = tpu.vector_load %arg11[%get3A_361, %get3A_362] {strides = array<i32>} : memref<96x256xf32, #tpu.memory_space<vmem>>, vector<1x16xf32>,
      %get3A_364 = vector.shape_cast %get3A_363 : vector<1x16xf32> to vector<16xf32>
      %sub3A_365 = arith.subf %get3A_364, %get3A_360 : vector<16xf32>
      %swap3A_366 = arith.index_cast %scan3A_148 : i32 to index
      %swap3A_367 = arith.constant 208 : index
      %swap3A_368 = tpu.vector_load %arg12[%swap3A_366, %swap3A_367] {strides = array<i32>} : memref<96x256xf32, #tpu.memory_space<vmem>>, vector<1x16xf32>,
      %swap3A_369 = vector.shape_cast %swap3A_368 : vector<1x16xf32> to vector<16xf32>
      %swap3A_370 = vector.shape_cast %sub3A_365 : vector<16xf32> to vector<1x16xf32>
      tpu.vector_store %arg12[%swap3A_366, %swap3A_367], %swap3A_370 {strides = array<i32>} : memref<96x256xf32, #tpu.memory_space<vmem>>, vector<1x16xf32>,
      %mul3A_371 = arith.mulf %sub3A_365, %sub3A_365 : vector<16xf32>
      %add3A_372 = arith.addf %add3A_356, %mul3A_371 : vector<16xf32>
      %get3A_373 = arith.index_cast %scan3A_148 : i32 to index
      %get3A_374 = arith.constant 224 : index
      %get3A_375 = tpu.vector_load %arg10[%get3A_373, %get3A_374] {strides = array<i32>} : memref<96x256xf32, #tpu.memory_space<vmem>>, vector<1x16xf32>,
      %get3A_376 = vector.shape_cast %get3A_375 : vector<1x16xf32> to vector<16xf32>
      %get3A_377 = arith.index_cast %scan3A_148 : i32 to index
      %get3A_378 = arith.constant 224 : index
      %get3A_379 = tpu.vector_load %arg11[%get3A_377, %get3A_378] {strides = array<i32>} : memref<96x256xf32, #tpu.memory_space<vmem>>, vector<1x16xf32>,
      %get3A_380 = vector.shape_cast %get3A_379 : vector<1x16xf32> to vector<16xf32>
      %sub3A_381 = arith.subf %get3A_380, %get3A_376 : vector<16xf32>
      %swap3A_382 = arith.index_cast %scan3A_148 : i32 to index
      %swap3A_383 = arith.constant 224 : index
      %swap3A_384 = tpu.vector_load %arg12[%swap3A_382, %swap3A_383] {strides = array<i32>} : memref<96x256xf32, #tpu.memory_space<vmem>>, vector<1x16xf32>,
      %swap3A_385 = vector.shape_cast %swap3A_384 : vector<1x16xf32> to vector<16xf32>
      %swap3A_386 = vector.shape_cast %sub3A_381 : vector<16xf32> to vector<1x16xf32>
      tpu.vector_store %arg12[%swap3A_382, %swap3A_383], %swap3A_386 {strides = array<i32>} : memref<96x256xf32, #tpu.memory_space<vmem>>, vector<1x16xf32>,
      %mul3A_387 = arith.mulf %sub3A_381, %sub3A_381 : vector<16xf32>
      %add3A_388 = arith.addf %add3A_372, %mul3A_387 : vector<16xf32>
      %get3A_389 = arith.index_cast %scan3A_148 : i32 to index
      %get3A_390 = arith.constant 240 : index
      %get3A_391 = tpu.vector_load %arg10[%get3A_389, %get3A_390] {strides = array<i32>} : memref<96x256xf32, #tpu.memory_space<vmem>>, vector<1x16xf32>,
      %get3A_392 = vector.shape_cast %get3A_391 : vector<1x16xf32> to vector<16xf32>
      %get3A_393 = arith.index_cast %scan3A_148 : i32 to index
      %get3A_394 = arith.constant 240 : index
      %get3A_395 = tpu.vector_load %arg11[%get3A_393, %get3A_394] {strides = array<i32>} : memref<96x256xf32, #tpu.memory_space<vmem>>, vector<1x16xf32>,
      %get3A_396 = vector.shape_cast %get3A_395 : vector<1x16xf32> to vector<16xf32>
      %sub3A_397 = arith.subf %get3A_396, %get3A_392 : vector<16xf32>
      %swap3A_398 = arith.index_cast %scan3A_148 : i32 to index
      %swap3A_399 = arith.constant 240 : index
      %swap3A_400 = tpu.vector_load %arg12[%swap3A_398, %swap3A_399] {strides = array<i32>} : memref<96x256xf32, #tpu.memory_space<vmem>>, vector<1x16xf32>,
      %swap3A_401 = vector.shape_cast %swap3A_400 : vector<1x16xf32> to vector<16xf32>
      %swap3A_402 = vector.shape_cast %sub3A_397 : vector<16xf32> to vector<1x16xf32>
      tpu.vector_store %arg12[%swap3A_398, %swap3A_399], %swap3A_402 {strides = array<i32>} : memref<96x256xf32, #tpu.memory_space<vmem>>, vector<1x16xf32>,
      %mul3A_403 = arith.mulf %sub3A_397, %sub3A_397 : vector<16xf32>
      %add3A_404 = arith.addf %add3A_388, %mul3A_403 : vector<16xf32>
      scf.yield %add3A_404 : vector<16xf32>
    }
    %scan3A_115 = arith.constant 96 : i32
    "tpu.region"() ({
      %run_scoped3A_148 = tpu.sem_alloc : memref<!tpu.dma_semaphore, #tpu.memory_space<semaphore_mem>>
      %dma_start3A_149 = arith.constant 0 : i32
      %dma_start3A_150 = tpu.memref_slice %arg5[%select_n3A, %add3A_95, %dma_start3A_149] : memref<16x576x256xf32, #tpu.memory_space<hbm>> -> memref<1x96x256xf32, #tpu.memory_space<hbm>>
      %dma_start3A_151 = tpu.memref_squeeze %dma_start3A_150 : memref<1x96x256xf32, #tpu.memory_space<hbm>> -> memref<96x256xf32, #tpu.memory_space<hbm>>
      %dma_start3A_152 = arith.constant 0 : i32
      %dma_start3A_153 = tpu.memref_slice %arg5[%select_n3A, %add3A_95, %dma_start3A_152] : memref<16x576x256xf32, #tpu.memory_space<hbm>> -> memref<1x96x256xf32, #tpu.memory_space<hbm>>
      %dma_start3A_154 = tpu.memref_squeeze %dma_start3A_153 : memref<1x96x256xf32, #tpu.memory_space<hbm>> -> memref<96x256xf32, #tpu.memory_space<hbm>>
      tpu.enqueue_dma source(%arg10 : memref<96x256xf32, #tpu.memory_space<vmem>>) target(%dma_start3A_154 : memref<96x256xf32, #tpu.memory_space<hbm>>) target_semaphore(%run_scoped3A_148 : memref<!tpu.dma_semaphore, #tpu.memory_space<semaphore_mem>>)
      %dma_wait3A_155 = arith.constant 0 : i32
      %dma_wait3A_156 = tpu.memref_slice %arg5[%select_n3A, %add3A_95, %dma_wait3A_155] : memref<16x576x256xf32, #tpu.memory_space<hbm>> -> memref<1x96x256xf32, #tpu.memory_space<hbm>>
      %dma_wait3A_157 = tpu.memref_squeeze %dma_wait3A_156 : memref<1x96x256xf32, #tpu.memory_space<hbm>> -> memref<96x256xf32, #tpu.memory_space<hbm>>
      %dma_wait3A_158 = arith.constant 0 : i32
      %dma_wait3A_159 = tpu.memref_slice %arg5[%select_n3A, %add3A_95, %dma_wait3A_158] : memref<16x576x256xf32, #tpu.memory_space<hbm>> -> memref<1x96x256xf32, #tpu.memory_space<hbm>>
      %dma_wait3A_160 = tpu.memref_squeeze %dma_wait3A_159 : memref<1x96x256xf32, #tpu.memory_space<hbm>> -> memref<96x256xf32, #tpu.memory_space<hbm>>
      tpu.wait_dma2 semaphore(%run_scoped3A_148 : memref<!tpu.dma_semaphore, #tpu.memory_space<semaphore_mem>>) src(%arg10 : memref<96x256xf32, #tpu.memory_space<vmem>>) dst(%dma_wait3A_160 : memref<96x256xf32, #tpu.memory_space<hbm>>)
      tpu.yield
    }) : () -> ()
    "tpu.region"() ({
      %run_scoped3A_148 = tpu.sem_alloc : memref<!tpu.dma_semaphore, #tpu.memory_space<semaphore_mem>>
      %dma_start3A_149 = arith.constant 0 : i32
      %dma_start3A_150 = tpu.memref_slice %arg6[%select_n3A, %add3A_95, %dma_start3A_149] : memref<16x576x256xf32, #tpu.memory_space<hbm>> -> memref<1x96x256xf32, #tpu.memory_space<hbm>>
      %dma_start3A_151 = tpu.memref_squeeze %dma_start3A_150 : memref<1x96x256xf32, #tpu.memory_space<hbm>> -> memref<96x256xf32, #tpu.memory_space<hbm>>
      %dma_start3A_152 = arith.constant 0 : i32
      %dma_start3A_153 = tpu.memref_slice %arg6[%select_n3A, %add3A_95, %dma_start3A_152] : memref<16x576x256xf32, #tpu.memory_space<hbm>> -> memref<1x96x256xf32, #tpu.memory_space<hbm>>
      %dma_start3A_154 = tpu.memref_squeeze %dma_start3A_153 : memref<1x96x256xf32, #tpu.memory_space<hbm>> -> memref<96x256xf32, #tpu.memory_space<hbm>>
      tpu.enqueue_dma source(%arg12 : memref<96x256xf32, #tpu.memory_space<vmem>>) target(%dma_start3A_154 : memref<96x256xf32, #tpu.memory_space<hbm>>) target_semaphore(%run_scoped3A_148 : memref<!tpu.dma_semaphore, #tpu.memory_space<semaphore_mem>>)
      %dma_wait3A_155 = arith.constant 0 : i32
      %dma_wait3A_156 = tpu.memref_slice %arg6[%select_n3A, %add3A_95, %dma_wait3A_155] : memref<16x576x256xf32, #tpu.memory_space<hbm>> -> memref<1x96x256xf32, #tpu.memory_space<hbm>>
      %dma_wait3A_157 = tpu.memref_squeeze %dma_wait3A_156 : memref<1x96x256xf32, #tpu.memory_space<hbm>> -> memref<96x256xf32, #tpu.memory_space<hbm>>
      %dma_wait3A_158 = arith.constant 0 : i32
      %dma_wait3A_159 = tpu.memref_slice %arg6[%select_n3A, %add3A_95, %dma_wait3A_158] : memref<16x576x256xf32, #tpu.memory_space<hbm>> -> memref<1x96x256xf32, #tpu.memory_space<hbm>>
      %dma_wait3A_160 = tpu.memref_squeeze %dma_wait3A_159 : memref<1x96x256xf32, #tpu.memory_space<hbm>> -> memref<96x256xf32, #tpu.memory_space<hbm>>
      tpu.wait_dma2 semaphore(%run_scoped3A_148 : memref<!tpu.dma_semaphore, #tpu.memory_space<semaphore_mem>>) src(%arg12 : memref<96x256xf32, #tpu.memory_space<vmem>>) dst(%dma_wait3A_160 : memref<96x256xf32, #tpu.memory_space<hbm>>)
      tpu.yield
    }) : () -> ()
    %add3A_116 = arith.constant 192 : i32
    %add3A_117 = arith.addi %mul3A_34, %add3A_116 : i32
    "tpu.region"() ({
      %run_scoped3A_148 = tpu.sem_alloc : memref<!tpu.dma_semaphore, #tpu.memory_space<semaphore_mem>>
      %dma_start3A_149 = arith.constant 0 : i32
      %dma_start3A_150 = tpu.memref_slice %arg3[%select_n3A, %add3A_117, %dma_start3A_149] : memref<16x576x256xf32, #tpu.memory_space<hbm>> -> memref<1x96x256xf32, #tpu.memory_space<hbm>>
      %dma_start3A_151 = tpu.memref_squeeze %dma_start3A_150 : memref<1x96x256xf32, #tpu.memory_space<hbm>> -> memref<96x256xf32, #tpu.memory_space<hbm>>
      %dma_start3A_152 = arith.constant 0 : i32
      %dma_start3A_153 = tpu.memref_slice %arg3[%select_n3A, %add3A_117, %dma_start3A_152] : memref<16x576x256xf32, #tpu.memory_space<hbm>> -> memref<1x96x256xf32, #tpu.memory_space<hbm>>
      %dma_start3A_154 = tpu.memref_squeeze %dma_start3A_153 : memref<1x96x256xf32, #tpu.memory_space<hbm>> -> memref<96x256xf32, #tpu.memory_space<hbm>>
      tpu.enqueue_dma source(%dma_start3A_154 : memref<96x256xf32, #tpu.memory_space<hbm>>) target(%arg11 : memref<96x256xf32, #tpu.memory_space<vmem>>) target_semaphore(%run_scoped3A_148 : memref<!tpu.dma_semaphore, #tpu.memory_space<semaphore_mem>>)
      %dma_wait3A_155 = arith.constant 0 : i32
      %dma_wait3A_156 = tpu.memref_slice %arg3[%select_n3A, %add3A_117, %dma_wait3A_155] : memref<16x576x256xf32, #tpu.memory_space<hbm>> -> memref<1x96x256xf32, #tpu.memory_space<hbm>>
      %dma_wait3A_157 = tpu.memref_squeeze %dma_wait3A_156 : memref<1x96x256xf32, #tpu.memory_space<hbm>> -> memref<96x256xf32, #tpu.memory_space<hbm>>
      %dma_wait3A_158 = arith.constant 0 : i32
      %dma_wait3A_159 = tpu.memref_slice %arg3[%select_n3A, %add3A_117, %dma_wait3A_158] : memref<16x576x256xf32, #tpu.memory_space<hbm>> -> memref<1x96x256xf32, #tpu.memory_space<hbm>>
      %dma_wait3A_160 = tpu.memref_squeeze %dma_wait3A_159 : memref<1x96x256xf32, #tpu.memory_space<hbm>> -> memref<96x256xf32, #tpu.memory_space<hbm>>
      tpu.wait_dma2 semaphore(%run_scoped3A_148 : memref<!tpu.dma_semaphore, #tpu.memory_space<semaphore_mem>>) src(%dma_wait3A_160 : memref<96x256xf32, #tpu.memory_space<hbm>>) dst(%arg11 : memref<96x256xf32, #tpu.memory_space<vmem>>)
      tpu.yield
    }) : () -> ()
    %dma_start3A_118 = arith.constant 2 : i32
    %dma_start3A_119 = arith.constant 0 : i32
    %dma_start3A_120 = tpu.memref_slice %arg9[%dma_start3A_118, %dma_start3A_119] : memref<3x96xi32, #tpu.memory_space<vmem>> -> memref<1x96xi32, #tpu.memory_space<vmem>>
    %dma_start3A_121 = tpu.memref_squeeze %dma_start3A_120 : memref<1x96xi32, #tpu.memory_space<vmem>> -> memref<96xi32, #tpu.memory_space<vmem>>
    %dma_start3A_122 = arith.constant 0 : i32
    %dma_start3A_123 = arith.constant 0 : i32
    %dma_start3A_124 = tpu.memref_slice %arg4[%dma_start3A_122, %dma_start3A_123] : memref<8192x256xf32, #tpu.memory_space<hbm>> -> memref<8192x256xf32, #tpu.memory_space<hbm>>
    tpu.enqueue_indirect_dma source(%dma_start3A_124 : memref<8192x256xf32, #tpu.memory_space<hbm>>) target(%arg10 : memref<96x256xf32, #tpu.memory_space<vmem>>) offsets(%dma_start3A_121 : memref<96xi32, #tpu.memory_space<vmem>>) semaphore(%arg17 : memref<!tpu.dma_semaphore, #tpu.memory_space<semaphore_mem>>)
    %dma_wait3A_125 = arith.constant 2 : i32
    %dma_wait3A_126 = arith.constant 0 : i32
    %dma_wait3A_127 = tpu.memref_slice %arg9[%dma_wait3A_125, %dma_wait3A_126] : memref<3x96xi32, #tpu.memory_space<vmem>> -> memref<1x96xi32, #tpu.memory_space<vmem>>
    %dma_wait3A_128 = tpu.memref_squeeze %dma_wait3A_127 : memref<1x96xi32, #tpu.memory_space<vmem>> -> memref<96xi32, #tpu.memory_space<vmem>>
    %dma_wait3A_129 = arith.constant 0 : i32
    %dma_wait3A_130 = arith.constant 0 : i32
    %dma_wait3A_131 = tpu.memref_slice %arg4[%dma_wait3A_129, %dma_wait3A_130] : memref<8192x256xf32, #tpu.memory_space<hbm>> -> memref<8192x256xf32, #tpu.memory_space<hbm>>
    tpu.wait_indirect_dma semaphore(%arg17 : memref<!tpu.dma_semaphore, #tpu.memory_space<semaphore_mem>>) src(%dma_wait3A_131 : memref<8192x256xf32, #tpu.memory_space<hbm>>) dst(%arg10 : memref<96x256xf32, #tpu.memory_space<vmem>>)
    %scan3A_132 = arith.constant 0 : i32
    %scan3A_133 = arith.constant 96 : i32
    %scan3A_134 = arith.addi %scan3A_132, %scan3A_133 : i32
    %scan3A_135 = arith.constant 1 : i32
    %scan3A_136 = scf.for %scan3A_148 = %scan3A_132 to %scan3A_134 step %scan3A_135 iter_args(%scan3A_149 = %scan3A_114) -> (vector<16xf32>)  : i32 {
      %get3A = arith.index_cast %scan3A_148 : i32 to index
      %get3A_150 = arith.constant 0 : index
      %get3A_151 = tpu.vector_load %arg10[%get3A, %get3A_150] {strides = array<i32>} : memref<96x256xf32, #tpu.memory_space<vmem>>, vector<1x16xf32>,
      %get3A_152 = vector.shape_cast %get3A_151 : vector<1x16xf32> to vector<16xf32>
      %get3A_153 = arith.index_cast %scan3A_148 : i32 to index
      %get3A_154 = arith.constant 0 : index
      %get3A_155 = tpu.vector_load %arg11[%get3A_153, %get3A_154] {strides = array<i32>} : memref<96x256xf32, #tpu.memory_space<vmem>>, vector<1x16xf32>,
      %get3A_156 = vector.shape_cast %get3A_155 : vector<1x16xf32> to vector<16xf32>
      %sub3A_157 = arith.subf %get3A_156, %get3A_152 : vector<16xf32>
      %swap3A_158 = arith.index_cast %scan3A_148 : i32 to index
      %swap3A_159 = arith.constant 0 : index
      %swap3A_160 = tpu.vector_load %arg12[%swap3A_158, %swap3A_159] {strides = array<i32>} : memref<96x256xf32, #tpu.memory_space<vmem>>, vector<1x16xf32>,
      %swap3A_161 = vector.shape_cast %swap3A_160 : vector<1x16xf32> to vector<16xf32>
      %swap3A_162 = vector.shape_cast %sub3A_157 : vector<16xf32> to vector<1x16xf32>
      tpu.vector_store %arg12[%swap3A_158, %swap3A_159], %swap3A_162 {strides = array<i32>} : memref<96x256xf32, #tpu.memory_space<vmem>>, vector<1x16xf32>,
      %mul3A_163 = arith.mulf %sub3A_157, %sub3A_157 : vector<16xf32>
      %add3A_164 = arith.addf %scan3A_149, %mul3A_163 : vector<16xf32>
      %get3A_165 = arith.index_cast %scan3A_148 : i32 to index
      %get3A_166 = arith.constant 16 : index
      %get3A_167 = tpu.vector_load %arg10[%get3A_165, %get3A_166] {strides = array<i32>} : memref<96x256xf32, #tpu.memory_space<vmem>>, vector<1x16xf32>,
      %get3A_168 = vector.shape_cast %get3A_167 : vector<1x16xf32> to vector<16xf32>
      %get3A_169 = arith.index_cast %scan3A_148 : i32 to index
      %get3A_170 = arith.constant 16 : index
      %get3A_171 = tpu.vector_load %arg11[%get3A_169, %get3A_170] {strides = array<i32>} : memref<96x256xf32, #tpu.memory_space<vmem>>, vector<1x16xf32>,
      %get3A_172 = vector.shape_cast %get3A_171 : vector<1x16xf32> to vector<16xf32>
      %sub3A_173 = arith.subf %get3A_172, %get3A_168 : vector<16xf32>
      %swap3A_174 = arith.index_cast %scan3A_148 : i32 to index
      %swap3A_175 = arith.constant 16 : index
      %swap3A_176 = tpu.vector_load %arg12[%swap3A_174, %swap3A_175] {strides = array<i32>} : memref<96x256xf32, #tpu.memory_space<vmem>>, vector<1x16xf32>,
      %swap3A_177 = vector.shape_cast %swap3A_176 : vector<1x16xf32> to vector<16xf32>
      %swap3A_178 = vector.shape_cast %sub3A_173 : vector<16xf32> to vector<1x16xf32>
      tpu.vector_store %arg12[%swap3A_174, %swap3A_175], %swap3A_178 {strides = array<i32>} : memref<96x256xf32, #tpu.memory_space<vmem>>, vector<1x16xf32>,
      %mul3A_179 = arith.mulf %sub3A_173, %sub3A_173 : vector<16xf32>
      %add3A_180 = arith.addf %add3A_164, %mul3A_179 : vector<16xf32>
      %get3A_181 = arith.index_cast %scan3A_148 : i32 to index
      %get3A_182 = arith.constant 32 : index
      %get3A_183 = tpu.vector_load %arg10[%get3A_181, %get3A_182] {strides = array<i32>} : memref<96x256xf32, #tpu.memory_space<vmem>>, vector<1x16xf32>,
      %get3A_184 = vector.shape_cast %get3A_183 : vector<1x16xf32> to vector<16xf32>
      %get3A_185 = arith.index_cast %scan3A_148 : i32 to index
      %get3A_186 = arith.constant 32 : index
      %get3A_187 = tpu.vector_load %arg11[%get3A_185, %get3A_186] {strides = array<i32>} : memref<96x256xf32, #tpu.memory_space<vmem>>, vector<1x16xf32>,
      %get3A_188 = vector.shape_cast %get3A_187 : vector<1x16xf32> to vector<16xf32>
      %sub3A_189 = arith.subf %get3A_188, %get3A_184 : vector<16xf32>
      %swap3A_190 = arith.index_cast %scan3A_148 : i32 to index
      %swap3A_191 = arith.constant 32 : index
      %swap3A_192 = tpu.vector_load %arg12[%swap3A_190, %swap3A_191] {strides = array<i32>} : memref<96x256xf32, #tpu.memory_space<vmem>>, vector<1x16xf32>,
      %swap3A_193 = vector.shape_cast %swap3A_192 : vector<1x16xf32> to vector<16xf32>
      %swap3A_194 = vector.shape_cast %sub3A_189 : vector<16xf32> to vector<1x16xf32>
      tpu.vector_store %arg12[%swap3A_190, %swap3A_191], %swap3A_194 {strides = array<i32>} : memref<96x256xf32, #tpu.memory_space<vmem>>, vector<1x16xf32>,
      %mul3A_195 = arith.mulf %sub3A_189, %sub3A_189 : vector<16xf32>
      %add3A_196 = arith.addf %add3A_180, %mul3A_195 : vector<16xf32>
      %get3A_197 = arith.index_cast %scan3A_148 : i32 to index
      %get3A_198 = arith.constant 48 : index
      %get3A_199 = tpu.vector_load %arg10[%get3A_197, %get3A_198] {strides = array<i32>} : memref<96x256xf32, #tpu.memory_space<vmem>>, vector<1x16xf32>,
      %get3A_200 = vector.shape_cast %get3A_199 : vector<1x16xf32> to vector<16xf32>
      %get3A_201 = arith.index_cast %scan3A_148 : i32 to index
      %get3A_202 = arith.constant 48 : index
      %get3A_203 = tpu.vector_load %arg11[%get3A_201, %get3A_202] {strides = array<i32>} : memref<96x256xf32, #tpu.memory_space<vmem>>, vector<1x16xf32>,
      %get3A_204 = vector.shape_cast %get3A_203 : vector<1x16xf32> to vector<16xf32>
      %sub3A_205 = arith.subf %get3A_204, %get3A_200 : vector<16xf32>
      %swap3A_206 = arith.index_cast %scan3A_148 : i32 to index
      %swap3A_207 = arith.constant 48 : index
      %swap3A_208 = tpu.vector_load %arg12[%swap3A_206, %swap3A_207] {strides = array<i32>} : memref<96x256xf32, #tpu.memory_space<vmem>>, vector<1x16xf32>,
      %swap3A_209 = vector.shape_cast %swap3A_208 : vector<1x16xf32> to vector<16xf32>
      %swap3A_210 = vector.shape_cast %sub3A_205 : vector<16xf32> to vector<1x16xf32>
      tpu.vector_store %arg12[%swap3A_206, %swap3A_207], %swap3A_210 {strides = array<i32>} : memref<96x256xf32, #tpu.memory_space<vmem>>, vector<1x16xf32>,
      %mul3A_211 = arith.mulf %sub3A_205, %sub3A_205 : vector<16xf32>
      %add3A_212 = arith.addf %add3A_196, %mul3A_211 : vector<16xf32>
      %get3A_213 = arith.index_cast %scan3A_148 : i32 to index
      %get3A_214 = arith.constant 64 : index
      %get3A_215 = tpu.vector_load %arg10[%get3A_213, %get3A_214] {strides = array<i32>} : memref<96x256xf32, #tpu.memory_space<vmem>>, vector<1x16xf32>,
      %get3A_216 = vector.shape_cast %get3A_215 : vector<1x16xf32> to vector<16xf32>
      %get3A_217 = arith.index_cast %scan3A_148 : i32 to index
      %get3A_218 = arith.constant 64 : index
      %get3A_219 = tpu.vector_load %arg11[%get3A_217, %get3A_218] {strides = array<i32>} : memref<96x256xf32, #tpu.memory_space<vmem>>, vector<1x16xf32>,
      %get3A_220 = vector.shape_cast %get3A_219 : vector<1x16xf32> to vector<16xf32>
      %sub3A_221 = arith.subf %get3A_220, %get3A_216 : vector<16xf32>
      %swap3A_222 = arith.index_cast %scan3A_148 : i32 to index
      %swap3A_223 = arith.constant 64 : index
      %swap3A_224 = tpu.vector_load %arg12[%swap3A_222, %swap3A_223] {strides = array<i32>} : memref<96x256xf32, #tpu.memory_space<vmem>>, vector<1x16xf32>,
      %swap3A_225 = vector.shape_cast %swap3A_224 : vector<1x16xf32> to vector<16xf32>
      %swap3A_226 = vector.shape_cast %sub3A_221 : vector<16xf32> to vector<1x16xf32>
      tpu.vector_store %arg12[%swap3A_222, %swap3A_223], %swap3A_226 {strides = array<i32>} : memref<96x256xf32, #tpu.memory_space<vmem>>, vector<1x16xf32>,
      %mul3A_227 = arith.mulf %sub3A_221, %sub3A_221 : vector<16xf32>
      %add3A_228 = arith.addf %add3A_212, %mul3A_227 : vector<16xf32>
      %get3A_229 = arith.index_cast %scan3A_148 : i32 to index
      %get3A_230 = arith.constant 80 : index
      %get3A_231 = tpu.vector_load %arg10[%get3A_229, %get3A_230] {strides = array<i32>} : memref<96x256xf32, #tpu.memory_space<vmem>>, vector<1x16xf32>,
      %get3A_232 = vector.shape_cast %get3A_231 : vector<1x16xf32> to vector<16xf32>
      %get3A_233 = arith.index_cast %scan3A_148 : i32 to index
      %get3A_234 = arith.constant 80 : index
      %get3A_235 = tpu.vector_load %arg11[%get3A_233, %get3A_234] {strides = array<i32>} : memref<96x256xf32, #tpu.memory_space<vmem>>, vector<1x16xf32>,
      %get3A_236 = vector.shape_cast %get3A_235 : vector<1x16xf32> to vector<16xf32>
      %sub3A_237 = arith.subf %get3A_236, %get3A_232 : vector<16xf32>
      %swap3A_238 = arith.index_cast %scan3A_148 : i32 to index
      %swap3A_239 = arith.constant 80 : index
      %swap3A_240 = tpu.vector_load %arg12[%swap3A_238, %swap3A_239] {strides = array<i32>} : memref<96x256xf32, #tpu.memory_space<vmem>>, vector<1x16xf32>,
      %swap3A_241 = vector.shape_cast %swap3A_240 : vector<1x16xf32> to vector<16xf32>
      %swap3A_242 = vector.shape_cast %sub3A_237 : vector<16xf32> to vector<1x16xf32>
      tpu.vector_store %arg12[%swap3A_238, %swap3A_239], %swap3A_242 {strides = array<i32>} : memref<96x256xf32, #tpu.memory_space<vmem>>, vector<1x16xf32>,
      %mul3A_243 = arith.mulf %sub3A_237, %sub3A_237 : vector<16xf32>
      %add3A_244 = arith.addf %add3A_228, %mul3A_243 : vector<16xf32>
      %get3A_245 = arith.index_cast %scan3A_148 : i32 to index
      %get3A_246 = arith.constant 96 : index
      %get3A_247 = tpu.vector_load %arg10[%get3A_245, %get3A_246] {strides = array<i32>} : memref<96x256xf32, #tpu.memory_space<vmem>>, vector<1x16xf32>,
      %get3A_248 = vector.shape_cast %get3A_247 : vector<1x16xf32> to vector<16xf32>
      %get3A_249 = arith.index_cast %scan3A_148 : i32 to index
      %get3A_250 = arith.constant 96 : index
      %get3A_251 = tpu.vector_load %arg11[%get3A_249, %get3A_250] {strides = array<i32>} : memref<96x256xf32, #tpu.memory_space<vmem>>, vector<1x16xf32>,
      %get3A_252 = vector.shape_cast %get3A_251 : vector<1x16xf32> to vector<16xf32>
      %sub3A_253 = arith.subf %get3A_252, %get3A_248 : vector<16xf32>
      %swap3A_254 = arith.index_cast %scan3A_148 : i32 to index
      %swap3A_255 = arith.constant 96 : index
      %swap3A_256 = tpu.vector_load %arg12[%swap3A_254, %swap3A_255] {strides = array<i32>} : memref<96x256xf32, #tpu.memory_space<vmem>>, vector<1x16xf32>,
      %swap3A_257 = vector.shape_cast %swap3A_256 : vector<1x16xf32> to vector<16xf32>
      %swap3A_258 = vector.shape_cast %sub3A_253 : vector<16xf32> to vector<1x16xf32>
      tpu.vector_store %arg12[%swap3A_254, %swap3A_255], %swap3A_258 {strides = array<i32>} : memref<96x256xf32, #tpu.memory_space<vmem>>, vector<1x16xf32>,
      %mul3A_259 = arith.mulf %sub3A_253, %sub3A_253 : vector<16xf32>
      %add3A_260 = arith.addf %add3A_244, %mul3A_259 : vector<16xf32>
      %get3A_261 = arith.index_cast %scan3A_148 : i32 to index
      %get3A_262 = arith.constant 112 : index
      %get3A_263 = tpu.vector_load %arg10[%get3A_261, %get3A_262] {strides = array<i32>} : memref<96x256xf32, #tpu.memory_space<vmem>>, vector<1x16xf32>,
      %get3A_264 = vector.shape_cast %get3A_263 : vector<1x16xf32> to vector<16xf32>
      %get3A_265 = arith.index_cast %scan3A_148 : i32 to index
      %get3A_266 = arith.constant 112 : index
      %get3A_267 = tpu.vector_load %arg11[%get3A_265, %get3A_266] {strides = array<i32>} : memref<96x256xf32, #tpu.memory_space<vmem>>, vector<1x16xf32>,
      %get3A_268 = vector.shape_cast %get3A_267 : vector<1x16xf32> to vector<16xf32>
      %sub3A_269 = arith.subf %get3A_268, %get3A_264 : vector<16xf32>
      %swap3A_270 = arith.index_cast %scan3A_148 : i32 to index
      %swap3A_271 = arith.constant 112 : index
      %swap3A_272 = tpu.vector_load %arg12[%swap3A_270, %swap3A_271] {strides = array<i32>} : memref<96x256xf32, #tpu.memory_space<vmem>>, vector<1x16xf32>,
      %swap3A_273 = vector.shape_cast %swap3A_272 : vector<1x16xf32> to vector<16xf32>
      %swap3A_274 = vector.shape_cast %sub3A_269 : vector<16xf32> to vector<1x16xf32>
      tpu.vector_store %arg12[%swap3A_270, %swap3A_271], %swap3A_274 {strides = array<i32>} : memref<96x256xf32, #tpu.memory_space<vmem>>, vector<1x16xf32>,
      %mul3A_275 = arith.mulf %sub3A_269, %sub3A_269 : vector<16xf32>
      %add3A_276 = arith.addf %add3A_260, %mul3A_275 : vector<16xf32>
      %get3A_277 = arith.index_cast %scan3A_148 : i32 to index
      %get3A_278 = arith.constant 128 : index
      %get3A_279 = tpu.vector_load %arg10[%get3A_277, %get3A_278] {strides = array<i32>} : memref<96x256xf32, #tpu.memory_space<vmem>>, vector<1x16xf32>,
      %get3A_280 = vector.shape_cast %get3A_279 : vector<1x16xf32> to vector<16xf32>
      %get3A_281 = arith.index_cast %scan3A_148 : i32 to index
      %get3A_282 = arith.constant 128 : index
      %get3A_283 = tpu.vector_load %arg11[%get3A_281, %get3A_282] {strides = array<i32>} : memref<96x256xf32, #tpu.memory_space<vmem>>, vector<1x16xf32>,
      %get3A_284 = vector.shape_cast %get3A_283 : vector<1x16xf32> to vector<16xf32>
      %sub3A_285 = arith.subf %get3A_284, %get3A_280 : vector<16xf32>
      %swap3A_286 = arith.index_cast %scan3A_148 : i32 to index
      %swap3A_287 = arith.constant 128 : index
      %swap3A_288 = tpu.vector_load %arg12[%swap3A_286, %swap3A_287] {strides = array<i32>} : memref<96x256xf32, #tpu.memory_space<vmem>>, vector<1x16xf32>,
      %swap3A_289 = vector.shape_cast %swap3A_288 : vector<1x16xf32> to vector<16xf32>
      %swap3A_290 = vector.shape_cast %sub3A_285 : vector<16xf32> to vector<1x16xf32>
      tpu.vector_store %arg12[%swap3A_286, %swap3A_287], %swap3A_290 {strides = array<i32>} : memref<96x256xf32, #tpu.memory_space<vmem>>, vector<1x16xf32>,
      %mul3A_291 = arith.mulf %sub3A_285, %sub3A_285 : vector<16xf32>
      %add3A_292 = arith.addf %add3A_276, %mul3A_291 : vector<16xf32>
      %get3A_293 = arith.index_cast %scan3A_148 : i32 to index
      %get3A_294 = arith.constant 144 : index
      %get3A_295 = tpu.vector_load %arg10[%get3A_293, %get3A_294] {strides = array<i32>} : memref<96x256xf32, #tpu.memory_space<vmem>>, vector<1x16xf32>,
      %get3A_296 = vector.shape_cast %get3A_295 : vector<1x16xf32> to vector<16xf32>
      %get3A_297 = arith.index_cast %scan3A_148 : i32 to index
      %get3A_298 = arith.constant 144 : index
      %get3A_299 = tpu.vector_load %arg11[%get3A_297, %get3A_298] {strides = array<i32>} : memref<96x256xf32, #tpu.memory_space<vmem>>, vector<1x16xf32>,
      %get3A_300 = vector.shape_cast %get3A_299 : vector<1x16xf32> to vector<16xf32>
      %sub3A_301 = arith.subf %get3A_300, %get3A_296 : vector<16xf32>
      %swap3A_302 = arith.index_cast %scan3A_148 : i32 to index
      %swap3A_303 = arith.constant 144 : index
      %swap3A_304 = tpu.vector_load %arg12[%swap3A_302, %swap3A_303] {strides = array<i32>} : memref<96x256xf32, #tpu.memory_space<vmem>>, vector<1x16xf32>,
      %swap3A_305 = vector.shape_cast %swap3A_304 : vector<1x16xf32> to vector<16xf32>
      %swap3A_306 = vector.shape_cast %sub3A_301 : vector<16xf32> to vector<1x16xf32>
      tpu.vector_store %arg12[%swap3A_302, %swap3A_303], %swap3A_306 {strides = array<i32>} : memref<96x256xf32, #tpu.memory_space<vmem>>, vector<1x16xf32>,
      %mul3A_307 = arith.mulf %sub3A_301, %sub3A_301 : vector<16xf32>
      %add3A_308 = arith.addf %add3A_292, %mul3A_307 : vector<16xf32>
      %get3A_309 = arith.index_cast %scan3A_148 : i32 to index
      %get3A_310 = arith.constant 160 : index
      %get3A_311 = tpu.vector_load %arg10[%get3A_309, %get3A_310] {strides = array<i32>} : memref<96x256xf32, #tpu.memory_space<vmem>>, vector<1x16xf32>,
      %get3A_312 = vector.shape_cast %get3A_311 : vector<1x16xf32> to vector<16xf32>
      %get3A_313 = arith.index_cast %scan3A_148 : i32 to index
      %get3A_314 = arith.constant 160 : index
      %get3A_315 = tpu.vector_load %arg11[%get3A_313, %get3A_314] {strides = array<i32>} : memref<96x256xf32, #tpu.memory_space<vmem>>, vector<1x16xf32>,
      %get3A_316 = vector.shape_cast %get3A_315 : vector<1x16xf32> to vector<16xf32>
      %sub3A_317 = arith.subf %get3A_316, %get3A_312 : vector<16xf32>
      %swap3A_318 = arith.index_cast %scan3A_148 : i32 to index
      %swap3A_319 = arith.constant 160 : index
      %swap3A_320 = tpu.vector_load %arg12[%swap3A_318, %swap3A_319] {strides = array<i32>} : memref<96x256xf32, #tpu.memory_space<vmem>>, vector<1x16xf32>,
      %swap3A_321 = vector.shape_cast %swap3A_320 : vector<1x16xf32> to vector<16xf32>
      %swap3A_322 = vector.shape_cast %sub3A_317 : vector<16xf32> to vector<1x16xf32>
      tpu.vector_store %arg12[%swap3A_318, %swap3A_319], %swap3A_322 {strides = array<i32>} : memref<96x256xf32, #tpu.memory_space<vmem>>, vector<1x16xf32>,
      %mul3A_323 = arith.mulf %sub3A_317, %sub3A_317 : vector<16xf32>
      %add3A_324 = arith.addf %add3A_308, %mul3A_323 : vector<16xf32>
      %get3A_325 = arith.index_cast %scan3A_148 : i32 to index
      %get3A_326 = arith.constant 176 : index
      %get3A_327 = tpu.vector_load %arg10[%get3A_325, %get3A_326] {strides = array<i32>} : memref<96x256xf32, #tpu.memory_space<vmem>>, vector<1x16xf32>,
      %get3A_328 = vector.shape_cast %get3A_327 : vector<1x16xf32> to vector<16xf32>
      %get3A_329 = arith.index_cast %scan3A_148 : i32 to index
      %get3A_330 = arith.constant 176 : index
      %get3A_331 = tpu.vector_load %arg11[%get3A_329, %get3A_330] {strides = array<i32>} : memref<96x256xf32, #tpu.memory_space<vmem>>, vector<1x16xf32>,
      %get3A_332 = vector.shape_cast %get3A_331 : vector<1x16xf32> to vector<16xf32>
      %sub3A_333 = arith.subf %get3A_332, %get3A_328 : vector<16xf32>
      %swap3A_334 = arith.index_cast %scan3A_148 : i32 to index
      %swap3A_335 = arith.constant 176 : index
      %swap3A_336 = tpu.vector_load %arg12[%swap3A_334, %swap3A_335] {strides = array<i32>} : memref<96x256xf32, #tpu.memory_space<vmem>>, vector<1x16xf32>,
      %swap3A_337 = vector.shape_cast %swap3A_336 : vector<1x16xf32> to vector<16xf32>
      %swap3A_338 = vector.shape_cast %sub3A_333 : vector<16xf32> to vector<1x16xf32>
      tpu.vector_store %arg12[%swap3A_334, %swap3A_335], %swap3A_338 {strides = array<i32>} : memref<96x256xf32, #tpu.memory_space<vmem>>, vector<1x16xf32>,
      %mul3A_339 = arith.mulf %sub3A_333, %sub3A_333 : vector<16xf32>
      %add3A_340 = arith.addf %add3A_324, %mul3A_339 : vector<16xf32>
      %get3A_341 = arith.index_cast %scan3A_148 : i32 to index
      %get3A_342 = arith.constant 192 : index
      %get3A_343 = tpu.vector_load %arg10[%get3A_341, %get3A_342] {strides = array<i32>} : memref<96x256xf32, #tpu.memory_space<vmem>>, vector<1x16xf32>,
      %get3A_344 = vector.shape_cast %get3A_343 : vector<1x16xf32> to vector<16xf32>
      %get3A_345 = arith.index_cast %scan3A_148 : i32 to index
      %get3A_346 = arith.constant 192 : index
      %get3A_347 = tpu.vector_load %arg11[%get3A_345, %get3A_346] {strides = array<i32>} : memref<96x256xf32, #tpu.memory_space<vmem>>, vector<1x16xf32>,
      %get3A_348 = vector.shape_cast %get3A_347 : vector<1x16xf32> to vector<16xf32>
      %sub3A_349 = arith.subf %get3A_348, %get3A_344 : vector<16xf32>
      %swap3A_350 = arith.index_cast %scan3A_148 : i32 to index
      %swap3A_351 = arith.constant 192 : index
      %swap3A_352 = tpu.vector_load %arg12[%swap3A_350, %swap3A_351] {strides = array<i32>} : memref<96x256xf32, #tpu.memory_space<vmem>>, vector<1x16xf32>,
      %swap3A_353 = vector.shape_cast %swap3A_352 : vector<1x16xf32> to vector<16xf32>
      %swap3A_354 = vector.shape_cast %sub3A_349 : vector<16xf32> to vector<1x16xf32>
      tpu.vector_store %arg12[%swap3A_350, %swap3A_351], %swap3A_354 {strides = array<i32>} : memref<96x256xf32, #tpu.memory_space<vmem>>, vector<1x16xf32>,
      %mul3A_355 = arith.mulf %sub3A_349, %sub3A_349 : vector<16xf32>
      %add3A_356 = arith.addf %add3A_340, %mul3A_355 : vector<16xf32>
      %get3A_357 = arith.index_cast %scan3A_148 : i32 to index
      %get3A_358 = arith.constant 208 : index
      %get3A_359 = tpu.vector_load %arg10[%get3A_357, %get3A_358] {strides = array<i32>} : memref<96x256xf32, #tpu.memory_space<vmem>>, vector<1x16xf32>,
      %get3A_360 = vector.shape_cast %get3A_359 : vector<1x16xf32> to vector<16xf32>
      %get3A_361 = arith.index_cast %scan3A_148 : i32 to index
      %get3A_362 = arith.constant 208 : index
      %get3A_363 = tpu.vector_load %arg11[%get3A_361, %get3A_362] {strides = array<i32>} : memref<96x256xf32, #tpu.memory_space<vmem>>, vector<1x16xf32>,
      %get3A_364 = vector.shape_cast %get3A_363 : vector<1x16xf32> to vector<16xf32>
      %sub3A_365 = arith.subf %get3A_364, %get3A_360 : vector<16xf32>
      %swap3A_366 = arith.index_cast %scan3A_148 : i32 to index
      %swap3A_367 = arith.constant 208 : index
      %swap3A_368 = tpu.vector_load %arg12[%swap3A_366, %swap3A_367] {strides = array<i32>} : memref<96x256xf32, #tpu.memory_space<vmem>>, vector<1x16xf32>,
      %swap3A_369 = vector.shape_cast %swap3A_368 : vector<1x16xf32> to vector<16xf32>
      %swap3A_370 = vector.shape_cast %sub3A_365 : vector<16xf32> to vector<1x16xf32>
      tpu.vector_store %arg12[%swap3A_366, %swap3A_367], %swap3A_370 {strides = array<i32>} : memref<96x256xf32, #tpu.memory_space<vmem>>, vector<1x16xf32>,
      %mul3A_371 = arith.mulf %sub3A_365, %sub3A_365 : vector<16xf32>
      %add3A_372 = arith.addf %add3A_356, %mul3A_371 : vector<16xf32>
      %get3A_373 = arith.index_cast %scan3A_148 : i32 to index
      %get3A_374 = arith.constant 224 : index
      %get3A_375 = tpu.vector_load %arg10[%get3A_373, %get3A_374] {strides = array<i32>} : memref<96x256xf32, #tpu.memory_space<vmem>>, vector<1x16xf32>,
      %get3A_376 = vector.shape_cast %get3A_375 : vector<1x16xf32> to vector<16xf32>
      %get3A_377 = arith.index_cast %scan3A_148 : i32 to index
      %get3A_378 = arith.constant 224 : index
      %get3A_379 = tpu.vector_load %arg11[%get3A_377, %get3A_378] {strides = array<i32>} : memref<96x256xf32, #tpu.memory_space<vmem>>, vector<1x16xf32>,
      %get3A_380 = vector.shape_cast %get3A_379 : vector<1x16xf32> to vector<16xf32>
      %sub3A_381 = arith.subf %get3A_380, %get3A_376 : vector<16xf32>
      %swap3A_382 = arith.index_cast %scan3A_148 : i32 to index
      %swap3A_383 = arith.constant 224 : index
      %swap3A_384 = tpu.vector_load %arg12[%swap3A_382, %swap3A_383] {strides = array<i32>} : memref<96x256xf32, #tpu.memory_space<vmem>>, vector<1x16xf32>,
      %swap3A_385 = vector.shape_cast %swap3A_384 : vector<1x16xf32> to vector<16xf32>
      %swap3A_386 = vector.shape_cast %sub3A_381 : vector<16xf32> to vector<1x16xf32>
      tpu.vector_store %arg12[%swap3A_382, %swap3A_383], %swap3A_386 {strides = array<i32>} : memref<96x256xf32, #tpu.memory_space<vmem>>, vector<1x16xf32>,
      %mul3A_387 = arith.mulf %sub3A_381, %sub3A_381 : vector<16xf32>
      %add3A_388 = arith.addf %add3A_372, %mul3A_387 : vector<16xf32>
      %get3A_389 = arith.index_cast %scan3A_148 : i32 to index
      %get3A_390 = arith.constant 240 : index
      %get3A_391 = tpu.vector_load %arg10[%get3A_389, %get3A_390] {strides = array<i32>} : memref<96x256xf32, #tpu.memory_space<vmem>>, vector<1x16xf32>,
      %get3A_392 = vector.shape_cast %get3A_391 : vector<1x16xf32> to vector<16xf32>
      %get3A_393 = arith.index_cast %scan3A_148 : i32 to index
      %get3A_394 = arith.constant 240 : index
      %get3A_395 = tpu.vector_load %arg11[%get3A_393, %get3A_394] {strides = array<i32>} : memref<96x256xf32, #tpu.memory_space<vmem>>, vector<1x16xf32>,
      %get3A_396 = vector.shape_cast %get3A_395 : vector<1x16xf32> to vector<16xf32>
      %sub3A_397 = arith.subf %get3A_396, %get3A_392 : vector<16xf32>
      %swap3A_398 = arith.index_cast %scan3A_148 : i32 to index
      %swap3A_399 = arith.constant 240 : index
      %swap3A_400 = tpu.vector_load %arg12[%swap3A_398, %swap3A_399] {strides = array<i32>} : memref<96x256xf32, #tpu.memory_space<vmem>>, vector<1x16xf32>,
      %swap3A_401 = vector.shape_cast %swap3A_400 : vector<1x16xf32> to vector<16xf32>
      %swap3A_402 = vector.shape_cast %sub3A_397 : vector<16xf32> to vector<1x16xf32>
      tpu.vector_store %arg12[%swap3A_398, %swap3A_399], %swap3A_402 {strides = array<i32>} : memref<96x256xf32, #tpu.memory_space<vmem>>, vector<1x16xf32>,
      %mul3A_403 = arith.mulf %sub3A_397, %sub3A_397 : vector<16xf32>
      %add3A_404 = arith.addf %add3A_388, %mul3A_403 : vector<16xf32>
      scf.yield %add3A_404 : vector<16xf32>
    }
    %scan3A_137 = arith.constant 96 : i32
    "tpu.region"() ({
      %run_scoped3A_148 = tpu.sem_alloc : memref<!tpu.dma_semaphore, #tpu.memory_space<semaphore_mem>>
      %dma_start3A_149 = arith.constant 0 : i32
      %dma_start3A_150 = tpu.memref_slice %arg5[%select_n3A, %add3A_117, %dma_start3A_149] : memref<16x576x256xf32, #tpu.memory_space<hbm>> -> memref<1x96x256xf32, #tpu.memory_space<hbm>>
      %dma_start3A_151 = tpu.memref_squeeze %dma_start3A_150 : memref<1x96x256xf32, #tpu.memory_space<hbm>> -> memref<96x256xf32, #tpu.memory_space<hbm>>
      %dma_start3A_152 = arith.constant 0 : i32
      %dma_start3A_153 = tpu.memref_slice %arg5[%select_n3A, %add3A_117, %dma_start3A_152] : memref<16x576x256xf32, #tpu.memory_space<hbm>> -> memref<1x96x256xf32, #tpu.memory_space<hbm>>
      %dma_start3A_154 = tpu.memref_squeeze %dma_start3A_153 : memref<1x96x256xf32, #tpu.memory_space<hbm>> -> memref<96x256xf32, #tpu.memory_space<hbm>>
      tpu.enqueue_dma source(%arg10 : memref<96x256xf32, #tpu.memory_space<vmem>>) target(%dma_start3A_154 : memref<96x256xf32, #tpu.memory_space<hbm>>) target_semaphore(%run_scoped3A_148 : memref<!tpu.dma_semaphore, #tpu.memory_space<semaphore_mem>>)
      %dma_wait3A_155 = arith.constant 0 : i32
      %dma_wait3A_156 = tpu.memref_slice %arg5[%select_n3A, %add3A_117, %dma_wait3A_155] : memref<16x576x256xf32, #tpu.memory_space<hbm>> -> memref<1x96x256xf32, #tpu.memory_space<hbm>>
      %dma_wait3A_157 = tpu.memref_squeeze %dma_wait3A_156 : memref<1x96x256xf32, #tpu.memory_space<hbm>> -> memref<96x256xf32, #tpu.memory_space<hbm>>
      %dma_wait3A_158 = arith.constant 0 : i32
      %dma_wait3A_159 = tpu.memref_slice %arg5[%select_n3A, %add3A_117, %dma_wait3A_158] : memref<16x576x256xf32, #tpu.memory_space<hbm>> -> memref<1x96x256xf32, #tpu.memory_space<hbm>>
      %dma_wait3A_160 = tpu.memref_squeeze %dma_wait3A_159 : memref<1x96x256xf32, #tpu.memory_space<hbm>> -> memref<96x256xf32, #tpu.memory_space<hbm>>
      tpu.wait_dma2 semaphore(%run_scoped3A_148 : memref<!tpu.dma_semaphore, #tpu.memory_space<semaphore_mem>>) src(%arg10 : memref<96x256xf32, #tpu.memory_space<vmem>>) dst(%dma_wait3A_160 : memref<96x256xf32, #tpu.memory_space<hbm>>)
      tpu.yield
    }) : () -> ()
    "tpu.region"() ({
      %run_scoped3A_148 = tpu.sem_alloc : memref<!tpu.dma_semaphore, #tpu.memory_space<semaphore_mem>>
      %dma_start3A_149 = arith.constant 0 : i32
      %dma_start3A_150 = tpu.memref_slice %arg6[%select_n3A, %add3A_117, %dma_start3A_149] : memref<16x576x256xf32, #tpu.memory_space<hbm>> -> memref<1x96x256xf32, #tpu.memory_space<hbm>>
      %dma_start3A_151 = tpu.memref_squeeze %dma_start3A_150 : memref<1x96x256xf32, #tpu.memory_space<hbm>> -> memref<96x256xf32, #tpu.memory_space<hbm>>
      %dma_start3A_152 = arith.constant 0 : i32
      %dma_start3A_153 = tpu.memref_slice %arg6[%select_n3A, %add3A_117, %dma_start3A_152] : memref<16x576x256xf32, #tpu.memory_space<hbm>> -> memref<1x96x256xf32, #tpu.memory_space<hbm>>
      %dma_start3A_154 = tpu.memref_squeeze %dma_start3A_153 : memref<1x96x256xf32, #tpu.memory_space<hbm>> -> memref<96x256xf32, #tpu.memory_space<hbm>>
      tpu.enqueue_dma source(%arg12 : memref<96x256xf32, #tpu.memory_space<vmem>>) target(%dma_start3A_154 : memref<96x256xf32, #tpu.memory_space<hbm>>) target_semaphore(%run_scoped3A_148 : memref<!tpu.dma_semaphore, #tpu.memory_space<semaphore_mem>>)
      %dma_wait3A_155 = arith.constant 0 : i32
      %dma_wait3A_156 = tpu.memref_slice %arg6[%select_n3A, %add3A_117, %dma_wait3A_155] : memref<16x576x256xf32, #tpu.memory_space<hbm>> -> memref<1x96x256xf32, #tpu.memory_space<hbm>>
      %dma_wait3A_157 = tpu.memref_squeeze %dma_wait3A_156 : memref<1x96x256xf32, #tpu.memory_space<hbm>> -> memref<96x256xf32, #tpu.memory_space<hbm>>
      %dma_wait3A_158 = arith.constant 0 : i32
      %dma_wait3A_159 = tpu.memref_slice %arg6[%select_n3A, %add3A_117, %dma_wait3A_158] : memref<16x576x256xf32, #tpu.memory_space<hbm>> -> memref<1x96x256xf32, #tpu.memory_space<hbm>>
      %dma_wait3A_160 = tpu.memref_squeeze %dma_wait3A_159 : memref<1x96x256xf32, #tpu.memory_space<hbm>> -> memref<96x256xf32, #tpu.memory_space<hbm>>
      tpu.wait_dma2 semaphore(%run_scoped3A_148 : memref<!tpu.dma_semaphore, #tpu.memory_space<semaphore_mem>>) src(%arg12 : memref<96x256xf32, #tpu.memory_space<vmem>>) dst(%dma_wait3A_160 : memref<96x256xf32, #tpu.memory_space<hbm>>)
      tpu.yield
    }) : () -> ()
    %swap3A_138 = arith.constant 0 : index
    %swap3A_139 = tpu.vector_load %arg13[%swap3A_138] {strides = array<i32>} : memref<16xf32, #tpu.memory_space<vmem>>, vector<16xf32>,
    %swap3A_140 = vector.shape_cast %swap3A_139 : vector<16xf32> to vector<16xf32>
    %swap3A_141 = vector.shape_cast %scan3A_136 : vector<16xf32> to vector<16xf32>
    tpu.vector_store %arg13[%swap3A_138], %swap3A_141 {strides = array<i32>} : memref<16xf32, #tpu.memory_space<vmem>>, vector<16xf32>,
    "tpu.region"() ({
      %run_scoped3A_148 = tpu.sem_alloc : memref<!tpu.dma_semaphore, #tpu.memory_space<semaphore_mem>>
      %dma_start3A_149 = arith.constant 0 : i32
      %dma_start3A_150 = tpu.memref_slice %arg8[%add3A, %dma_start3A_149] : memref<32x16xf32, #tpu.memory_space<hbm>> -> memref<1x16xf32, #tpu.memory_space<hbm>>
      %dma_start3A_151 = tpu.memref_squeeze %dma_start3A_150 : memref<1x16xf32, #tpu.memory_space<hbm>> -> memref<16xf32, #tpu.memory_space<hbm>>
      %dma_start3A_152 = arith.constant 0 : i32
      %dma_start3A_153 = tpu.memref_slice %arg8[%add3A, %dma_start3A_152] : memref<32x16xf32, #tpu.memory_space<hbm>> -> memref<1x16xf32, #tpu.memory_space<hbm>>
      %dma_start3A_154 = tpu.memref_squeeze %dma_start3A_153 : memref<1x16xf32, #tpu.memory_space<hbm>> -> memref<16xf32, #tpu.memory_space<hbm>>
      tpu.enqueue_dma source(%arg13 : memref<16xf32, #tpu.memory_space<vmem>>) target(%dma_start3A_154 : memref<16xf32, #tpu.memory_space<hbm>>) target_semaphore(%run_scoped3A_148 : memref<!tpu.dma_semaphore, #tpu.memory_space<semaphore_mem>>)
      %dma_wait3A_155 = arith.constant 0 : i32
      %dma_wait3A_156 = tpu.memref_slice %arg8[%add3A, %dma_wait3A_155] : memref<32x16xf32, #tpu.memory_space<hbm>> -> memref<1x16xf32, #tpu.memory_space<hbm>>
      %dma_wait3A_157 = tpu.memref_squeeze %dma_wait3A_156 : memref<1x16xf32, #tpu.memory_space<hbm>> -> memref<16xf32, #tpu.memory_space<hbm>>
      %dma_wait3A_158 = arith.constant 0 : i32
      %dma_wait3A_159 = tpu.memref_slice %arg8[%add3A, %dma_wait3A_158] : memref<32x16xf32, #tpu.memory_space<hbm>> -> memref<1x16xf32, #tpu.memory_space<hbm>>
      %dma_wait3A_160 = tpu.memref_squeeze %dma_wait3A_159 : memref<1x16xf32, #tpu.memory_space<hbm>> -> memref<16xf32, #tpu.memory_space<hbm>>
      tpu.wait_dma2 semaphore(%run_scoped3A_148 : memref<!tpu.dma_semaphore, #tpu.memory_space<semaphore_mem>>) src(%arg13 : memref<16xf32, #tpu.memory_space<vmem>>) dst(%dma_wait3A_160 : memref<16xf32, #tpu.memory_space<hbm>>)
      tpu.yield
    }) : () -> ()
    %barrier3A_142 = arith.constant 0 : index
    tpu.barrier barrier_id(%barrier3A_142)
    %eq3A_143 = arith.constant 0 : i32
    %eq3A_144 = arith.cmpi eq, %arg1, %eq3A_143 : i32
    %convert_element_type3A_145 = arith.extui %eq3A_144 : i1 to i32
    %cond3A_146 = arith.constant 0 : i32
    %cond3A_147 = arith.cmpi ne, %convert_element_type3A_145, %cond3A_146 : i32
    scf.if %cond3A_147 {
      "tpu.region"() ({
        %run_scoped3A_148 = tpu.sem_alloc : memref<!tpu.dma_semaphore, #tpu.memory_space<semaphore_mem>>
        %dma_start3A_149 = arith.constant 0 : i32
        %dma_start3A_150 = tpu.memref_slice %arg7[%arg0, %dma_start3A_149] : memref<2x8192xf32, #tpu.memory_space<hbm>> -> memref<1x8192xf32, #tpu.memory_space<hbm>>
        %dma_start3A_151 = tpu.memref_squeeze %dma_start3A_150 : memref<1x8192xf32, #tpu.memory_space<hbm>> -> memref<8192xf32, #tpu.memory_space<hbm>>
        tpu.enqueue_dma source(%arg16 : memref<8192xf32, #tpu.memory_space<vmem_shared>>) target(%dma_start3A_151 : memref<8192xf32, #tpu.memory_space<hbm>>) target_semaphore(%run_scoped3A_148 : memref<!tpu.dma_semaphore, #tpu.memory_space<semaphore_mem>>)
        %dma_wait3A_152 = arith.constant 0 : i32
        %dma_wait3A_153 = tpu.memref_slice %arg7[%arg0, %dma_wait3A_152] : memref<2x8192xf32, #tpu.memory_space<hbm>> -> memref<1x8192xf32, #tpu.memory_space<hbm>>
        %dma_wait3A_154 = tpu.memref_squeeze %dma_wait3A_153 : memref<1x8192xf32, #tpu.memory_space<hbm>> -> memref<8192xf32, #tpu.memory_space<hbm>>
        tpu.wait_dma2 semaphore(%run_scoped3A_148 : memref<!tpu.dma_semaphore, #tpu.memory_space<semaphore_mem>>) src(%arg16 : memref<8192xf32, #tpu.memory_space<vmem_shared>>) dst(%dma_wait3A_154 : memref<8192xf32, #tpu.memory_space<hbm>>)
        tpu.yield
      }) : () -> ()
    } else {
    }
    return
  }
}

module attributes {stable_mosaic.version = 14 : i64} {
  func.func @_argmin_body(%arg0: i32, %arg1: i32, %arg2: memref<512x1xf32, #tpu.memory_space<vmem>>, %arg3: memref<1x1024xf32, #tpu.memory_space<vmem>>, %arg4: memref<512x256xf32, #tpu.memory_space<vmem>>, %arg5: memref<1024x256xf32, #tpu.memory_space<vmem>>, %arg6: memref<512x1xi32, #tpu.memory_space<vmem>>, %arg7: memref<512x1xf32, #tpu.memory_space<vmem>>, %arg8: memref<512x1xi32, #tpu.memory_space<vmem>>) attributes {dimension_semantics = [#tpu.dimension_semantics<arbitrary>, #tpu.dimension_semantics<arbitrary>], iteration_bounds = array<i64: 18, 8>, scalar_prefetch = 0 : i64, scratch_operands = 2 : i64, tpu.core_type = #tpu.core_type<tc>, window_params = [{transform_indices = @transform_0, window_bounds = array<i64: 512, 1>}, {transform_indices = @transform_1, window_bounds = array<i64: 1, 1024>}, {transform_indices = @transform_2, window_bounds = array<i64: 512, 256>}, {transform_indices = @transform_3, window_bounds = array<i64: 1024, 256>}, {transform_indices = @transform_4, window_bounds = array<i64: 512, 1>}]} {
    %eq3A = arith.constant 0 : i32
    %eq3A_0 = arith.cmpi eq, %arg1, %eq3A : i32
    %convert_element_type3A = arith.extui %eq3A_0 : i1 to i32
    %cond3A = arith.constant 0 : i32
    %cond3A_1 = arith.cmpi ne, %convert_element_type3A, %cond3A : i32
    scf.if %cond3A_1 {
      %broadcast_in_dim3A_50 = arith.constant 0x7F800000 : f32
      %broadcast_in_dim3A_51 = vector.broadcast %broadcast_in_dim3A_50 : f32 to vector<512x1xf32>
      %swap3A_52 = arith.constant 0 : index
      %swap3A_53 = arith.constant 0 : index
      %swap3A_54 = vector.load %arg7[%swap3A_52, %swap3A_53] : memref<512x1xf32, #tpu.memory_space<vmem>>, vector<512x1xf32>
      tpu.vector_store %arg7[%swap3A_52, %swap3A_53], %broadcast_in_dim3A_51 {strides = array<i32>} : memref<512x1xf32, #tpu.memory_space<vmem>>, vector<512x1xf32>,
      %broadcast_in_dim3A_55 = arith.constant 0 : i32
      %broadcast_in_dim3A_56 = vector.broadcast %broadcast_in_dim3A_55 : i32 to vector<512x1xi32>
      %swap3A_57 = arith.constant 0 : index
      %swap3A_58 = arith.constant 0 : index
      %swap3A_59 = vector.load %arg8[%swap3A_57, %swap3A_58] : memref<512x1xi32, #tpu.memory_space<vmem>>, vector<512x1xi32>
      tpu.vector_store %arg8[%swap3A_57, %swap3A_58], %broadcast_in_dim3A_56 {strides = array<i32>} : memref<512x1xi32, #tpu.memory_space<vmem>>, vector<512x1xi32>,
    } else {
    }
    %get3A = arith.constant 0 : index
    %get3A_2 = arith.constant 0 : index
    %get3A_3 = vector.load %arg4[%get3A, %get3A_2] : memref<512x256xf32, #tpu.memory_space<vmem>>, vector<512x256xf32>
    %get3A_4 = arith.constant 0 : index
    %get3A_5 = arith.constant 0 : index
    %get3A_6 = vector.load %arg5[%get3A_4, %get3A_5] : memref<1024x256xf32, #tpu.memory_space<vmem>>, vector<1024x256xf32>
    %dot_general3A = arith.constant dense<0.000000e+00> : vector<512x1024xf32>
    %dot_general3A_7 = tpu.matmul %get3A_3, %get3A_6, %dot_general3A {dimension_numbers = #tpu.dot_dimension_numbers<[1], [1], [0], [0], [0, 0, 1, 0], [], []>, transpose_lhs_hint = false} : vector<512x256xf32>, vector<1024x256xf32>, vector<512x1024xf32> -> vector<512x1024xf32>
    %get3A_8 = arith.constant 0 : index
    %get3A_9 = arith.constant 0 : index
    %get3A_10 = vector.load %arg2[%get3A_8, %get3A_9] : memref<512x1xf32, #tpu.memory_space<vmem>>, vector<512x1xf32>
    %mul3A = arith.constant 2.000000e+00 : f32
    %mul3A_11 = vector.broadcast %mul3A : f32 to vector<512x1024xf32>
    %mul3A_12 = arith.mulf %mul3A_11, %dot_general3A_7 : vector<512x1024xf32>
    %sub3A = vector.broadcast %get3A_10 : vector<512x1xf32> to vector<512x1024xf32>
    %sub3A_13 = arith.subf %sub3A, %mul3A_12 : vector<512x1024xf32>
    %get3A_14 = arith.constant 0 : index
    %get3A_15 = arith.constant 0 : index
    %get3A_16 = vector.load %arg3[%get3A_14, %get3A_15] : memref<1x1024xf32, #tpu.memory_space<vmem>>, vector<1x1024xf32>
    %add3A = vector.broadcast %get3A_16 : vector<1x1024xf32> to vector<512x1024xf32>
    %add3A_17 = arith.addf %sub3A_13, %add3A : vector<512x1024xf32>
    %reduce_min3A = arith.constant dense<0x7F800000> : vector<512xf32>
    %reduce_min3A_18 = vector.multi_reduction <minimumf>, %add3A_17, %reduce_min3A [1] : vector<512x1024xf32> to vector<512xf32>
    %broadcast_in_dim3A = vector.shape_cast %reduce_min3A_18 : vector<512xf32> to vector<512x1xf32>
    %iota3A = tpu.iota {dimensions = array<i32: 1>} : vector<512x1024xi32>
    %mul3A_19 = arith.constant 1024 : i32
    %mul3A_20 = arith.muli %arg1, %mul3A_19 : i32
    %add3A_21 = vector.broadcast %mul3A_20 : i32 to vector<512x1024xi32>
    %add3A_22 = arith.addi %iota3A, %add3A_21 : vector<512x1024xi32>
    %eq3A_23 = vector.broadcast %broadcast_in_dim3A : vector<512x1xf32> to vector<512x1024xf32>
    %eq3A_24 = arith.cmpf oeq, %add3A_17, %eq3A_23 : vector<512x1024xf32>
    %jit3A = arith.constant 1073741824 : i32
    %broadcast_in_dim3A_25 = vector.broadcast %jit3A : i32 to vector<512x1024xi32>
    %select_n3A = arith.select %eq3A_24, %add3A_22, %broadcast_in_dim3A_25 : vector<512x1024xi1>, vector<512x1024xi32>
    %reduce_min3A_26 = arith.constant dense<2147483647> : vector<512xi32>
    %reduce_min3A_27 = vector.multi_reduction <minsi>, %select_n3A, %reduce_min3A_26 [1] : vector<512x1024xi32> to vector<512xi32>
    %broadcast_in_dim3A_28 = vector.shape_cast %reduce_min3A_27 : vector<512xi32> to vector<512x1xi32>
    %get3A_29 = arith.constant 0 : index
    %get3A_30 = arith.constant 0 : index
    %get3A_31 = vector.load %arg7[%get3A_29, %get3A_30] : memref<512x1xf32, #tpu.memory_space<vmem>>, vector<512x1xf32>
    %lt3A = arith.cmpf olt, %broadcast_in_dim3A, %get3A_31 : vector<512x1xf32>
    %get3A_32 = arith.constant 0 : index
    %get3A_33 = arith.constant 0 : index
    %get3A_34 = vector.load %arg7[%get3A_32, %get3A_33] : memref<512x1xf32, #tpu.memory_space<vmem>>, vector<512x1xf32>
    %select_n3A_35 = arith.select %lt3A, %broadcast_in_dim3A, %get3A_34 : vector<512x1xi1>, vector<512x1xf32>
    %swap3A = arith.constant 0 : index
    %swap3A_36 = arith.constant 0 : index
    %swap3A_37 = vector.load %arg7[%swap3A, %swap3A_36] : memref<512x1xf32, #tpu.memory_space<vmem>>, vector<512x1xf32>
    tpu.vector_store %arg7[%swap3A, %swap3A_36], %select_n3A_35 {strides = array<i32>} : memref<512x1xf32, #tpu.memory_space<vmem>>, vector<512x1xf32>,
    %get3A_38 = arith.constant 0 : index
    %get3A_39 = arith.constant 0 : index
    %get3A_40 = vector.load %arg8[%get3A_38, %get3A_39] : memref<512x1xi32, #tpu.memory_space<vmem>>, vector<512x1xi32>
    %select_n3A_41 = arith.select %lt3A, %broadcast_in_dim3A_28, %get3A_40 : vector<512x1xi1>, vector<512x1xi32>
    %swap3A_42 = arith.constant 0 : index
    %swap3A_43 = arith.constant 0 : index
    %swap3A_44 = vector.load %arg8[%swap3A_42, %swap3A_43] : memref<512x1xi32, #tpu.memory_space<vmem>>, vector<512x1xi32>
    tpu.vector_store %arg8[%swap3A_42, %swap3A_43], %select_n3A_41 {strides = array<i32>} : memref<512x1xi32, #tpu.memory_space<vmem>>, vector<512x1xi32>,
    %eq3A_45 = arith.constant 7 : i32
    %eq3A_46 = arith.cmpi eq, %arg1, %eq3A_45 : i32
    %convert_element_type3A_47 = arith.extui %eq3A_46 : i1 to i32
    %cond3A_48 = arith.constant 0 : i32
    %cond3A_49 = arith.cmpi ne, %convert_element_type3A_47, %cond3A_48 : i32
    scf.if %cond3A_49 {
      %get3A_50 = arith.constant 0 : index
      %get3A_51 = arith.constant 0 : index
      %get3A_52 = vector.load %arg8[%get3A_50, %get3A_51] : memref<512x1xi32, #tpu.memory_space<vmem>>, vector<512x1xi32>
      %swap3A_53 = arith.constant 0 : index
      %swap3A_54 = arith.constant 0 : index
      %swap3A_55 = vector.load %arg6[%swap3A_53, %swap3A_54] : memref<512x1xi32, #tpu.memory_space<vmem>>, vector<512x1xi32>
      tpu.vector_store %arg6[%swap3A_53, %swap3A_54], %get3A_52 {strides = array<i32>} : memref<512x1xi32, #tpu.memory_space<vmem>>, vector<512x1xi32>,
    } else {
    }
    return
  }
  func.func @transform_0(%arg0: i32, %arg1: i32) -> (i32, i32) {
    %c0_i32 = arith.constant 0 : i32
    %c0_i32_0 = arith.constant 0 : i32
    return %arg0, %c0_i32 : i32, i32
  }
  func.func @transform_1(%arg0: i32, %arg1: i32) -> (i32, i32) {
    %c0_i32 = arith.constant 0 : i32
    %c0_i32_0 = arith.constant 0 : i32
    return %c0_i32, %arg1 : i32, i32
  }
  func.func @transform_2(%arg0: i32, %arg1: i32) -> (i32, i32) {
    %c0_i32 = arith.constant 0 : i32
    %c0_i32_0 = arith.constant 0 : i32
    return %arg0, %c0_i32 : i32, i32
  }
  func.func @transform_3(%arg0: i32, %arg1: i32) -> (i32, i32) {
    %c0_i32 = arith.constant 0 : i32
    %c0_i32_0 = arith.constant 0 : i32
    return %arg1, %c0_i32 : i32, i32
  }
  func.func @transform_4(%arg0: i32, %arg1: i32) -> (i32, i32) {
    %c0_i32 = arith.constant 0 : i32
    %c0_i32_0 = arith.constant 0 : i32
    return %arg0, %c0_i32 : i32, i32
  }
}

module attributes {stable_mosaic.version = 14 : i64} {
  func.func @_stats_body(%arg0: memref<2x8192xf32, #tpu.memory_space<vmem>>, %arg1: memref<32x16xf32, #tpu.memory_space<vmem>>, %arg2: memref<1x1xf32, #tpu.memory_space<smem>>, %arg3: memref<1x1xf32, #tpu.memory_space<smem>>, %arg4: memref<1x1xf32, #tpu.memory_space<smem>>, %arg5: memref<1x1xf32, #tpu.memory_space<smem>>) attributes {dimension_semantics = [], scalar_prefetch = 0 : i64, scratch_operands = 0 : i64, tpu.core_type = #tpu.core_type<tc>} {
    %get3A = arith.constant 0 : index
    %get3A_0 = arith.constant 0 : index
    %get3A_1 = vector.load %arg0[%get3A, %get3A_0] : memref<2x8192xf32, #tpu.memory_space<vmem>>, vector<1x8192xf32>
    %get3A_2 = arith.constant 1 : index
    %get3A_3 = arith.constant 0 : index
    %get3A_4 = vector.load %arg0[%get3A_2, %get3A_3] : memref<2x8192xf32, #tpu.memory_space<vmem>>, vector<1x8192xf32>
    %add3A = arith.addf %get3A_1, %get3A_4 : vector<1x8192xf32>
    %reduce_sum3A = vector.shape_cast %add3A : vector<1x8192xf32> to vector<1x1x8192xf32>
    %reduce_sum3A_5 = arith.constant dense<0.000000e+00> : vector<1xf32>
    %reduce_sum3A_6 = vector.multi_reduction <add>, %reduce_sum3A, %reduce_sum3A_5 [1, 2] : vector<1x1x8192xf32> to vector<1xf32>
    %reduce_sum3A_7 = vector.shape_cast %reduce_sum3A_6 : vector<1xf32> to vector<1x1x1xf32>
    %reduce_sum3A_8 = vector.extract %reduce_sum3A_7[0, 0, 0] : f32 from vector<1x1x1xf32>
    %max3A = arith.constant 1.000000e+00 : f32
    %max3A_9 = arith.maximumf %reduce_sum3A_8, %max3A : f32
    %div3A = vector.broadcast %max3A_9 : f32 to vector<1x8192xf32>
    %div3A_10 = arith.divf %add3A, %div3A : vector<1x8192xf32>
    %add3A_11 = arith.constant 1.000000e-10 : f32
    %add3A_12 = vector.broadcast %add3A_11 : f32 to vector<1x8192xf32>
    %add3A_13 = arith.addf %div3A_10, %add3A_12 : vector<1x8192xf32>
    %log3A = math.log %add3A_13 : vector<1x8192xf32>
    %mul3A = arith.mulf %div3A_10, %log3A : vector<1x8192xf32>
    %reduce_sum3A_14 = vector.shape_cast %mul3A : vector<1x8192xf32> to vector<1x1x8192xf32>
    %reduce_sum3A_15 = arith.constant dense<0.000000e+00> : vector<1xf32>
    %reduce_sum3A_16 = vector.multi_reduction <add>, %reduce_sum3A_14, %reduce_sum3A_15 [1, 2] : vector<1x1x8192xf32> to vector<1xf32>
    %reduce_sum3A_17 = vector.shape_cast %reduce_sum3A_16 : vector<1xf32> to vector<1x1x1xf32>
    %reduce_sum3A_18 = vector.extract %reduce_sum3A_17[0, 0, 0] : f32 from vector<1x1x1xf32>
    %neg3A = arith.constant 0.000000e+00 : f32
    %neg3A_19 = arith.subf %neg3A, %reduce_sum3A_18 : f32
    %exp3A = math.exp %neg3A_19 : f32
    %gt3A = arith.constant 0.000000e+00 : f32
    %gt3A_20 = vector.broadcast %gt3A : f32 to vector<1x8192xf32>
    %gt3A_21 = arith.cmpf ogt, %add3A, %gt3A_20 : vector<1x8192xf32>
    %convert_element_type3A = arith.extui %gt3A_21 : vector<1x8192xi1> to vector<1x8192xi32>
    %convert_element_type3A_22 = arith.sitofp %convert_element_type3A : vector<1x8192xi32> to vector<1x8192xf32>
    %reduce_sum3A_23 = vector.shape_cast %convert_element_type3A_22 : vector<1x8192xf32> to vector<1x1x8192xf32>
    %reduce_sum3A_24 = arith.constant dense<0.000000e+00> : vector<1xf32>
    %reduce_sum3A_25 = vector.multi_reduction <add>, %reduce_sum3A_23, %reduce_sum3A_24 [1, 2] : vector<1x1x8192xf32> to vector<1xf32>
    %reduce_sum3A_26 = vector.shape_cast %reduce_sum3A_25 : vector<1xf32> to vector<1x1x1xf32>
    %reduce_sum3A_27 = vector.extract %reduce_sum3A_26[0, 0, 0] : f32 from vector<1x1x1xf32>
    %get3A_28 = arith.constant 0 : index
    %get3A_29 = arith.constant 0 : index
    %get3A_30 = vector.load %arg1[%get3A_28, %get3A_29] : memref<32x16xf32, #tpu.memory_space<vmem>>, vector<32x16xf32>
    %reduce_sum3A_31 = vector.shape_cast %get3A_30 : vector<32x16xf32> to vector<1x32x16xf32>
    %reduce_sum3A_32 = arith.constant dense<0.000000e+00> : vector<1xf32>
    %reduce_sum3A_33 = vector.multi_reduction <add>, %reduce_sum3A_31, %reduce_sum3A_32 [1, 2] : vector<1x32x16xf32> to vector<1xf32>
    %reduce_sum3A_34 = vector.shape_cast %reduce_sum3A_33 : vector<1xf32> to vector<1x1x1xf32>
    %reduce_sum3A_35 = vector.extract %reduce_sum3A_34[0, 0, 0] : f32 from vector<1x1x1xf32>
    %mul3A_36 = arith.constant 4.23855255E-7 : f32
    %mul3A_37 = arith.mulf %reduce_sum3A_35, %mul3A_36 : f32
    %mul3A_38 = arith.constant 2.500000e-01 : f32
    %mul3A_39 = arith.mulf %mul3A_38, %mul3A_37 : f32
    %add3A_40 = arith.addf %mul3A_37, %mul3A_39 : f32
    %swap3A = arith.constant 0 : index
    %swap3A_41 = arith.constant 0 : index
    %swap3A_42 = memref.load %arg2[%swap3A, %swap3A_41] : memref<1x1xf32, #tpu.memory_space<smem>>
    memref.store %add3A_40, %arg2[%swap3A, %swap3A_41] : memref<1x1xf32, #tpu.memory_space<smem>>
    %swap3A_43 = arith.constant 0 : index
    %swap3A_44 = arith.constant 0 : index
    %swap3A_45 = memref.load %arg3[%swap3A_43, %swap3A_44] : memref<1x1xf32, #tpu.memory_space<smem>>
    memref.store %exp3A, %arg3[%swap3A_43, %swap3A_44] : memref<1x1xf32, #tpu.memory_space<smem>>
    %swap3A_46 = arith.constant 0 : index
    %swap3A_47 = arith.constant 0 : index
    %swap3A_48 = memref.load %arg4[%swap3A_46, %swap3A_47] : memref<1x1xf32, #tpu.memory_space<smem>>
    memref.store %reduce_sum3A_27, %arg4[%swap3A_46, %swap3A_47] : memref<1x1xf32, #tpu.memory_space<smem>>
    %div3A_49 = arith.constant 8.192000e+03 : f32
    %div3A_50 = arith.divf %reduce_sum3A_27, %div3A_49 : f32
    %swap3A_51 = arith.constant 0 : index
    %swap3A_52 = arith.constant 0 : index
    %swap3A_53 = memref.load %arg5[%swap3A_51, %swap3A_52] : memref<1x1xf32, #tpu.memory_space<smem>>
    memref.store %div3A_50, %arg5[%swap3A_51, %swap3A_52] : memref<1x1xf32, #tpu.memory_space<smem>>
    return
  }
}

</mosaic_0001>

<sc_bundles>
// kernel: kernel.5.cloned.1.call-start
scs
__scs_entry_jumppad:
0x0: {  	(pc) =	sbr.rel $0x88, $3  }
0x1: {  	(tag) =	ssettag $0x0;
	lr =	simm.s32 $0x1  }
0x2: {  	[smem:$0x3F9F] =	sst lr;
	_ =	strace $0xD0000000  }
0x3: {  	_ = 	snop  }
0x4: {  	_ = 	snop  }
0x5: {  	_ = 	snop  }
0x6: {  	_ = 	snop  }
0x7: {  	_ = 	snop  }
__scs_overlays_trampoline_lowered:
0x8: {  	[smem:$0x3FAE] =	sst s0  }
0x9: {  	[smem:$0x3FAF] =	sst s1  }
0xa: {  	[smem:$0x3FB0] =	sst s2  }
0xb: {  	[smem:$0x3FB1] =	sst s3  }
0xc: {  	[smem:$0x3FB2] =	sst s4  }
0xd: {  	[smem:$0x3FB3] =	sst s5  }
0xe: {  	[smem:$0x3FB4] =	sst s6  }
0xf: {  	[smem:$0x3FB5] =	sst s7  }
0x10: {  	[smem:$0x3FB6] =	sst s8  }
0x11: {  	[smem:$0x3FB7] =	sst s9;
	s0 =	simm.s32 @!p0 $0x0  }
0x12: {  	s1 =	sld [smem:$0x3F9D];
	s0 =	simm.s32 @p0 $0x1  }
0x13: {  	[smem:$0x3FB8] =	sst s0;
	s0 =	simm.s32 @!p1 $0x0  }
0x14: {  	s2 =	sld [smem:$0x3F9C];
	s0 =	simm.s32 @p1 $0x1  }
0x15: {  	[smem:$0x3FB9] =	sst s0;
	s0 =	simm.s32 @!p2 $0x0  }
0x16: {  	s3 =	sld [smem:$0x3FDB];
	s0 =	simm.s32 @p2 $0x1  }
0x17: {  	s4 =	simm.s32 $0x1BF5;
	[smem:$0x3FBB] =	sst s0  }
0x18: {  	s0 =	sld [smem:$0x3F9E];
	_ =	swait.ge [sflag:s4], $0x0  }
0x19: {  	s7 =	sld [smem:$0x3F9F]  }
0x1a: {  	s8 =	sadd.s32 $0xFFFFE003, lr  }
0x1b: {  	s9 =	sadd.s32 $0xFFFFFEF7, lr;
	s5 =	simm.s32 $0xFFFFFFFF;
	p2 =	slt.u32 s8, $0xFFFFF086  }
0x1c: {  	p1 =	slt.u32 s9, $0xF7A;
	s5 =	simm.s32 @!p2 $0x0  }
0x1d: {  	s5 =	simm.s32 @p1 $0x1;
	p0 =	seq.s32 s7, s2  }
0x1e: {  	s7 =	smul.u32 @!p0 $0xF7A, s2;
	p2 =	seq.s32 @!p0 s5, $0x0  }
0x1f: {  	s9 =	smul.u32 $0xF7A, s1;
	s8 =	simm.s32 @!p0 $0x1BF5;
	p2 =	por !p2, p0  }
0x20: {  	[sflag:s8] =	ssyncset.s32 @!p0 $0xFFFFF086;
	s6 =	sadd.s32 @!p0 s3, s7;
	s7 =	simm.s32 @!p0 $0x108  }
0x21: {  	s3 =	sadd.s32 s3, s9;
	s6 =	sadd.s32 @!p0 $0x88, s6;
	s7 =	simm.s32 @p2 $0x1082  }
0x22: {  	[simem:s7], [sflag:s8] =	dma.local @!p0 [hbm:s6], $0xF7A  }
0x23: {  	s9 =	sor.u32 $0xD0000000, s2;
	s6 =	simm.s32 $0x108;
	_ =	swait.ge @!p0 [sflag:s8], $0x0  }
0x24: {  	s3 =	sadd.s32 $0x88, s3;
	s6 =	simm.s32 @!p1 $0x1082;
	[sflag:s4] =	ssyncset.s32 $0xFFFFF086  }
0x25: {  	[simem:s6], [sflag:s4] =	dma.local [hbm:s3], $0xF7A  }
0x26: {  	[smem:$0x3F9F] =	sst s1;
	(tag) =	ssettag s2;
	_ =	strace s9  }
0x27: {  	s1 =	sld [smem:$0x3FAF]  }
0x28: {  	s2 =	sld [smem:$0x3FB0]  }
0x29: {  	s4 =	sld [smem:$0x3FB2]  }
0x2a: {  	p0 =	seq.s32 s5, $0x0;
	s5 =	sld [smem:$0x3FB3]  }
0x2b: {  	s6 =	sld [smem:$0x3FB4]  }
0x2c: {  	s7 =	sld [smem:$0x3FB5]  }
0x2d: {  	s3 =	simm.s32 $0x108;
	s8 =	sld [smem:$0x3FB6]  }
0x2e: {  	s3 =	simm.s32 @!p0 $0x1082;
	s9 =	sld [smem:$0x3FB7]  }
0x2f: {  	lr =	sadd.s32 s0, s3;
	s0 =	sld [smem:$0x3FAE]  }
0x30: {  	s3 =	sld [smem:$0x3FB1]  }
0x31: {  	[smem:$0x3FBA] =	sst s10  }
0x32: {  	s10 =	sld [smem:$0x3FB8];
	_ =	sdelay $0x3  }
0x33: {  	p0 =	seq.s32 s10, $0x1;
	s10 =	sld [smem:$0x3FBA];
	_ =	sdelay $0x3  }
0x34: {  	[smem:$0x3FBA] =	sst s10  }
0x35: {  	s10 =	sld [smem:$0x3FB9];
	_ =	sdelay $0x3  }
0x36: {  	p1 =	seq.s32 s10, $0x1;
	s10 =	sld [smem:$0x3FBA];
	_ =	sdelay $0x3  }
0x37: {  	[smem:$0x3FBA] =	sst s10  }
0x38: {  	s10 =	sld [smem:$0x3FBB]  }
0x39: {  	_ = 	snop;
	(pc) =	sbr.ind lr, $3  }
0x3a: {  	_ = 	snop  }
0x3b: {  	_ = 	snop  }
0x3c: {  	p2 =	seq.s32 s10, $0x1;
	s10 =	sld [smem:$0x3FBA]  }
0x3d: {  	_ =	shalt  }
0x3e: {  	_ =	shalt  }
0x3f: {  	_ =	shalt  }
0x40: {  	_ =	shalt  }
0x41: {  	_ =	shalt  }
0x42: {  	_ =	shalt  }
0x43: {  	_ =	shalt  }
0x44: {  	_ =	shalt  }
0x45: {  	_ =	shalt  }
0x46: {  	_ =	shalt  }
0x47: {  	_ =	shalt  }
0x48: {  	_ =	shalt  }
0x49: {  	_ =	shalt  }
0x4a: {  	_ =	shalt  }
0x4b: {  	_ =	shalt  }
0x4c: {  	_ =	shalt  }
0x4d: {  	_ =	shalt  }
0x4e: {  	_ =	shalt  }
0x4f: {  	_ =	shalt  }
0x50: {  	_ =	shalt  }
0x51: {  	_ =	shalt  }
0x52: {  	_ =	shalt  }
0x53: {  	_ =	shalt  }
0x54: {  	_ =	shalt  }
0x55: {  	_ =	shalt  }
0x56: {  	_ =	shalt  }
0x57: {  	_ =	shalt  }
0x58: {  	_ =	shalt  }
0x59: {  	_ =	shalt  }
0x5a: {  	_ =	shalt  }
0x5b: {  	_ =	shalt  }
0x5c: {  	_ =	shalt  }
0x5d: {  	_ =	shalt  }
0x5e: {  	_ =	shalt  }
0x5f: {  	_ =	shalt  }
0x60: {  	_ =	shalt  }
0x61: {  	_ =	shalt  }
0x62: {  	_ =	shalt  }
0x63: {  	_ =	shalt  }
0x64: {  	_ =	shalt  }
0x65: {  	_ =	shalt  }
0x66: {  	_ =	shalt  }
0x67: {  	_ =	shalt  }
0x68: {  	_ =	shalt  }
0x69: {  	_ =	shalt  }
0x6a: {  	_ =	shalt  }
0x6b: {  	_ =	shalt  }
0x6c: {  	_ =	shalt  }
0x6d: {  	_ =	shalt  }
0x6e: {  	_ =	shalt  }
0x6f: {  	_ =	shalt  }
0x70: {  	_ =	shalt  }
0x71: {  	_ =	shalt  }
0x72: {  	_ =	shalt  }
0x73: {  	_ =	shalt  }
0x74: {  	_ =	shalt  }
0x75: {  	_ =	shalt  }
0x76: {  	_ =	shalt  }
0x77: {  	_ =	shalt  }
0x78: {  	_ =	shalt  }
0x79: {  	_ =	shalt  }
0x7a: {  	_ =	shalt  }
0x7b: {  	_ =	shalt  }
0x7c: {  	_ =	shalt  }
0x7d: {  	_ =	shalt  }
0x7e: {  	_ =	shalt  }
0x7f: {  	_ =	shalt  }
0x80: {  	_ =	shalt  }
0x81: {  	_ =	shalt  }
0x82: {  	_ =	shalt  }
0x83: {  	_ =	shalt  }
0x84: {  	_ =	shalt  }
0x85: {  	_ =	shalt  }
0x86: {  	_ =	shalt  }
0x87: {  	_ =	shalt  }
.Lfunc_end0:
.L_simem_size_0:
called_computation_lowered:
.L_overlay_start_0:
0x88: {  	s2 =	sld [smem:$0x3FD9]  }
0x89: {  	s3 =	sld [smem:$0x3FFE];
	_ =	sdelay $0x1  }
0x8a: {  	s1 =	srdreg.scid  }
0x8b: {  	s0 =	sand.u32 $0x1, s1  }
0x8c: {  	s14 =	sshll.u32 s0, $0xA;
	s2 =	sadd.s32 s3, s2  }
0x8d: {  	s2 =	sadd.s32 s2, s14  }
0x8e: {  	[smem:$0x3FC6] =	sst s2  }
0x8f: {  	_ = 	snop  }
0x90: {  	s2 =	sld [smem:$0x3FD0];
	_ =	sdelay $0x1  }
0x91: {  	s15 =	sld [smem:$0x3FC9]  }
0x92: {  	s5 =	simm.s32 $0xA;
	s6 =	simm.s32 $0x10;
	s4 =	sld [smem:$0x3FC8]  }
0x93: {  	[smem:s6], [sflag:s5] =	dma.local [hbm:s2], $0x1  }
0x94: {  	_ =	swait.eq [sflag:s5], $0x1  }
0x95: {  	[sflag:s5] =	ssyncset.done $0x0  }
0x96: {  	s16 =	sld [smem:$0x10];
	[sflag:s5] =	ssyncadd.s32 $0xFFFFFFFF  }
0x97: {  	s17 =	sld [smem:$0x12];
	(tm) =	ssettm $0x1  }
0x98: {  	s18 =	sld [smem:$0x3FFB];
	_ =	sdelay $0x3  }
0x99: {  	_ =	strace s18  }
0x9a: {  	s6 =	sld [smem:$0x3FFC];
	_ =	sdelay $0x3  }
0x9b: {  	_ =	strace s6  }
0x9c: {  	s6 =	sld [smem:$0x3FFD];
	_ =	sdelay $0x3  }
0x9d: {  	_ =	strace s6  }
0x9e: {  	_ =	strace $0x8FFFFFFF  }
0x9f: {  	s19 =	sld [smem:$0x3FDB];
	_ =	sdelay $0x1  }
0xa0: {  	s7 =	simm.s32 $_scs_section_size  }
0xa1: {  	s8 =	simm.s32 $_size__tile_overlayer_lowered;
	s9 =	simm.s32 $_tile_overlayer_lowered  }
0xa2: {  	s22 =	simm.s32 $0x1BFF;
	s21 =	sshll.u32 s9, $0x1;
	s6 =	sadd.s32 s7, s19  }
0xa3: {  	s10 =	simm.s32 $0x0;
	s20 =	sshll.u32 s8, $0x1;
	s8 =	sadd.s32 s21, s6  }
0xa4: {  	[timem:s10], [sflag:s22] =	dma.local [hbm:s8], s20  }
0xa5: {  	_ =	swait.ge [sflag:s22], s20  }
0xa6: {  	s7 =	ssub.s32 $0x0, s20;
	[sflag:s22] =	ssyncset.done $0x0  }
0xa7: {  	[sflag:s22] =	ssyncadd.s32 s7;
	_ =	sdelay $0x1  }
0xa8: {  	s23 =	simm.s32 $0x1B8B  }
0xa9: {  	_ =	swait.ge [sflag:s23], $0x1  }
0xaa: {  	[sflag:s23] =	ssyncset.done $0x0  }
0xab: {  	s25 =	simm.s32 $0x1B8E;
	s24 =	sld [smem:$0x3FFE];
	[sflag:s23] =	ssyncadd.s32 $0xFFFFFFFF  }
0xac: {  	s26 =	simm.s32 $execute0_lowered;
	[smem:$0x3FD2] =	sst s25  }
0xad: {  	s8 =	sshll.u32 s26, $0x1;
	_ =	strace $0x80000046;
	[dreg:$0x1] =	wrdreg $0xFFFFFFFF  }
0xae: {  	s28 =	simm.s32 $_size_execute0_lowered;
	s6 =	sadd.s32 s6, s8;
	[dreg:$0x0] =	wrdreg $0x0  }
0xaf: {  	s8 =	sshll.u32 s28, $0x1;
	[dreg:$0x2] =	wrdreg s6  }
0xb0: {  	[dreg:$0x3] =	wrdreg s8  }
0xb1: {  	[dreg:$0x4] =	wrdreg $0xC0  }
0xb2: {  	_ =	task [dreg:s10], $0x5FFFF  }
0xb3: {  	[dreg:$0x1] =	wrdreg $0xFFFFFFFF  }
0xb4: {  	[dreg:$0x0] =	wrdreg $0x60  }
0xb5: {  	[dreg:$0x2] =	wrdreg s24  }
0xb6: {  	[dreg:$0x3] =	wrdreg s15  }
0xb7: {  	[dreg:$0x4] =	wrdreg s4  }
0xb8: {  	[dreg:$0x5] =	wrdreg s17  }
0xb9: {  	[dreg:$0x6] =	wrdreg s16  }
0xba: {  	[dreg:$0x7] =	wrdreg $0x143000  }
0xbb: {  	[dreg:$0x8] =	wrdreg $0x9  }
0xbc: {  	_ =	task.clear_ibuf [dreg:s10], $0x9FFFF;
	_ =	strace $0x90000046  }
0xbd: {  	s29 =	simm.s32 $0x9;
	_ =	strace $0x80000048  }
0xbe: {  	_ =	swait.ge [sflag:s29], $0x1  }
0xbf: {  	[sflag:s29] =	ssyncadd.s32 $0xFFFFFFFF  }
0xc0: {  	_ =	strace $0x90000048  }
0xc1: {  	_ =	sfence  }
0xc2: {  	s30 =	sld [smem:$0x0];
	_ =	sdelay $0x2  }
0xc3: {  	s31 =	sshll.u32 s1, $0xD;
	s1 =	sshrl.u32 s1, $0x2  }
0xc4: {  	s3 =	sand.u32 $0x4000, s31;
	s1 =	sadd.s32 s1, s30  }
0xc5: {  	s0 =	sor.u32 s3, s0;
	s1 =	sshll.u32 s1, $0x11  }
0xc6: {  	s0 =	sor.u32 s1, s0  }
0xc7: {  	s0 =	sadd.s32 $0x8F2B, s0  }
0xc8: {  	[sflag:s0] =	ssyncadd.remote.s32 $0x1  }
0xc9: {  	_ =	sfence.sel $0xFFFF  }
0xca: {  	[dreg:$0x0] =	wrdreg $0xFFFFFFFF;
	(pc) =	sbr.abs _section_cstart, $3  }
0xcb: {  	[dreg:$0x1] =	wrdreg $0xFFFFFFFF  }
0xcc: {  	_ =	task.clear_ibuf [dreg:s10], $0x2FFFF;
	_ =	strace $0x9FFFFFFF  }
0xcd: {  	(tm) =	ssettm $0x7FFFFFFF  }
tec
execute0_lowered:
.L_overlay_start_1:
0x0: {  	(tag) =	ssettag $0x1  }
0x1: {  	s1 =	rddreg [dreg:$0x0]  }
0x2: {  	s5 =	rddreg [dreg:$0x1]  }
0x3: {  	s0 =	rddreg [dreg:$0x2]  }
0x4: {  	s6 =	rddreg [dreg:$0x3];
	s2 =	srdreg.scid  }
0x5: {  	s7 =	stileid.u32;
	s8 =	rddreg [dreg:$0x4]  }
0x6: {  	s12 =	simm.s32 $0x1;
	s14 =	simm.s32 $0x12000;
	s28 =	simm.s32 $0x200  }
0x7: {  	s29 =	simm.s32 $0xA00;
	s30 =	simm.s32 $0x1200;
	s31 =	simm.s32 $0x1A00  }
0x8: {  	s4 =	sand.u32 $0x1, s2;
	s3 =	sshll.u32 s7, $0x1;
	s2 =	rddreg [dreg:$0x5]  }
0x9: {  	s9 =	sor.u32 s4, s3;
	s3 =	simm.s32 $0x0;
	p0 =	seq.s32 s4, $0x1  }
0xa: {  	s11 =	sshll.u32 s4, $0x4;
	s4 =	ssub.s32 $0x2, s4;
	s10 =	smul.u32 $0x120, s9  }
0xb: {  	[smem:$0x7FF] =	sst s3;
	p1 =	seq.s32 s9, $0x0;
	s11 =	sadd.s32 s11, s1  }
0xc: {  	s9 =	sshll.u32 s9, $0x4;
	s13 =	sshrl.u32 s4, $0x1;
	s14 =	simm.s32 @!p0 $0x0  }
0xd: {  	_ =	strace $0x80000047;
	p1 =	por !p1, !p0;
	s15 =	ssub.s32 s4, s13  }
0xe: {  	s4 =	simm.s32 $0x1;
	s10 =	sshrl.u32 s10, $0x3;
	p1 =	por !p1, !p1  }
0xf: {  	p0 =	sne.s32 s7, $0x0;
	s10 =	sadd.s32 s10, s1;
	s12 =	simm.s32 @!p1 $0x0  }
0x10: {  	s1 =	sadd.s32 s9, s1;
	s9 =	simm.s32 $0xC200;
	s12 =	ssub.s32 s7, s12  }
0x11: {  	s18 =	sadd.s32 $0x600, s10;
	s19 =	sadd.s32 $0x60C, s10;
	s10 =	sadd.s32 $0x618, s10  }
0x12: {  	s17 =	sadd.s32 $0x1400, s1;
	s12 =	smul.u32 $0x24000, s12;
	[dreg:$0x7] =	wrdreg s18  }
0x13: {  	s1 =	simm.s32 $0x2200;
	s7 =	simm.s32 $0x5200;
	[dreg:$0x8] =	wrdreg s19  }
0x14: {  	[dreg:$0x9] =	wrdreg s10;
	s18 =	sadd.s32 $0xC00, s11;
	s12 =	sadd.s32 s14, s12  }
0x15: {  	s19 =	smax.u32 s15, $0x1;
	s14 =	simm.s32 $0x100;
	s20 =	sshrl.u32 s12, $0x3  }
0x16: {  	s23 =	sadd.s32 $0x6000, s12;
	s12 =	sadd.s32 $0xC000, s12;
	s21 =	sadd.s32 s5, s20  }
0x17: {  	s22 =	sadd.s32 s6, s20;
	s10 =	sadd.s32 s8, s20;
	[dreg:$0xa] =	wrdreg s21  }
0x18: {  	s24 =	sshrl.u32 s23, $0x3;
	s12 =	sshrl.u32 s12, $0x3;
	[dreg:$0xb] =	wrdreg s22  }
0x19: {  	s20 =	simm.s32 $0x2;
	s23 =	simm.s32 $0x2A00;
	[dreg:$0xc] =	wrdreg s10  }
0x1a: {  	s13 =	sadd.s32 s5, s24;
	s25 =	sadd.s32 s6, s24;
	s10 =	sadd.s32 s8, s24  }
0x1b: {  	s5 =	sadd.s32 s5, s12;
	s26 =	sadd.s32 s6, s12;
	[dreg:$0xd] =	wrdreg s13  }
0x1c: {  	s16 =	sadd.s32 s8, s12;
	s24 =	simm.s32 $0x60;
	[dreg:$0xe] =	wrdreg s25  }
0x1d: {  	s21 =	simm.s32 $0x3A00;
	s6 =	simm.s32 $0x4200;
	[dreg:$0xf] =	wrdreg s10  }
0x1e: {  	v0 =	vimm.f32 $1.000000000e+00;
	v4 =	vlaneseq.u32;
	s22 =	simm.s32 $0x4A00;
	s8 =	simm.s32 $0x5A00;
	[dreg:$0x10] =	wrdreg s5  }
0x1f: {  	v1 =	vimm.f32 $0.0e+00;
	vm0 =	vmmov $0xffff;
	v3 =	vshrl.u32 v4, $0x3;
	[dreg:$0x11] =	wrdreg s26;
	s13 =	simm.s32 $0x80;
	s25 =	simm.s32 $0x12280  }
0x20: {  	v2 =	vand.u32 $0x7, v4;
	v4 =	vor.u32 $0x8, v4;
	v3 =	vmul.u32 $0x8, v3;
	s26 =	simm.s32 $0x6200;
	s5 =	simm.s32 $0x3200;
	s10 =	simm.s32 $0x0  }
.LBB2_1:
0x21: {  	s11 =	rddreg [dreg:$0x7]  }
0x22: {  	[tilespmem:s3], [sflag:$0x2] =	stream.linear.gather [hbm4b:s11+s3], $0x60, $0x38;
	[tilespmem:$0x14500] =	vst v63  }
0x23: {  	_ =	swait.ge [sflag:s20], $0x60  }
0x24: {  	[sflag:s20] =	ssyncset.done $0x0  }
0x25: {  	s12 =	rddreg [dreg:$0x8];
	[sflag:s20] =	ssyncadd.s32 $0xFFFFFFA0  }
0x26: {  	[tilespmem:s13], [sflag:$0x2] =	stream.linear.gather [hbm4b:s12+s3], $0x60, $0x38;
	[tilespmem:$0x14500] =	vst v63  }
0x27: {  	_ =	swait.ge [sflag:s20], $0x60  }
0x28: {  	[sflag:s20] =	ssyncset.done $0x0  }
0x29: {  	s15 =	rddreg [dreg:$0x9];
	[sflag:s20] =	ssyncadd.s32 $0xFFFFFFA0  }
0x2a: {  	[tilespmem:s14], [sflag:$0x2] =	stream.linear.gather [hbm4b:s15+s3], $0x60, $0x38;
	[tilespmem:$0x14500] =	vst v63  }
0x2b: {  	_ =	swait.ge [sflag:s20], $0x60  }
0x2c: {  	[sflag:s20] =	ssyncset.done $0x0  }
0x2d: {  	[sflag:s20] =	ssyncadd.s32 $0xFFFFFFA0  }
0x2e: {  	[tilespmem:$0x12280] =	vst v0  }
.Ltmp0:
0x2f: {  	[tilespmem:$0x12290] =	vst v0;
	(pc) =	sbr.rel @p0 .LBB2_5-.Ltmp0, $4  }
0x30: {  	[tilespmem:$0x122A0] =	vst v0  }
0x31: {  	[tilespmem:$0x122B0] =	vst v0  }
0x32: {  	[tilespmem:$0x122C0] =	vst v0  }
0x33: {  	[tilespmem:$0x122D0] =	vst v0  }
0x34: {  	s11 =	simm.s32 $0x40;
	s12 =	simm.s32 $0x0  }
.LBB2_3:
0x35: {  	p1 =	sne.s32 s11, $0x7FC0;
	[tilespmem:s12+$0x12300] =	vst v1;
	s12 =	smov.u32 s11;
	s11 =	sadd.s32 $0x40, s11  }
.Ltmp1:
0x36: {  	(pc) =	sbr.rel @p1 .LBB2_3-.Ltmp1, $2  }
0x37: {  	_ =	sdelay $0x2  }
0x38: {  	s12 =	sshra.s32 s12, $0x2  }
0x39: {  	[tilespmem:s12+$0x12300] =	vst v1;
	s11 =	simm.s32 $0x12300  }
0x3a: {  	[spmem:s2] =	stream.linear.scatter [tilespmem:s11], [sflag:$0x2], $0x2000, $0x38;
	[tilespmem:$0x14500] =	vst v63  }
0x3b: {  	_ =	swait.ge [sflag:s20], $0x2000  }
0x3c: {  	[sflag:s20] =	ssyncset.done $0x0  }
0x3d: {  	[sflag:s20] =	ssyncadd.s32 $0xFFFFE000  }
.LBB2_5:
0x3e: {  	[bflag:$0x0] =	sbarrier.arrive $0xFFFF;
	s11 =	simm.s32 $0x0  }
0x3f: {  	[spmem:s2] =	stream.indirect.scatter.add.f32 [tilespmem:s25], [sflag:$0x2], $0x1, s11, s24, $0xb8;
	[tilespmem:$0x14500] =	vst v63  }
0x40: {  	_ =	swait.ge [sflag:s20], $0x60  }
0x41: {  	[sflag:s20] =	ssyncset.done $0x0  }
0x42: {  	[sflag:s20] =	ssyncadd.s32 $0xFFFFFFA0  }
0x43: {  	[spmem:s2] =	stream.indirect.scatter.add.f32 [tilespmem:s25], [sflag:$0x2], $0x1, s13, s24, $0xb8;
	[tilespmem:$0x14500] =	vst v63  }
0x44: {  	_ =	swait.ge [sflag:s20], $0x60  }
0x45: {  	[sflag:s20] =	ssyncset.done $0x0  }
0x46: {  	[sflag:s20] =	ssyncadd.s32 $0xFFFFFFA0  }
0x47: {  	[spmem:s2] =	stream.indirect.scatter.add.f32 [tilespmem:s25], [sflag:$0x2], $0x1, s14, s24, $0xb8;
	[tilespmem:$0x14500] =	vst v63  }
0x48: {  	_ =	swait.ge [sflag:s20], $0x60  }
0x49: {  	[sflag:s20] =	ssyncset.done $0x0  }
0x4a: {  	s12 =	rddreg [dreg:$0xa];
	[sflag:s20] =	ssyncadd.s32 $0xFFFFFFA0  }
0x4b: {  	[tilespmem:s26], [sflag:$0x2] =	stream.linear.gather [hbm4b:s12+s11], $0x6000, $0x38;
	[tilespmem:$0x14500] =	vst v63  }
0x4c: {  	_ =	swait.ge [sflag:s20], $0x6000  }
0x4d: {  	[sflag:s20] =	ssyncset.done $0x0  }
0x4e: {  	[sflag:s20] =	ssyncadd.s32 $0xFFFFA000  }
0x4f: {  	v5 =	vld [tilespmem:$0x0];
	_ =	sdelay $0x4  }
0x50: {  	v6 =	vshll.u32 v5, $0x1  }
0x51: {  	v5 =	vand.u32 $0x7, v5;
	v6 =	vand.u32 $0xFFFFFFF0, v6  }
0x52: {  	v5 =	vor.u32 v5, v6  }
0x53: {  	v6 =	vperm.xlane v5, v2;
	_ =	sdelay $0x1  }
0x54: {  	v5 =	vperm.xlane v5, v4;
	v6 =	vadd.s32 v3, v6;
	_ =	sdelay $0x1  }
0x55: {  	v5 =	vadd.s32 v3, v5;
	_ =	sdelay $0x2  }
0x56: {  	[tilespmem:s28], [sflag:$0x1] =	stream.indirect_vreg.gather [hbm4b:s0+s11], $0x80, v6, vm0, $0xb8;
	[tilespmem:$0x14500] =	vst v63  }
0x57: {  	_ = 	snop  }
0x58: {  	[tilespmem:s29], [sflag:$0x1] =	stream.indirect_vreg.gather [hbm4b:s0+s11], $0x80, v5, vm0, $0xb8;
	[tilespmem:$0x14500] =	vst v63  }
0x59: {  	v5 =	vld [tilespmem:$0x10];
	_ =	sdelay $0x4  }
0x5a: {  	v6 =	vshll.u32 v5, $0x1  }
0x5b: {  	v5 =	vand.u32 $0x7, v5;
	v6 =	vand.u32 $0xFFFFFFF0, v6  }
0x5c: {  	v5 =	vor.u32 v5, v6  }
0x5d: {  	v6 =	vperm.xlane v5, v2;
	_ =	sdelay $0x1  }
0x5e: {  	v5 =	vperm.xlane v5, v4;
	v6 =	vadd.s32 v3, v6;
	_ =	sdelay $0x1  }
0x5f: {  	v5 =	vadd.s32 v3, v5;
	_ =	sdelay $0x2  }
0x60: {  	[tilespmem:s30], [sflag:$0x1] =	stream.indirect_vreg.gather [hbm4b:s0+s11], $0x80, v6, vm0, $0xb8;
	[tilespmem:$0x14500] =	vst v63  }
0x61: {  	_ = 	snop  }
0x62: {  	[tilespmem:s31], [sflag:$0x1] =	stream.indirect_vreg.gather [hbm4b:s0+s11], $0x80, v5, vm0, $0xb8;
	[tilespmem:$0x14500] =	vst v63  }
0x63: {  	v5 =	vld [tilespmem:$0x20];
	_ =	sdelay $0x4  }
0x64: {  	v6 =	vshll.u32 v5, $0x1  }
0x65: {  	v5 =	vand.u32 $0x7, v5;
	v6 =	vand.u32 $0xFFFFFFF0, v6  }
0x66: {  	v5 =	vor.u32 v5, v6  }
0x67: {  	v6 =	vperm.xlane v5, v2;
	_ =	sdelay $0x1  }
0x68: {  	v5 =	vperm.xlane v5, v4;
	v6 =	vadd.s32 v3, v6;
	_ =	sdelay $0x1  }
0x69: {  	v5 =	vadd.s32 v3, v5;
	_ =	sdelay $0x2  }
0x6a: {  	[tilespmem:s1], [sflag:$0x1] =	stream.indirect_vreg.gather [hbm4b:s0+s11], $0x80, v6, vm0, $0xb8;
	[tilespmem:$0x14500] =	vst v63  }
0x6b: {  	_ = 	snop  }
0x6c: {  	[tilespmem:s23], [sflag:$0x1] =	stream.indirect_vreg.gather [hbm4b:s0+s11], $0x80, v5, vm0, $0xb8;
	[tilespmem:$0x14500] =	vst v63  }
0x6d: {  	v5 =	vld [tilespmem:$0x30];
	_ =	sdelay $0x4  }
0x6e: {  	v6 =	vshll.u32 v5, $0x1  }
0x6f: {  	v5 =	vand.u32 $0x7, v5;
	v6 =	vand.u32 $0xFFFFFFF0, v6  }
0x70: {  	v5 =	vor.u32 v5, v6  }
0x71: {  	v6 =	vperm.xlane v5, v2;
	_ =	sdelay $0x1  }
0x72: {  	v5 =	vperm.xlane v5, v4;
	v6 =	vadd.s32 v3, v6;
	_ =	sdelay $0x1  }
0x73: {  	v5 =	vadd.s32 v3, v5;
	_ =	sdelay $0x2  }
0x74: {  	[tilespmem:s5], [sflag:$0x1] =	stream.indirect_vreg.gather [hbm4b:s0+s11], $0x80, v6, vm0, $0xb8;
	[tilespmem:$0x14500] =	vst v63  }
0x75: {  	_ = 	snop  }
0x76: {  	[tilespmem:s21], [sflag:$0x1] =	stream.indirect_vreg.gather [hbm4b:s0+s11], $0x80, v5, vm0, $0xb8;
	[tilespmem:$0x14500] =	vst v63  }
0x77: {  	v5 =	vld [tilespmem:$0x40];
	_ =	sdelay $0x4  }
0x78: {  	v6 =	vshll.u32 v5, $0x1  }
0x79: {  	v5 =	vand.u32 $0x7, v5;
	v6 =	vand.u32 $0xFFFFFFF0, v6  }
0x7a: {  	v5 =	vor.u32 v5, v6  }
0x7b: {  	v6 =	vperm.xlane v5, v2;
	_ =	sdelay $0x1  }
0x7c: {  	v5 =	vperm.xlane v5, v4;
	v6 =	vadd.s32 v3, v6;
	_ =	sdelay $0x1  }
0x7d: {  	v5 =	vadd.s32 v3, v5;
	_ =	sdelay $0x2  }
0x7e: {  	[tilespmem:s6], [sflag:$0x1] =	stream.indirect_vreg.gather [hbm4b:s0+s11], $0x80, v6, vm0, $0xb8;
	[tilespmem:$0x14500] =	vst v63  }
0x7f: {  	_ = 	snop  }
0x80: {  	[tilespmem:s22], [sflag:$0x1] =	stream.indirect_vreg.gather [hbm4b:s0+s11], $0x80, v5, vm0, $0xb8;
	[tilespmem:$0x14500] =	vst v63  }
0x81: {  	v5 =	vld [tilespmem:$0x50];
	_ =	sdelay $0x4  }
0x82: {  	v6 =	vshll.u32 v5, $0x1  }
0x83: {  	v5 =	vand.u32 $0x7, v5;
	v6 =	vand.u32 $0xFFFFFFF0, v6  }
0x84: {  	v5 =	vor.u32 v5, v6  }
0x85: {  	v6 =	vperm.xlane v5, v2;
	_ =	sdelay $0x1  }
0x86: {  	v5 =	vperm.xlane v5, v4;
	v6 =	vadd.s32 v3, v6;
	_ =	sdelay $0x1  }
0x87: {  	v5 =	vadd.s32 v3, v5;
	_ =	sdelay $0x2  }
0x88: {  	[tilespmem:s7], [sflag:$0x1] =	stream.indirect_vreg.gather [hbm4b:s0+s11], $0x80, v6, vm0, $0xb8;
	[tilespmem:$0x14500] =	vst v63  }
0x89: {  	_ = 	snop  }
0x8a: {  	[tilespmem:s8], [sflag:$0x1] =	stream.indirect_vreg.gather [hbm4b:s0+s11], $0x80, v5, vm0, $0xb8;
	[tilespmem:$0x14500] =	vst v63  }
0x8b: {  	_ =	swait.ge [sflag:s4], $0x6000  }
0x8c: {  	s13 =	sand.u32 $0x7800, s11;
	s11 =	sand.u32 $0x380, s11;
	[sflag:s4] =	ssyncset.done $0x0  }
0x8d: {  	s11 =	sor.u32 s11, s13;
	[sflag:s4] =	ssyncadd.s32 $0xFFFFA000  }
0x8e: {  	v5 =	vld [tilespmem:s11+$0x200]  }
0x8f: {  	v6 =	vld [tilespmem:s11+$0x6200]  }
0x90: {  	v7 =	vld [tilespmem:s11+$0x210]  }
0x91: {  	v8 =	vld [tilespmem:s11+$0x6210]  }
0x92: {  	v9 =	vld [tilespmem:s11+$0x220]  }
0x93: {  	v10 =	vld [tilespmem:s11+$0x6220]  }
0x94: {  	v11 =	vld [tilespmem:s11+$0x6230];
	v5 =	vsub.f32 v6, v5  }
0x95: {  	v6 =	vld [tilespmem:s11+$0x230]  }
0x96: {  	v12 =	vld [tilespmem:s11+$0x6240];
	v7 =	vsub.f32 v8, v7;
	[tilespmem:s11+$0xC200] =	vst v5;
	v5 =	vmul.f32 v5, v5  }
0x97: {  	v16 =	vimm.f32 $0.0e+00;
	v8 =	vld [tilespmem:s11+$0x240]  }
0x98: {  	v13 =	vld [tilespmem:s11+$0x6250];
	v9 =	vsub.f32 v10, v9;
	[tilespmem:s11+$0xC210] =	vst v7;
	v7 =	vmul.f32 v7, v7;
	v5 =	vadd.f32 v5, v16  }
0x99: {  	v10 =	vld [tilespmem:s11+$0x250]  }
0x9a: {  	v14 =	vld [tilespmem:s11+$0x6260];
	v6 =	vsub.f32 v11, v6;
	v5 =	vadd.f32 v7, v5;
	v7 =	vmul.f32 v9, v9  }
0x9b: {  	v11 =	vld [tilespmem:s11+$0x260]  }
0x9c: {  	v15 =	vld [tilespmem:s11+$0x6270];
	v8 =	vsub.f32 v12, v8;
	[tilespmem:s11+$0xC230] =	vst v6;
	v6 =	vmul.f32 v6, v6;
	v5 =	vadd.f32 v7, v5  }
0x9d: {  	v12 =	vld [tilespmem:s11+$0x270]  }
0x9e: {  	v17 =	vld [tilespmem:s11+$0x6600];
	v10 =	vsub.f32 v13, v10;
	v5 =	vadd.f32 v6, v5;
	v6 =	vmul.f32 v8, v8  }
0x9f: {  	v13 =	vld [tilespmem:s11+$0x600]  }
0xa0: {  	[tilespmem:s11+$0xC220] =	vst v9;
	v9 =	vld [tilespmem:s11+$0x6610];
	v11 =	vsub.f32 v14, v11;
	v5 =	vadd.f32 v6, v5;
	v6 =	vmul.f32 v10, v10  }
0xa1: {  	v14 =	vld [tilespmem:s11+$0x610]  }
0xa2: {  	v7 =	vsub.f32 v15, v12;
	v12 =	vld [tilespmem:s11+$0x620];
	v5 =	vadd.f32 v6, v5;
	v6 =	vmul.f32 v11, v11  }
0xa3: {  	v15 =	vld [tilespmem:s11+$0x6620]  }
0xa4: {  	v62 =	vld [tilespmem:s11+$0x630];
	v13 =	vsub.f32 v17, v13;
	v5 =	vadd.f32 v6, v5;
	v6 =	vmul.f32 v7, v7  }
0xa5: {  	v63 =	vld [tilespmem:s11+$0x6630]  }
0xa6: {  	v18 =	vld [tilespmem:s11+$0x6640];
	[tilespmem:s11+$0xC240] =	vst v8;
	v9 =	vsub.f32 v9, v14;
	v5 =	vadd.f32 v6, v5;
	v6 =	vmul.f32 v13, v13  }
0xa7: {  	[tilespmem:s11+$0xC250] =	vst v10;
	v14 =	vld [tilespmem:s11+$0x640]  }
0xa8: {  	v8 =	vld [tilespmem:s11+$0x650];
	[tilespmem:s11+$0xC270] =	vst v7;
	v7 =	vsub.f32 v15, v12;
	v5 =	vadd.f32 v6, v5;
	v6 =	vmul.f32 v9, v9  }
0xa9: {  	[tilespmem:s11+$0xC260] =	vst v11;
	v10 =	vld [tilespmem:s11+$0x6650]  }
0xaa: {  	[tilespmem:s11+$0xC600] =	vst v13;
	v11 =	vld [tilespmem:s11+$0x6660];
	v13 =	vsub.f32 v63, v62;
	v5 =	vadd.f32 v6, v5;
	v6 =	vmul.f32 v7, v7  }
0xab: {  	s14 =	simm.s32 $0x100;
	s12 =	simm.s32 $0x80;
	[tilespmem:s11+$0xC610] =	vst v9;
	v9 =	vld [tilespmem:s11+$0x660]  }
0xac: {  	s15 =	sand.u32 $0x380, s12;
	s13 =	sand.u32 $0x7800, s14;
	v12 =	vld [tilespmem:s11+$0x670];
	[tilespmem:s11+$0xC620] =	vst v7;
	v7 =	vmul.f32 v13, v13;
	v5 =	vadd.f32 v6, v5;
	v6 =	vsub.f32 v18, v14  }
0xad: {  	s14 =	sor.u32 s15, s13;
	s13 =	simm.s32 $0x200;
	[tilespmem:s11+$0xC630] =	vst v13;
	v13 =	vld [tilespmem:s11+$0x6670]  }
.LBB2_6:
0xae: {  	p1 =	sne.s32 s13, $0x5F00;
	v14 =	vld [tilespmem:s14+$0x200];
	v5 =	vadd.f32 v7, v5;
	[tilespmem:s11+$0xC640] =	vst v6;
	v6 =	vmul.f32 v6, v6;
	v7 =	vsub.f32 v10, v8  }
0xaf: {  	v8 =	vld [tilespmem:s14+$0x6200]  }
0xb0: {  	v10 =	vld [tilespmem:s14+$0x210];
	v5 =	vadd.f32 v6, v5;
	[tilespmem:s11+$0xC650] =	vst v7;
	v6 =	vmul.f32 v7, v7;
	v7 =	vsub.f32 v11, v9  }
0xb1: {  	v9 =	vld [tilespmem:s14+$0x6210]  }
0xb2: {  	v11 =	vld [tilespmem:s14+$0x220];
	v5 =	vadd.f32 v6, v5;
	[tilespmem:s11+$0xC660] =	vst v7;
	v6 =	vmul.f32 v7, v7;
	v7 =	vsub.f32 v13, v12  }
0xb3: {  	v12 =	vld [tilespmem:s14+$0x6220]  }
0xb4: {  	v8 =	vsub.f32 v8, v14;
	v13 =	vld [tilespmem:s14+$0x230];
	v5 =	vadd.f32 v6, v5;
	[tilespmem:s11+$0xC670] =	vst v7;
	v6 =	vmul.f32 v7, v7;
	s11 =	smov.u32 s14  }
0xb5: {  	v7 =	vld [tilespmem:s11+$0x6230]  }
0xb6: {  	[tilespmem:s11+$0xC200] =	vst v8;
	v8 =	vmul.f32 v8, v8;
	v9 =	vsub.f32 v9, v10;
	v10 =	vld [tilespmem:s11+$0x240];
	v5 =	vadd.f32 v6, v5  }
0xb7: {  	v6 =	vld [tilespmem:s11+$0x6240]  }
0xb8: {  	v5 =	vadd.f32 v8, v5;
	[tilespmem:s11+$0xC210] =	vst v9;
	v8 =	vmul.f32 v9, v9;
	v9 =	vsub.f32 v12, v11;
	v11 =	vld [tilespmem:s11+$0x250]  }
0xb9: {  	v12 =	vld [tilespmem:s11+$0x6250]  }
0xba: {  	v5 =	vadd.f32 v8, v5;
	[tilespmem:s11+$0xC220] =	vst v9;
	v8 =	vmul.f32 v9, v9;
	v7 =	vsub.f32 v7, v13;
	v9 =	vld [tilespmem:s11+$0x260]  }
0xbb: {  	v13 =	vld [tilespmem:s11+$0x6260]  }
0xbc: {  	v5 =	vadd.f32 v8, v5;
	[tilespmem:s11+$0xC230] =	vst v7;
	v7 =	vmul.f32 v7, v7;
	v6 =	vsub.f32 v6, v10;
	v8 =	vld [tilespmem:s11+$0x270]  }
0xbd: {  	v10 =	vld [tilespmem:s11+$0x6270]  }
0xbe: {  	v5 =	vadd.f32 v7, v5;
	[tilespmem:s11+$0xC240] =	vst v6;
	v6 =	vmul.f32 v6, v6;
	v7 =	vsub.f32 v12, v11;
	v11 =	vld [tilespmem:s11+$0x600]  }
0xbf: {  	v12 =	vld [tilespmem:s11+$0x6600]  }
0xc0: {  	v5 =	vadd.f32 v6, v5;
	[tilespmem:s11+$0xC250] =	vst v7;
	v6 =	vmul.f32 v7, v7;
	v7 =	vsub.f32 v13, v9;
	v9 =	vld [tilespmem:s11+$0x610]  }
0xc1: {  	v13 =	vld [tilespmem:s11+$0x6610]  }
0xc2: {  	v5 =	vadd.f32 v6, v5;
	[tilespmem:s11+$0xC260] =	vst v7;
	v6 =	vmul.f32 v7, v7;
	v7 =	vsub.f32 v10, v8;
	v8 =	vld [tilespmem:s11+$0x620]  }
0xc3: {  	v10 =	vld [tilespmem:s11+$0x6620]  }
0xc4: {  	v5 =	vadd.f32 v6, v5;
	[tilespmem:s11+$0xC270] =	vst v7;
	v6 =	vmul.f32 v7, v7;
	v7 =	vsub.f32 v12, v11;
	v11 =	vld [tilespmem:s11+$0x630]  }
0xc5: {  	v12 =	vld [tilespmem:s11+$0x6630]  }
0xc6: {  	v5 =	vadd.f32 v6, v5;
	[tilespmem:s11+$0xC600] =	vst v7;
	v6 =	vmul.f32 v7, v7;
	v7 =	vsub.f32 v13, v9;
	v13 =	vld [tilespmem:s11+$0x640]  }
0xc7: {  	v14 =	vld [tilespmem:s11+$0x6640]  }
0xc8: {  	v5 =	vadd.f32 v6, v5;
	[tilespmem:s11+$0xC610] =	vst v7;
	v6 =	vmul.f32 v7, v7;
	v7 =	vsub.f32 v10, v8;
	v8 =	vld [tilespmem:s11+$0x650]  }
.Ltmp2:
0xc9: {  	v10 =	vld [tilespmem:s11+$0x6650];
	(pc) =	sbr.rel @p1 .LBB2_6-.Ltmp2, $4  }
0xca: {  	v5 =	vadd.f32 v6, v5;
	[tilespmem:s11+$0xC620] =	vst v7;
	v6 =	vmul.f32 v7, v7;
	v7 =	vsub.f32 v12, v11;
	v9 =	vld [tilespmem:s11+$0x660]  }
0xcb: {  	s12 =	sadd.s32 $0x80, s12;
	v11 =	vld [tilespmem:s11+$0x6660]  }
0xcc: {  	s15 =	sand.u32 $0x380, s12;
	s14 =	sand.u32 $0x7800, s13;
	v5 =	vadd.f32 v6, v5;
	[tilespmem:s11+$0xC630] =	vst v7;
	v7 =	vmul.f32 v7, v7;
	v6 =	vsub.f32 v14, v13;
	v12 =	vld [tilespmem:s11+$0x670]  }
0xcd: {  	s13 =	sadd.s32 $0x100, s13;
	s14 =	sor.u32 s15, s14;
	v13 =	vld [tilespmem:s11+$0x6670]  }
0xce: {  	v14 =	vld [tilespmem:s14+$0x200];
	[tilespmem:s11+$0xC640] =	vst v6;
	v15 =	vsub.f32 v10, v8  }
0xcf: {  	v8 =	vld [tilespmem:s14+$0x6200]  }
0xd0: {  	v10 =	vld [tilespmem:s14+$0x210];
	[tilespmem:s11+$0xC650] =	vst v15;
	v24 =	vsub.f32 v11, v9  }
0xd1: {  	v9 =	vld [tilespmem:s14+$0x6210]  }
0xd2: {  	v11 =	vld [tilespmem:s14+$0x220];
	[tilespmem:s11+$0xC660] =	vst v24;
	v21 =	vsub.f32 v13, v12  }
0xd3: {  	v12 =	vld [tilespmem:s14+$0x6220]  }
0xd4: {  	v13 =	vld [tilespmem:s14+$0x230];
	[tilespmem:s11+$0xC670] =	vst v21  }
0xd5: {  	v16 =	vsub.f32 v8, v14;
	v8 =	vld [tilespmem:s14+$0x6230]  }
0xd6: {  	v14 =	vld [tilespmem:s14+$0x6630]  }
0xd7: {  	v27 =	vld [tilespmem:s14+$0x6640]  }
0xd8: {  	v28 =	vld [tilespmem:s14+$0x660]  }
0xd9: {  	v17 =	vsub.f32 v9, v10;
	v9 =	vld [tilespmem:s14+$0x240]  }
0xda: {  	v10 =	vld [tilespmem:s14+$0x6240]  }
0xdb: {  	v22 =	vsub.f32 v12, v11;
	v11 =	vld [tilespmem:s14+$0x250]  }
0xdc: {  	v12 =	vld [tilespmem:s14+$0x6250]  }
0xdd: {  	v25 =	vsub.f32 v8, v13;
	v8 =	vld [tilespmem:s14+$0x260]  }
0xde: {  	v13 =	vld [tilespmem:s14+$0x6260]  }
0xdf: {  	v26 =	vsub.f32 v10, v9;
	v9 =	vld [tilespmem:s14+$0x270]  }
0xe0: {  	v10 =	vld [tilespmem:s14+$0x6270]  }
0xe1: {  	v23 =	vsub.f32 v12, v11;
	v11 =	vld [tilespmem:s14+$0x600]  }
0xe2: {  	v12 =	vld [tilespmem:s14+$0x6600]  }
0xe3: {  	v18 =	vsub.f32 v13, v8;
	v8 =	vld [tilespmem:s14+$0x610]  }
0xe4: {  	v13 =	vld [tilespmem:s14+$0x6610]  }
0xe5: {  	[tilespmem:s14+$0xC200] =	vst v16;
	v19 =	vsub.f32 v10, v9;
	v9 =	vld [tilespmem:s14+$0x620]  }
0xe6: {  	[tilespmem:s14+$0xC210] =	vst v17;
	v10 =	vld [tilespmem:s14+$0x6620]  }
0xe7: {  	v30 =	vld [tilespmem:s14+$0x670];
	[tilespmem:s14+$0xC220] =	vst v22  }
0xe8: {  	v31 =	vld [tilespmem:s14+$0x6670];
	[tilespmem:s14+$0xC230] =	vst v25  }
0xe9: {  	[tilespmem:s14+$0xC240] =	vst v26;
	v20 =	vsub.f32 v12, v11;
	v11 =	vld [tilespmem:s14+$0x630]  }
0xea: {  	[tilespmem:s14+$0xC250] =	vst v23;
	v12 =	vsub.f32 v13, v8;
	v8 =	vld [tilespmem:s14+$0x640]  }
0xeb: {  	[tilespmem:s14+$0xC260] =	vst v18;
	v13 =	vsub.f32 v10, v9;
	v9 =	vld [tilespmem:s14+$0x650]  }
0xec: {  	[tilespmem:s14+$0xC270] =	vst v19;
	v10 =	vld [tilespmem:s14+$0x6650]  }
0xed: {  	v29 =	vld [tilespmem:s14+$0x6660];
	[tilespmem:s14+$0xC600] =	vst v20  }
0xee: {  	[tilespmem:s14+$0xC610] =	vst v12;
	v11 =	vsub.f32 v14, v11  }
0xef: {  	[tilespmem:s14+$0xC620] =	vst v13;
	v14 =	vsub.f32 v27, v8  }
0xf0: {  	[tilespmem:s14+$0xC630] =	vst v11;
	v8 =	vsub.f32 v31, v30  }
0xf1: {  	v10 =	vsub.f32 v10, v9;
	[tilespmem:s14+$0xC640] =	vst v14  }
0xf2: {  	v9 =	vsub.f32 v29, v28;
	[tilespmem:s14+$0xC670] =	vst v8  }
0xf3: {  	[tilespmem:s14+$0xC650] =	vst v10  }
0xf4: {  	s12 =	rddreg [dreg:$0xb];
	s11 =	simm.s32 $0x0;
	[tilespmem:s14+$0xC660] =	vst v9  }
0xf5: {  	[hbm4b:s12+s11] =	stream.linear.scatter [tilespmem:s28], [sflag:$0x2], $0x6000, $0x38;
	[tilespmem:$0x14500] =	vst v63  }
0xf6: {  	_ =	swait.ge [sflag:s20], $0x6000  }
0xf7: {  	[sflag:s20] =	ssyncset.done $0x0  }
0xf8: {  	s15 =	rddreg [dreg:$0xc];
	[sflag:s20] =	ssyncadd.s32 $0xFFFFA000  }
0xf9: {  	[hbm4b:s15+s11] =	stream.linear.scatter [tilespmem:s9], [sflag:$0x2], $0x6000, $0x38;
	[tilespmem:$0x14500] =	vst v63  }
0xfa: {  	_ =	swait.ge [sflag:s20], $0x6000  }
0xfb: {  	[sflag:s20] =	ssyncset.done $0x0  }
0xfc: {  	s13 =	rddreg [dreg:$0xd];
	[sflag:s20] =	ssyncadd.s32 $0xFFFFA000  }
0xfd: {  	[tilespmem:s26], [sflag:$0x2] =	stream.linear.gather [hbm4b:s13+s11], $0x6000, $0x38;
	[tilespmem:$0x14500] =	vst v63  }
0xfe: {  	_ =	swait.ge [sflag:s20], $0x6000  }
0xff: {  	[sflag:s20] =	ssyncset.done $0x0  }
0x100: {  	[sflag:s20] =	ssyncadd.s32 $0xFFFFA000  }
0x101: {  	v48 =	vld [tilespmem:$0x80];
	_ =	sdelay $0x4  }
0x102: {  	v49 =	vshll.u32 v48, $0x1  }
0x103: {  	v27 =	vand.u32 $0x7, v48;
	v28 =	vand.u32 $0xFFFFFFF0, v49  }
0x104: {  	v27 =	vor.u32 v27, v28  }
0x105: {  	v28 =	vperm.xlane v27, v2;
	_ =	sdelay $0x1  }
0x106: {  	v27 =	vperm.xlane v27, v4;
	v28 =	vadd.s32 v3, v28;
	_ =	sdelay $0x1  }
0x107: {  	v27 =	vadd.s32 v3, v27;
	_ =	sdelay $0x2  }
0x108: {  	[tilespmem:s28], [sflag:$0x1] =	stream.indirect_vreg.gather [hbm4b:s0+s11], $0x80, v28, vm0, $0xb8;
	[tilespmem:$0x14500] =	vst v63  }
0x109: {  	_ = 	snop  }
0x10a: {  	[tilespmem:s29], [sflag:$0x1] =	stream.indirect_vreg.gather [hbm4b:s0+s11], $0x80, v27, vm0, $0xb8;
	[tilespmem:$0x14500] =	vst v63  }
0x10b: {  	v27 =	vld [tilespmem:$0x90];
	_ =	sdelay $0x4  }
0x10c: {  	v50 =	vshll.u32 v27, $0x1  }
0x10d: {  	v27 =	vand.u32 $0x7, v27;
	v28 =	vand.u32 $0xFFFFFFF0, v50  }
0x10e: {  	v27 =	vor.u32 v27, v28  }
0x10f: {  	v28 =	vperm.xlane v27, v2;
	_ =	sdelay $0x1  }
0x110: {  	v27 =	vperm.xlane v27, v4;
	v28 =	vadd.s32 v3, v28;
	_ =	sdelay $0x1  }
0x111: {  	v27 =	vadd.s32 v3, v27;
	_ =	sdelay $0x2  }
0x112: {  	[tilespmem:s30], [sflag:$0x1] =	stream.indirect_vreg.gather [hbm4b:s0+s11], $0x80, v28, vm0, $0xb8;
	[tilespmem:$0x14500] =	vst v63  }
0x113: {  	_ = 	snop  }
0x114: {  	[tilespmem:s31], [sflag:$0x1] =	stream.indirect_vreg.gather [hbm4b:s0+s11], $0x80, v27, vm0, $0xb8;
	[tilespmem:$0x14500] =	vst v63  }
0x115: {  	v27 =	vld [tilespmem:$0xA0];
	_ =	sdelay $0x4  }
0x116: {  	v51 =	vshll.u32 v27, $0x1  }
0x117: {  	v27 =	vand.u32 $0x7, v27;
	v28 =	vand.u32 $0xFFFFFFF0, v51  }
0x118: {  	v27 =	vor.u32 v27, v28  }
0x119: {  	v28 =	vperm.xlane v27, v2;
	_ =	sdelay $0x1  }
0x11a: {  	v27 =	vperm.xlane v27, v4;
	v28 =	vadd.s32 v3, v28;
	_ =	sdelay $0x1  }
0x11b: {  	v27 =	vadd.s32 v3, v27;
	_ =	sdelay $0x2  }
0x11c: {  	[tilespmem:s1], [sflag:$0x1] =	stream.indirect_vreg.gather [hbm4b:s0+s11], $0x80, v28, vm0, $0xb8;
	[tilespmem:$0x14500] =	vst v63  }
0x11d: {  	_ = 	snop  }
0x11e: {  	[tilespmem:s23], [sflag:$0x1] =	stream.indirect_vreg.gather [hbm4b:s0+s11], $0x80, v27, vm0, $0xb8;
	[tilespmem:$0x14500] =	vst v63  }
0x11f: {  	v27 =	vld [tilespmem:$0xB0];
	_ =	sdelay $0x4  }
0x120: {  	v52 =	vshll.u32 v27, $0x1  }
0x121: {  	v27 =	vand.u32 $0x7, v27;
	v28 =	vand.u32 $0xFFFFFFF0, v52  }
0x122: {  	v27 =	vor.u32 v27, v28  }
0x123: {  	v28 =	vperm.xlane v27, v2;
	_ =	sdelay $0x1  }
0x124: {  	v27 =	vperm.xlane v27, v4;
	v28 =	vadd.s32 v3, v28;
	_ =	sdelay $0x1  }
0x125: {  	v27 =	vadd.s32 v3, v27;
	_ =	sdelay $0x2  }
0x126: {  	[tilespmem:s5], [sflag:$0x1] =	stream.indirect_vreg.gather [hbm4b:s0+s11], $0x80, v28, vm0, $0xb8;
	[tilespmem:$0x14500] =	vst v63  }
0x127: {  	_ = 	snop  }
0x128: {  	[tilespmem:s21], [sflag:$0x1] =	stream.indirect_vreg.gather [hbm4b:s0+s11], $0x80, v27, vm0, $0xb8;
	[tilespmem:$0x14500] =	vst v63  }
0x129: {  	v27 =	vld [tilespmem:$0xC0];
	_ =	sdelay $0x4  }
0x12a: {  	v53 =	vshll.u32 v27, $0x1  }
0x12b: {  	v27 =	vand.u32 $0x7, v27;
	v28 =	vand.u32 $0xFFFFFFF0, v53  }
0x12c: {  	v5 =	vadd.f32 v7, v5;
	v6 =	vmul.f32 v6, v6;
	v27 =	vor.u32 v27, v28  }
0x12d: {  	v28 =	vperm.xlane v27, v2  }
0x12e: {  	v5 =	vadd.f32 v6, v5;
	v6 =	vmul.f32 v15, v15  }
0x12f: {  	v27 =	vperm.xlane v27, v4;
	v28 =	vadd.s32 v3, v28  }
0x130: {  	v5 =	vadd.f32 v6, v5;
	v6 =	vmul.f32 v24, v24  }
0x131: {  	v27 =	vadd.s32 v3, v27  }
0x132: {  	v5 =	vadd.f32 v6, v5;
	v6 =	vmul.f32 v21, v21;
	_ =	sdelay $0x1  }
0x133: {  	v5 =	vadd.f32 v6, v5;
	v6 =	vmul.f32 v16, v16;
	[tilespmem:s6], [sflag:$0x1] =	stream.indirect_vreg.gather [hbm4b:s0+s11], $0x80, v28, vm0, $0xb8;
	[tilespmem:$0x14500] =	vst v63  }
0x134: {  	_ = 	snop  }
0x135: {  	v5 =	vadd.f32 v6, v5;
	v6 =	vmul.f32 v17, v17;
	[tilespmem:s22], [sflag:$0x1] =	stream.indirect_vreg.gather [hbm4b:s0+s11], $0x80, v27, vm0, $0xb8;
	[tilespmem:$0x14500] =	vst v63  }
0x136: {  	v27 =	vld [tilespmem:$0xD0]  }
0x137: {  	v5 =	vadd.f32 v6, v5;
	v6 =	vmul.f32 v22, v22;
	_ =	sdelay $0x1  }
0x138: {  	v5 =	vadd.f32 v6, v5;
	v6 =	vmul.f32 v25, v25;
	_ =	sdelay $0x1  }
0x139: {  	v5 =	vadd.f32 v6, v5;
	v6 =	vmul.f32 v26, v26;
	v7 =	vshll.u32 v27, $0x1  }
0x13a: {  	v15 =	vand.u32 $0x7, v27;
	v7 =	vand.u32 $0xFFFFFFF0, v7  }
0x13b: {  	v5 =	vadd.f32 v6, v5;
	v6 =	vmul.f32 v23, v23;
	v7 =	vor.u32 v15, v7  }
0x13c: {  	v15 =	vperm.xlane v7, v2  }
0x13d: {  	v5 =	vadd.f32 v6, v5;
	v6 =	vmul.f32 v18, v18  }
0x13e: {  	v7 =	vperm.xlane v7, v4;
	v15 =	vadd.s32 v3, v15  }
0x13f: {  	v5 =	vadd.f32 v6, v5;
	v6 =	vmul.f32 v19, v19  }
0x140: {  	v7 =	vadd.s32 v3, v7  }
0x141: {  	v5 =	vadd.f32 v6, v5;
	v6 =	vmul.f32 v20, v20;
	_ =	sdelay $0x1  }
0x142: {  	v5 =	vadd.f32 v6, v5;
	v6 =	vmul.f32 v12, v12;
	[tilespmem:s7], [sflag:$0x1] =	stream.indirect_vreg.gather [hbm4b:s0+s11], $0x80, v15, vm0, $0xb8;
	[tilespmem:$0x14500] =	vst v63  }
0x143: {  	_ = 	snop  }
0x144: {  	v5 =	vadd.f32 v6, v5;
	v6 =	vmul.f32 v13, v13;
	[tilespmem:s8], [sflag:$0x1] =	stream.indirect_vreg.gather [hbm4b:s0+s11], $0x80, v7, vm0, $0xb8;
	[tilespmem:$0x14500] =	vst v63  }
0x145: {  	_ =	swait.ge [sflag:s4], $0x6000  }
0x146: {  	s14 =	sand.u32 $0x7800, s11;
	v5 =	vadd.f32 v6, v5;
	v6 =	vmul.f32 v11, v11;
	s11 =	sand.u32 $0x380, s11;
	[sflag:s4] =	ssyncset.done $0x0  }
0x147: {  	s11 =	sor.u32 s11, s14;
	[sflag:s4] =	ssyncadd.s32 $0xFFFFA000  }
0x148: {  	v5 =	vadd.f32 v6, v5;
	v6 =	vmul.f32 v14, v14;
	v7 =	vld [tilespmem:s11+$0x200]  }
0x149: {  	v15 =	vld [tilespmem:s11+$0x6200]  }
0x14a: {  	v5 =	vadd.f32 v6, v5;
	v6 =	vmul.f32 v10, v10;
	v54 =	vld [tilespmem:s11+$0x210]  }
0x14b: {  	v55 =	vld [tilespmem:s11+$0x6210]  }
0x14c: {  	v5 =	vadd.f32 v6, v5;
	v6 =	vmul.f32 v9, v9;
	v56 =	vld [tilespmem:s11+$0x220]  }
0x14d: {  	v57 =	vld [tilespmem:s11+$0x6220]  }
0x14e: {  	v5 =	vadd.f32 v6, v5;
	v6 =	vmul.f32 v8, v8;
	v12 =	vld [tilespmem:s11+$0x6230];
	v7 =	vsub.f32 v15, v7  }
0x14f: {  	v15 =	vld [tilespmem:s11+$0x230]  }
0x150: {  	v5 =	vadd.f32 v6, v5;
	v58 =	vld [tilespmem:s11+$0x240];
	v13 =	vsub.f32 v55, v54;
	v6 =	vmul.f32 v7, v7  }
0x151: {  	v59 =	vld [tilespmem:s11+$0x6240]  }
0x152: {  	v60 =	vld [tilespmem:s11+$0x250];
	v11 =	vsub.f32 v57, v56;
	v5 =	vadd.f32 v6, v5;
	v6 =	vmul.f32 v13, v13  }
0x153: {  	v14 =	vld [tilespmem:s11+$0x6250]  }
0x154: {  	v10 =	vsub.f32 v12, v15;
	v12 =	vld [tilespmem:s11+$0x260];
	v5 =	vadd.f32 v6, v5;
	v6 =	vmul.f32 v11, v11  }
0x155: {  	v15 =	vld [tilespmem:s11+$0x6260]  }
0x156: {  	v61 =	vld [tilespmem:s11+$0x270];
	v9 =	vsub.f32 v59, v58;
	v5 =	vadd.f32 v6, v5;
	v6 =	vmul.f32 v10, v10  }
0x157: {  	v8 =	vld [tilespmem:s11+$0x6270]  }
0x158: {  	v62 =	vld [tilespmem:s11+$0x6600];
	[tilespmem:s11+$0xC200] =	vst v7;
	v7 =	vsub.f32 v14, v60;
	v5 =	vadd.f32 v6, v5;
	v6 =	vmul.f32 v9, v9  }
0x159: {  	v14 =	vld [tilespmem:s11+$0x600]  }
0x15a: {  	[tilespmem:s11+$0xC210] =	vst v13;
	v13 =	vld [tilespmem:s11+$0x610];
	v12 =	vsub.f32 v15, v12;
	v5 =	vadd.f32 v6, v5;
	v6 =	vmul.f32 v7, v7  }
0x15b: {  	[tilespmem:s11+$0xC220] =	vst v11;
	v11 =	vld [tilespmem:s11+$0x6610]  }
0x15c: {  	v8 =	vsub.f32 v8, v61;
	[tilespmem:s11+$0xC230] =	vst v10;
	v10 =	vld [tilespmem:s11+$0x620];
	v5 =	vadd.f32 v6, v5;
	v6 =	vmul.f32 v12, v12  }
0x15d: {  	v15 =	vld [tilespmem:s11+$0x6620]  }
0x15e: {  	[tilespmem:s11+$0xC240] =	vst v9;
	v9 =	vsub.f32 v62, v14;
	v14 =	vld [tilespmem:s11+$0x630];
	v5 =	vadd.f32 v6, v5;
	v6 =	vmul.f32 v8, v8  }
0x15f: {  	[tilespmem:s11+$0xC250] =	vst v7;
	v7 =	vld [tilespmem:s11+$0x6630]  }
0x160: {  	v63 =	vld [tilespmem:s11+$0x6640];
	v11 =	vsub.f32 v11, v13;
	v5 =	vadd.f32 v6, v5;
	v6 =	vmul.f32 v9, v9  }
0x161: {  	[tilespmem:s11+$0xC270] =	vst v8;
	v13 =	vld [tilespmem:s11+$0x640]  }
0x162: {  	[tilespmem:s11+$0xC260] =	vst v12;
	v12 =	vsub.f32 v15, v10;
	v10 =	vld [tilespmem:s11+$0x6650];
	v5 =	vadd.f32 v6, v5;
	v6 =	vmul.f32 v11, v11  }
0x163: {  	[tilespmem:s11+$0xC600] =	vst v9;
	v8 =	vld [tilespmem:s11+$0x650]  }
0x164: {  	[tilespmem:s11+$0xC610] =	vst v11;
	v7 =	vsub.f32 v7, v14;
	v9 =	vld [tilespmem:s11+$0x660];
	v5 =	vadd.f32 v6, v5;
	v6 =	vmul.f32 v12, v12  }
0x165: {  	s12 =	simm.s32 $0x80;
	s13 =	simm.s32 $0x100;
	[tilespmem:s11+$0xC620] =	vst v12;
	v11 =	vld [tilespmem:s11+$0x6660]  }
0x166: {  	s15 =	sand.u32 $0x380, s12;
	s13 =	sand.u32 $0x7800, s13;
	[tilespmem:s11+$0xC630] =	vst v7;
	v7 =	vmul.f32 v7, v7;
	v12 =	vld [tilespmem:s11+$0x670];
	v5 =	vadd.f32 v6, v5;
	v6 =	vsub.f32 v63, v13  }
0x167: {  	s14 =	sor.u32 s15, s13;
	s13 =	simm.s32 $0x200;
	v13 =	vld [tilespmem:s11+$0x6670]  }
.LBB2_8:
0x168: {  	p1 =	sne.s32 s13, $0x5F00;
	v14 =	vld [tilespmem:s14+$0x200];
	v5 =	vadd.f32 v7, v5;
	[tilespmem:s11+$0xC640] =	vst v6;
	v6 =	vmul.f32 v6, v6;
	v7 =	vsub.f32 v10, v8  }
0x169: {  	v8 =	vld [tilespmem:s14+$0x6200]  }
0x16a: {  	v10 =	vld [tilespmem:s14+$0x210];
	v5 =	vadd.f32 v6, v5;
	[tilespmem:s11+$0xC650] =	vst v7;
	v6 =	vmul.f32 v7, v7;
	v7 =	vsub.f32 v11, v9  }
0x16b: {  	v9 =	vld [tilespmem:s14+$0x6210]  }
0x16c: {  	v11 =	vld [tilespmem:s14+$0x220];
	v5 =	vadd.f32 v6, v5;
	[tilespmem:s11+$0xC660] =	vst v7;
	v6 =	vmul.f32 v7, v7;
	v7 =	vsub.f32 v13, v12  }
0x16d: {  	v12 =	vld [tilespmem:s14+$0x6220]  }
0x16e: {  	v8 =	vsub.f32 v8, v14;
	v13 =	vld [tilespmem:s14+$0x230];
	v5 =	vadd.f32 v6, v5;
	[tilespmem:s11+$0xC670] =	vst v7;
	v6 =	vmul.f32 v7, v7;
	s11 =	smov.u32 s14  }
0x16f: {  	v7 =	vld [tilespmem:s11+$0x6230]  }
0x170: {  	[tilespmem:s11+$0xC200] =	vst v8;
	v8 =	vmul.f32 v8, v8;
	v9 =	vsub.f32 v9, v10;
	v10 =	vld [tilespmem:s11+$0x240];
	v5 =	vadd.f32 v6, v5  }
0x171: {  	v6 =	vld [tilespmem:s11+$0x6240]  }
0x172: {  	v5 =	vadd.f32 v8, v5;
	[tilespmem:s11+$0xC210] =	vst v9;
	v8 =	vmul.f32 v9, v9;
	v9 =	vsub.f32 v12, v11;
	v11 =	vld [tilespmem:s11+$0x250]  }
0x173: {  	v12 =	vld [tilespmem:s11+$0x6250]  }
0x174: {  	v5 =	vadd.f32 v8, v5;
	[tilespmem:s11+$0xC220] =	vst v9;
	v8 =	vmul.f32 v9, v9;
	v7 =	vsub.f32 v7, v13;
	v9 =	vld [tilespmem:s11+$0x260]  }
0x175: {  	v13 =	vld [tilespmem:s11+$0x6260]  }
0x176: {  	v5 =	vadd.f32 v8, v5;
	[tilespmem:s11+$0xC230] =	vst v7;
	v7 =	vmul.f32 v7, v7;
	v6 =	vsub.f32 v6, v10;
	v8 =	vld [tilespmem:s11+$0x270]  }
0x177: {  	v10 =	vld [tilespmem:s11+$0x6270]  }
0x178: {  	v5 =	vadd.f32 v7, v5;
	[tilespmem:s11+$0xC240] =	vst v6;
	v6 =	vmul.f32 v6, v6;
	v7 =	vsub.f32 v12, v11;
	v11 =	vld [tilespmem:s11+$0x600]  }
0x179: {  	v12 =	vld [tilespmem:s11+$0x6600]  }
0x17a: {  	v5 =	vadd.f32 v6, v5;
	[tilespmem:s11+$0xC250] =	vst v7;
	v6 =	vmul.f32 v7, v7;
	v7 =	vsub.f32 v13, v9;
	v9 =	vld [tilespmem:s11+$0x610]  }
0x17b: {  	v13 =	vld [tilespmem:s11+$0x6610]  }
0x17c: {  	v5 =	vadd.f32 v6, v5;
	[tilespmem:s11+$0xC260] =	vst v7;
	v6 =	vmul.f32 v7, v7;
	v7 =	vsub.f32 v10, v8;
	v8 =	vld [tilespmem:s11+$0x620]  }
0x17d: {  	v10 =	vld [tilespmem:s11+$0x6620]  }
0x17e: {  	v5 =	vadd.f32 v6, v5;
	[tilespmem:s11+$0xC270] =	vst v7;
	v6 =	vmul.f32 v7, v7;
	v7 =	vsub.f32 v12, v11;
	v11 =	vld [tilespmem:s11+$0x630]  }
0x17f: {  	v12 =	vld [tilespmem:s11+$0x6630]  }
0x180: {  	v5 =	vadd.f32 v6, v5;
	[tilespmem:s11+$0xC600] =	vst v7;
	v6 =	vmul.f32 v7, v7;
	v7 =	vsub.f32 v13, v9;
	v13 =	vld [tilespmem:s11+$0x640]  }
0x181: {  	v14 =	vld [tilespmem:s11+$0x6640]  }
0x182: {  	v5 =	vadd.f32 v6, v5;
	[tilespmem:s11+$0xC610] =	vst v7;
	v6 =	vmul.f32 v7, v7;
	v7 =	vsub.f32 v10, v8;
	v8 =	vld [tilespmem:s11+$0x650]  }
.Ltmp3:
0x183: {  	v10 =	vld [tilespmem:s11+$0x6650];
	(pc) =	sbr.rel @p1 .LBB2_8-.Ltmp3, $4  }
0x184: {  	v5 =	vadd.f32 v6, v5;
	[tilespmem:s11+$0xC620] =	vst v7;
	v6 =	vmul.f32 v7, v7;
	v7 =	vsub.f32 v12, v11;
	v9 =	vld [tilespmem:s11+$0x660]  }
0x185: {  	s12 =	sadd.s32 $0x80, s12;
	v11 =	vld [tilespmem:s11+$0x6660]  }
0x186: {  	s15 =	sand.u32 $0x380, s12;
	s14 =	sand.u32 $0x7800, s13;
	v5 =	vadd.f32 v6, v5;
	[tilespmem:s11+$0xC630] =	vst v7;
	v7 =	vmul.f32 v7, v7;
	v6 =	vsub.f32 v14, v13;
	v12 =	vld [tilespmem:s11+$0x670]  }
0x187: {  	s13 =	sadd.s32 $0x100, s13;
	s14 =	sor.u32 s15, s14;
	v13 =	vld [tilespmem:s11+$0x6670]  }
0x188: {  	v14 =	vld [tilespmem:s14+$0x200];
	[tilespmem:s11+$0xC640] =	vst v6;
	v15 =	vsub.f32 v10, v8  }
0x189: {  	v8 =	vld [tilespmem:s14+$0x6200]  }
0x18a: {  	v10 =	vld [tilespmem:s14+$0x210];
	[tilespmem:s11+$0xC650] =	vst v15;
	v24 =	vsub.f32 v11, v9  }
0x18b: {  	v9 =	vld [tilespmem:s14+$0x6210]  }
0x18c: {  	v11 =	vld [tilespmem:s14+$0x220];
	[tilespmem:s11+$0xC660] =	vst v24;
	v21 =	vsub.f32 v13, v12  }
0x18d: {  	v12 =	vld [tilespmem:s14+$0x6220]  }
0x18e: {  	v13 =	vld [tilespmem:s14+$0x230];
	[tilespmem:s11+$0xC670] =	vst v21  }
0x18f: {  	v16 =	vsub.f32 v8, v14;
	v8 =	vld [tilespmem:s14+$0x6230]  }
0x190: {  	v14 =	vld [tilespmem:s14+$0x6630]  }
0x191: {  	v27 =	vld [tilespmem:s14+$0x6640]  }
0x192: {  	v28 =	vld [tilespmem:s14+$0x660]  }
0x193: {  	v17 =	vsub.f32 v9, v10;
	v9 =	vld [tilespmem:s14+$0x240]  }
0x194: {  	v10 =	vld [tilespmem:s14+$0x6240]  }
0x195: {  	v22 =	vsub.f32 v12, v11;
	v11 =	vld [tilespmem:s14+$0x250]  }
0x196: {  	v12 =	vld [tilespmem:s14+$0x6250]  }
0x197: {  	v25 =	vsub.f32 v8, v13;
	v8 =	vld [tilespmem:s14+$0x260]  }
0x198: {  	v13 =	vld [tilespmem:s14+$0x6260]  }
0x199: {  	v26 =	vsub.f32 v10, v9;
	v9 =	vld [tilespmem:s14+$0x270]  }
0x19a: {  	v10 =	vld [tilespmem:s14+$0x6270]  }
0x19b: {  	v23 =	vsub.f32 v12, v11;
	v11 =	vld [tilespmem:s14+$0x600]  }
0x19c: {  	v12 =	vld [tilespmem:s14+$0x6600]  }
0x19d: {  	v18 =	vsub.f32 v13, v8;
	v8 =	vld [tilespmem:s14+$0x610]  }
0x19e: {  	v13 =	vld [tilespmem:s14+$0x6610]  }
0x19f: {  	[tilespmem:s14+$0xC200] =	vst v16;
	v19 =	vsub.f32 v10, v9;
	v9 =	vld [tilespmem:s14+$0x620]  }
0x1a0: {  	[tilespmem:s14+$0xC210] =	vst v17;
	v10 =	vld [tilespmem:s14+$0x6620]  }
0x1a1: {  	v30 =	vld [tilespmem:s14+$0x670];
	[tilespmem:s14+$0xC220] =	vst v22  }
0x1a2: {  	v31 =	vld [tilespmem:s14+$0x6670];
	[tilespmem:s14+$0xC230] =	vst v25  }
0x1a3: {  	[tilespmem:s14+$0xC240] =	vst v26;
	v20 =	vsub.f32 v12, v11;
	v11 =	vld [tilespmem:s14+$0x630]  }
0x1a4: {  	[tilespmem:s14+$0xC250] =	vst v23;
	v12 =	vsub.f32 v13, v8;
	v8 =	vld [tilespmem:s14+$0x640]  }
0x1a5: {  	[tilespmem:s14+$0xC260] =	vst v18;
	v13 =	vsub.f32 v10, v9;
	v9 =	vld [tilespmem:s14+$0x650]  }
0x1a6: {  	[tilespmem:s14+$0xC270] =	vst v19;
	v10 =	vld [tilespmem:s14+$0x6650]  }
0x1a7: {  	v29 =	vld [tilespmem:s14+$0x6660];
	[tilespmem:s14+$0xC600] =	vst v20  }
0x1a8: {  	[tilespmem:s14+$0xC610] =	vst v12;
	v11 =	vsub.f32 v14, v11  }
0x1a9: {  	[tilespmem:s14+$0xC620] =	vst v13;
	v14 =	vsub.f32 v27, v8  }
0x1aa: {  	[tilespmem:s14+$0xC630] =	vst v11;
	v8 =	vsub.f32 v31, v30  }
0x1ab: {  	v10 =	vsub.f32 v10, v9;
	[tilespmem:s14+$0xC640] =	vst v14  }
0x1ac: {  	v9 =	vsub.f32 v29, v28;
	[tilespmem:s14+$0xC670] =	vst v8  }
0x1ad: {  	[tilespmem:s14+$0xC650] =	vst v10  }
0x1ae: {  	s12 =	rddreg [dreg:$0xe];
	s11 =	simm.s32 $0x0;
	[tilespmem:s14+$0xC660] =	vst v9  }
0x1af: {  	[hbm4b:s12+s11] =	stream.linear.scatter [tilespmem:s28], [sflag:$0x2], $0x6000, $0x38;
	[tilespmem:$0x14500] =	vst v63  }
0x1b0: {  	_ =	swait.ge [sflag:s20], $0x6000  }
0x1b1: {  	[sflag:s20] =	ssyncset.done $0x0  }
0x1b2: {  	s15 =	rddreg [dreg:$0xf];
	[sflag:s20] =	ssyncadd.s32 $0xFFFFA000  }
0x1b3: {  	[hbm4b:s15+s11] =	stream.linear.scatter [tilespmem:s9], [sflag:$0x2], $0x6000, $0x38;
	[tilespmem:$0x14500] =	vst v63  }
0x1b4: {  	_ =	swait.ge [sflag:s20], $0x6000  }
0x1b5: {  	[sflag:s20] =	ssyncset.done $0x0  }
0x1b6: {  	s13 =	rddreg [dreg:$0x10];
	[sflag:s20] =	ssyncadd.s32 $0xFFFFA000  }
0x1b7: {  	[tilespmem:s26], [sflag:$0x2] =	stream.linear.gather [hbm4b:s13+s11], $0x6000, $0x38;
	[tilespmem:$0x14500] =	vst v63  }
0x1b8: {  	_ =	swait.ge [sflag:s20], $0x6000  }
0x1b9: {  	[sflag:s20] =	ssyncset.done $0x0  }
0x1ba: {  	[sflag:s20] =	ssyncadd.s32 $0xFFFFA000  }
0x1bb: {  	v47 =	vld [tilespmem:$0x100];
	_ =	sdelay $0x4  }
0x1bc: {  	v48 =	vshll.u32 v47, $0x1  }
0x1bd: {  	v27 =	vand.u32 $0x7, v47;
	v28 =	vand.u32 $0xFFFFFFF0, v48  }
0x1be: {  	v27 =	vor.u32 v27, v28  }
0x1bf: {  	v28 =	vperm.xlane v27, v2;
	_ =	sdelay $0x1  }
0x1c0: {  	v27 =	vperm.xlane v27, v4;
	v28 =	vadd.s32 v3, v28;
	_ =	sdelay $0x1  }
0x1c1: {  	v27 =	vadd.s32 v3, v27;
	_ =	sdelay $0x2  }
0x1c2: {  	[tilespmem:s28], [sflag:$0x1] =	stream.indirect_vreg.gather [hbm4b:s0+s11], $0x80, v28, vm0, $0xb8;
	[tilespmem:$0x14500] =	vst v63  }
0x1c3: {  	_ = 	snop  }
0x1c4: {  	[tilespmem:s29], [sflag:$0x1] =	stream.indirect_vreg.gather [hbm4b:s0+s11], $0x80, v27, vm0, $0xb8;
	[tilespmem:$0x14500] =	vst v63  }
0x1c5: {  	v27 =	vld [tilespmem:$0x110];
	_ =	sdelay $0x4  }
0x1c6: {  	v49 =	vshll.u32 v27, $0x1  }
0x1c7: {  	v27 =	vand.u32 $0x7, v27;
	v28 =	vand.u32 $0xFFFFFFF0, v49  }
0x1c8: {  	v27 =	vor.u32 v27, v28  }
0x1c9: {  	v28 =	vperm.xlane v27, v2;
	_ =	sdelay $0x1  }
0x1ca: {  	v27 =	vperm.xlane v27, v4;
	v28 =	vadd.s32 v3, v28;
	_ =	sdelay $0x1  }
0x1cb: {  	v27 =	vadd.s32 v3, v27;
	_ =	sdelay $0x2  }
0x1cc: {  	[tilespmem:s30], [sflag:$0x1] =	stream.indirect_vreg.gather [hbm4b:s0+s11], $0x80, v28, vm0, $0xb8;
	[tilespmem:$0x14500] =	vst v63  }
0x1cd: {  	_ = 	snop  }
0x1ce: {  	[tilespmem:s31], [sflag:$0x1] =	stream.indirect_vreg.gather [hbm4b:s0+s11], $0x80, v27, vm0, $0xb8;
	[tilespmem:$0x14500] =	vst v63  }
0x1cf: {  	v27 =	vld [tilespmem:$0x120];
	_ =	sdelay $0x4  }
0x1d0: {  	v50 =	vshll.u32 v27, $0x1  }
0x1d1: {  	v27 =	vand.u32 $0x7, v27;
	v28 =	vand.u32 $0xFFFFFFF0, v50  }
0x1d2: {  	v27 =	vor.u32 v27, v28  }
0x1d3: {  	v28 =	vperm.xlane v27, v2;
	_ =	sdelay $0x1  }
0x1d4: {  	v27 =	vperm.xlane v27, v4;
	v28 =	vadd.s32 v3, v28;
	_ =	sdelay $0x1  }
0x1d5: {  	v27 =	vadd.s32 v3, v27;
	_ =	sdelay $0x2  }
0x1d6: {  	[tilespmem:s1], [sflag:$0x1] =	stream.indirect_vreg.gather [hbm4b:s0+s11], $0x80, v28, vm0, $0xb8;
	[tilespmem:$0x14500] =	vst v63  }
0x1d7: {  	_ = 	snop  }
0x1d8: {  	[tilespmem:s23], [sflag:$0x1] =	stream.indirect_vreg.gather [hbm4b:s0+s11], $0x80, v27, vm0, $0xb8;
	[tilespmem:$0x14500] =	vst v63  }
0x1d9: {  	v27 =	vld [tilespmem:$0x130];
	_ =	sdelay $0x4  }
0x1da: {  	v51 =	vshll.u32 v27, $0x1  }
0x1db: {  	v27 =	vand.u32 $0x7, v27;
	v28 =	vand.u32 $0xFFFFFFF0, v51  }
0x1dc: {  	v27 =	vor.u32 v27, v28  }
0x1dd: {  	v28 =	vperm.xlane v27, v2;
	_ =	sdelay $0x1  }
0x1de: {  	v27 =	vperm.xlane v27, v4;
	v28 =	vadd.s32 v3, v28;
	_ =	sdelay $0x1  }
0x1df: {  	v27 =	vadd.s32 v3, v27;
	_ =	sdelay $0x2  }
0x1e0: {  	[tilespmem:s5], [sflag:$0x1] =	stream.indirect_vreg.gather [hbm4b:s0+s11], $0x80, v28, vm0, $0xb8;
	[tilespmem:$0x14500] =	vst v63  }
0x1e1: {  	_ = 	snop  }
0x1e2: {  	[tilespmem:s21], [sflag:$0x1] =	stream.indirect_vreg.gather [hbm4b:s0+s11], $0x80, v27, vm0, $0xb8;
	[tilespmem:$0x14500] =	vst v63  }
0x1e3: {  	v27 =	vld [tilespmem:$0x140];
	_ =	sdelay $0x4  }
0x1e4: {  	v52 =	vshll.u32 v27, $0x1  }
0x1e5: {  	v27 =	vand.u32 $0x7, v27;
	v28 =	vand.u32 $0xFFFFFFF0, v52  }
0x1e6: {  	v5 =	vadd.f32 v7, v5;
	v6 =	vmul.f32 v6, v6;
	v27 =	vor.u32 v27, v28  }
0x1e7: {  	v28 =	vperm.xlane v27, v2  }
0x1e8: {  	v5 =	vadd.f32 v6, v5;
	v6 =	vmul.f32 v15, v15  }
0x1e9: {  	v27 =	vperm.xlane v27, v4;
	v28 =	vadd.s32 v3, v28  }
0x1ea: {  	v5 =	vadd.f32 v6, v5;
	v6 =	vmul.f32 v24, v24  }
0x1eb: {  	v27 =	vadd.s32 v3, v27  }
0x1ec: {  	v5 =	vadd.f32 v6, v5;
	v6 =	vmul.f32 v21, v21;
	_ =	sdelay $0x1  }
0x1ed: {  	v5 =	vadd.f32 v6, v5;
	v6 =	vmul.f32 v16, v16;
	[tilespmem:s6], [sflag:$0x1] =	stream.indirect_vreg.gather [hbm4b:s0+s11], $0x80, v28, vm0, $0xb8;
	[tilespmem:$0x14500] =	vst v63  }
0x1ee: {  	_ = 	snop  }
0x1ef: {  	v5 =	vadd.f32 v6, v5;
	v6 =	vmul.f32 v17, v17;
	[tilespmem:s22], [sflag:$0x1] =	stream.indirect_vreg.gather [hbm4b:s0+s11], $0x80, v27, vm0, $0xb8;
	[tilespmem:$0x14500] =	vst v63  }
0x1f0: {  	v27 =	vld [tilespmem:$0x150]  }
0x1f1: {  	v5 =	vadd.f32 v6, v5;
	v6 =	vmul.f32 v22, v22;
	_ =	sdelay $0x1  }
0x1f2: {  	v5 =	vadd.f32 v6, v5;
	v6 =	vmul.f32 v25, v25;
	_ =	sdelay $0x1  }
0x1f3: {  	v5 =	vadd.f32 v6, v5;
	v6 =	vmul.f32 v26, v26;
	v7 =	vshll.u32 v27, $0x1  }
0x1f4: {  	v15 =	vand.u32 $0x7, v27;
	v7 =	vand.u32 $0xFFFFFFF0, v7  }
0x1f5: {  	v5 =	vadd.f32 v6, v5;
	v6 =	vmul.f32 v23, v23;
	v7 =	vor.u32 v15, v7  }
0x1f6: {  	v15 =	vperm.xlane v7, v2  }
0x1f7: {  	v5 =	vadd.f32 v6, v5;
	v6 =	vmul.f32 v18, v18  }
0x1f8: {  	v7 =	vperm.xlane v7, v4;
	v15 =	vadd.s32 v3, v15  }
0x1f9: {  	v5 =	vadd.f32 v6, v5;
	v6 =	vmul.f32 v19, v19  }
0x1fa: {  	v7 =	vadd.s32 v3, v7  }
0x1fb: {  	v5 =	vadd.f32 v6, v5;
	v6 =	vmul.f32 v20, v20;
	_ =	sdelay $0x1  }
0x1fc: {  	v5 =	vadd.f32 v6, v5;
	v6 =	vmul.f32 v12, v12;
	[tilespmem:s7], [sflag:$0x1] =	stream.indirect_vreg.gather [hbm4b:s0+s11], $0x80, v15, vm0, $0xb8;
	[tilespmem:$0x14500] =	vst v63  }
0x1fd: {  	_ = 	snop  }
0x1fe: {  	v5 =	vadd.f32 v6, v5;
	v6 =	vmul.f32 v13, v13;
	[tilespmem:s8], [sflag:$0x1] =	stream.indirect_vreg.gather [hbm4b:s0+s11], $0x80, v7, vm0, $0xb8;
	[tilespmem:$0x14500] =	vst v63  }
0x1ff: {  	_ =	swait.ge [sflag:s4], $0x6000  }
0x200: {  	s14 =	sand.u32 $0x7800, s11;
	v5 =	vadd.f32 v6, v5;
	v6 =	vmul.f32 v11, v11;
	s11 =	sand.u32 $0x380, s11;
	[sflag:s4] =	ssyncset.done $0x0  }
0x201: {  	s11 =	sor.u32 s11, s14;
	[sflag:s4] =	ssyncadd.s32 $0xFFFFA000  }
0x202: {  	v5 =	vadd.f32 v6, v5;
	v6 =	vmul.f32 v14, v14;
	v7 =	vld [tilespmem:s11+$0x200]  }
0x203: {  	v15 =	vld [tilespmem:s11+$0x6200]  }
0x204: {  	v5 =	vadd.f32 v6, v5;
	v6 =	vmul.f32 v10, v10;
	v53 =	vld [tilespmem:s11+$0x210]  }
0x205: {  	v54 =	vld [tilespmem:s11+$0x6210]  }
0x206: {  	v5 =	vadd.f32 v6, v5;
	v6 =	vmul.f32 v9, v9;
	v55 =	vld [tilespmem:s11+$0x220]  }
0x207: {  	v56 =	vld [tilespmem:s11+$0x6220]  }
0x208: {  	v5 =	vadd.f32 v6, v5;
	v6 =	vmul.f32 v8, v8;
	v12 =	vld [tilespmem:s11+$0x6230];
	v7 =	vsub.f32 v15, v7  }
0x209: {  	v15 =	vld [tilespmem:s11+$0x230]  }
0x20a: {  	v5 =	vadd.f32 v6, v5;
	v57 =	vld [tilespmem:s11+$0x240];
	v13 =	vsub.f32 v54, v53;
	v6 =	vmul.f32 v7, v7  }
0x20b: {  	v58 =	vld [tilespmem:s11+$0x6240]  }
0x20c: {  	v59 =	vld [tilespmem:s11+$0x250];
	v11 =	vsub.f32 v56, v55;
	v5 =	vadd.f32 v6, v5;
	v6 =	vmul.f32 v13, v13  }
0x20d: {  	v14 =	vld [tilespmem:s11+$0x6250]  }
0x20e: {  	v10 =	vsub.f32 v12, v15;
	v12 =	vld [tilespmem:s11+$0x260];
	v5 =	vadd.f32 v6, v5;
	v6 =	vmul.f32 v11, v11  }
0x20f: {  	v15 =	vld [tilespmem:s11+$0x6260]  }
0x210: {  	v60 =	vld [tilespmem:s11+$0x270];
	v9 =	vsub.f32 v58, v57;
	v5 =	vadd.f32 v6, v5;
	v6 =	vmul.f32 v10, v10  }
0x211: {  	v8 =	vld [tilespmem:s11+$0x6270]  }
0x212: {  	v61 =	vld [tilespmem:s11+$0x6600];
	[tilespmem:s11+$0xC200] =	vst v7;
	v7 =	vsub.f32 v14, v59;
	v5 =	vadd.f32 v6, v5;
	v6 =	vmul.f32 v9, v9  }
0x213: {  	v14 =	vld [tilespmem:s11+$0x600]  }
0x214: {  	[tilespmem:s11+$0xC210] =	vst v13;
	v13 =	vld [tilespmem:s11+$0x610];
	v12 =	vsub.f32 v15, v12;
	v5 =	vadd.f32 v6, v5;
	v6 =	vmul.f32 v7, v7  }
0x215: {  	[tilespmem:s11+$0xC220] =	vst v11;
	v11 =	vld [tilespmem:s11+$0x6610]  }
0x216: {  	v8 =	vsub.f32 v8, v60;
	[tilespmem:s11+$0xC230] =	vst v10;
	v10 =	vld [tilespmem:s11+$0x620];
	v5 =	vadd.f32 v6, v5;
	v6 =	vmul.f32 v12, v12  }
0x217: {  	[tilespmem:s11+$0xC240] =	vst v9;
	v15 =	vld [tilespmem:s11+$0x6620]  }
0x218: {  	v62 =	vld [tilespmem:s11+$0x6630];
	[tilespmem:s11+$0xC250] =	vst v7;
	v9 =	vsub.f32 v61, v14;
	v7 =	vmul.f32 v8, v8;
	v6 =	vadd.f32 v6, v5  }
0x219: {  	v14 =	vld [tilespmem:s11+$0x630]  }
0x21a: {  	v63 =	vld [tilespmem:s11+$0x6640];
	[tilespmem:s11+$0xC270] =	vst v8;
	v11 =	vsub.f32 v11, v13;
	v8 =	vmul.f32 v9, v9;
	v6 =	vadd.f32 v7, v6  }
0x21b: {  	v13 =	vld [tilespmem:s11+$0x640];
	[tilespmem:s11+$0xC600] =	vst v9  }
0x21c: {  	[tilespmem:s11+$0xC610] =	vst v11;
	v11 =	vmul.f32 v11, v11;
	v10 =	vsub.f32 v15, v10;
	v5 =	vld [tilespmem:s11+$0x650];
	v9 =	vadd.f32 v8, v6  }
0x21d: {  	[tilespmem:s11+$0xC260] =	vst v12;
	v7 =	vld [tilespmem:s11+$0x6650]  }
0x21e: {  	v12 =	vsub.f32 v62, v14;
	[tilespmem:s11+$0xC620] =	vst v10;
	v10 =	vmul.f32 v10, v10;
	v6 =	vld [tilespmem:s11+$0x660];
	v9 =	vadd.f32 v11, v9  }
0x21f: {  	s12 =	simm.s32 $0x80;
	s13 =	simm.s32 $0x100;
	v8 =	vld [tilespmem:s11+$0x6660]  }
0x220: {  	s15 =	sand.u32 $0x380, s12;
	s13 =	sand.u32 $0x7800, s13;
	[tilespmem:s11+$0xC630] =	vst v12;
	v12 =	vmul.f32 v12, v12;
	v11 =	vld [tilespmem:s11+$0x670];
	v9 =	vadd.f32 v10, v9;
	v10 =	vsub.f32 v63, v13  }
0x221: {  	s13 =	sor.u32 s15, s13;
	s14 =	simm.s32 $0x200;
	v13 =	vld [tilespmem:s11+$0x6670]  }
.LBB2_10:
0x222: {  	p1 =	sne.s32 s14, $0x5F00;
	v14 =	vld [tilespmem:s13+$0x200];
	v9 =	vadd.f32 v12, v9;
	[tilespmem:s11+$0xC640] =	vst v10;
	v10 =	vmul.f32 v10, v10;
	v5 =	vsub.f32 v7, v5  }
0x223: {  	v7 =	vld [tilespmem:s13+$0x6200]  }
0x224: {  	v12 =	vld [tilespmem:s13+$0x210];
	v9 =	vadd.f32 v10, v9;
	[tilespmem:s11+$0xC650] =	vst v5;
	v5 =	vmul.f32 v5, v5;
	v6 =	vsub.f32 v8, v6  }
0x225: {  	v8 =	vld [tilespmem:s13+$0x6210]  }
0x226: {  	v10 =	vld [tilespmem:s13+$0x220];
	v5 =	vadd.f32 v5, v9;
	[tilespmem:s11+$0xC660] =	vst v6;
	v6 =	vmul.f32 v6, v6;
	v9 =	vsub.f32 v13, v11  }
0x227: {  	v11 =	vld [tilespmem:s13+$0x6220]  }
0x228: {  	v7 =	vsub.f32 v7, v14;
	v13 =	vld [tilespmem:s13+$0x230];
	v5 =	vadd.f32 v6, v5;
	[tilespmem:s11+$0xC670] =	vst v9;
	v6 =	vmul.f32 v9, v9;
	s11 =	smov.u32 s13  }
0x229: {  	v9 =	vld [tilespmem:s11+$0x6230]  }
0x22a: {  	[tilespmem:s11+$0xC200] =	vst v7;
	v7 =	vmul.f32 v7, v7;
	v8 =	vsub.f32 v8, v12;
	v12 =	vld [tilespmem:s11+$0x240];
	v5 =	vadd.f32 v6, v5  }
0x22b: {  	v6 =	vld [tilespmem:s11+$0x6240]  }
0x22c: {  	v5 =	vadd.f32 v7, v5;
	[tilespmem:s11+$0xC210] =	vst v8;
	v7 =	vmul.f32 v8, v8;
	v8 =	vsub.f32 v11, v10;
	v10 =	vld [tilespmem:s11+$0x250]  }
0x22d: {  	v11 =	vld [tilespmem:s11+$0x6250]  }
0x22e: {  	v5 =	vadd.f32 v7, v5;
	[tilespmem:s11+$0xC220] =	vst v8;
	v7 =	vmul.f32 v8, v8;
	v8 =	vsub.f32 v9, v13;
	v9 =	vld [tilespmem:s11+$0x260]  }
0x22f: {  	v13 =	vld [tilespmem:s11+$0x6260]  }
0x230: {  	v5 =	vadd.f32 v7, v5;
	[tilespmem:s11+$0xC230] =	vst v8;
	v7 =	vmul.f32 v8, v8;
	v6 =	vsub.f32 v6, v12;
	v8 =	vld [tilespmem:s11+$0x270]  }
0x231: {  	v12 =	vld [tilespmem:s11+$0x6270]  }
0x232: {  	v5 =	vadd.f32 v7, v5;
	[tilespmem:s11+$0xC240] =	vst v6;
	v6 =	vmul.f32 v6, v6;
	v7 =	vsub.f32 v11, v10;
	v10 =	vld [tilespmem:s11+$0x600]  }
0x233: {  	v11 =	vld [tilespmem:s11+$0x6600]  }
0x234: {  	v5 =	vadd.f32 v6, v5;
	[tilespmem:s11+$0xC250] =	vst v7;
	v6 =	vmul.f32 v7, v7;
	v7 =	vsub.f32 v13, v9;
	v9 =	vld [tilespmem:s11+$0x610]  }
0x235: {  	v13 =	vld [tilespmem:s11+$0x6610]  }
0x236: {  	v5 =	vadd.f32 v6, v5;
	[tilespmem:s11+$0xC260] =	vst v7;
	v6 =	vmul.f32 v7, v7;
	v7 =	vsub.f32 v12, v8;
	v8 =	vld [tilespmem:s11+$0x620]  }
0x237: {  	v12 =	vld [tilespmem:s11+$0x6620]  }
0x238: {  	v5 =	vadd.f32 v6, v5;
	[tilespmem:s11+$0xC270] =	vst v7;
	v6 =	vmul.f32 v7, v7;
	v7 =	vsub.f32 v11, v10;
	v10 =	vld [tilespmem:s11+$0x630]  }
0x239: {  	v11 =	vld [tilespmem:s11+$0x6630]  }
0x23a: {  	v5 =	vadd.f32 v6, v5;
	[tilespmem:s11+$0xC600] =	vst v7;
	v6 =	vmul.f32 v7, v7;
	v7 =	vsub.f32 v13, v9;
	v13 =	vld [tilespmem:s11+$0x640]  }
0x23b: {  	v14 =	vld [tilespmem:s11+$0x6640]  }
0x23c: {  	v6 =	vadd.f32 v6, v5;
	[tilespmem:s11+$0xC610] =	vst v7;
	v9 =	vmul.f32 v7, v7;
	v8 =	vsub.f32 v12, v8;
	v5 =	vld [tilespmem:s11+$0x650]  }
.Ltmp4:
0x23d: {  	v7 =	vld [tilespmem:s11+$0x6650];
	(pc) =	sbr.rel @p1 .LBB2_10-.Ltmp4, $4  }
0x23e: {  	v9 =	vadd.f32 v9, v6;
	[tilespmem:s11+$0xC620] =	vst v8;
	v12 =	vmul.f32 v8, v8;
	v10 =	vsub.f32 v11, v10;
	v6 =	vld [tilespmem:s11+$0x660]  }
0x23f: {  	s12 =	sadd.s32 $0x80, s12;
	v8 =	vld [tilespmem:s11+$0x6660]  }
0x240: {  	s15 =	sand.u32 $0x380, s12;
	s13 =	sand.u32 $0x7800, s14;
	v9 =	vadd.f32 v12, v9;
	[tilespmem:s11+$0xC630] =	vst v10;
	v12 =	vmul.f32 v10, v10;
	v10 =	vsub.f32 v14, v13;
	v11 =	vld [tilespmem:s11+$0x670]  }
0x241: {  	s14 =	sadd.s32 $0x100, s14;
	s13 =	sor.u32 s15, s13;
	v13 =	vld [tilespmem:s11+$0x6670]  }
0x242: {  	v14 =	vld [tilespmem:s13+$0x200];
	[tilespmem:s11+$0xC640] =	vst v10;
	v5 =	vsub.f32 v7, v5  }
0x243: {  	v7 =	vld [tilespmem:s13+$0x6200]  }
0x244: {  	v15 =	vld [tilespmem:s13+$0x210];
	[tilespmem:s11+$0xC650] =	vst v5;
	v6 =	vsub.f32 v8, v6  }
0x245: {  	v33 =	vld [tilespmem:s13+$0x6210]  }
0x246: {  	v16 =	vld [tilespmem:s13+$0x220];
	[tilespmem:s11+$0xC660] =	vst v6;
	v11 =	vsub.f32 v13, v11  }
0x247: {  	v9 =	vadd.f32 v12, v9;
	v39 =	vmul.f32 v10, v10;
	v34 =	vld [tilespmem:s13+$0x6220]  }
0x248: {  	v17 =	vld [tilespmem:s13+$0x230];
	[tilespmem:s11+$0xC670] =	vst v11  }
0x249: {  	v9 =	vadd.f32 v39, v9;
	v5 =	vmul.f32 v5, v5;
	v35 =	vld [tilespmem:s13+$0x6230]  }
0x24a: {  	v36 =	vld [tilespmem:s13+$0x240]  }
0x24b: {  	v5 =	vadd.f32 v5, v9;
	v6 =	vmul.f32 v6, v6;
	v18 =	vld [tilespmem:s13+$0x6240]  }
0x24c: {  	v37 =	vld [tilespmem:s13+$0x250]  }
0x24d: {  	v7 =	vsub.f32 v7, v14;
	v5 =	vadd.f32 v6, v5;
	v6 =	vmul.f32 v11, v11;
	v19 =	vld [tilespmem:s13+$0x6250]  }
0x24e: {  	v38 =	vld [tilespmem:s13+$0x260]  }
0x24f: {  	v20 =	vld [tilespmem:s13+$0x6260];
	[tilespmem:s13+$0xC200] =	vst v7;
	v8 =	vsub.f32 v33, v15;
	v7 =	vmul.f32 v7, v7;
	v5 =	vadd.f32 v6, v5  }
0x250: {  	v41 =	vld [tilespmem:s13+$0x270]  }
0x251: {  	v42 =	vld [tilespmem:s13+$0x6270];
	v13 =	vsub.f32 v34, v16;
	v5 =	vadd.f32 v7, v5;
	v7 =	vmul.f32 v8, v8  }
0x252: {  	v44 =	vld [tilespmem:s13+$0x600]  }
0x253: {  	v45 =	vld [tilespmem:s13+$0x6600];
	v14 =	vsub.f32 v35, v17;
	v5 =	vadd.f32 v7, v5;
	v7 =	vmul.f32 v13, v13  }
0x254: {  	v47 =	vld [tilespmem:s13+$0x610]  }
0x255: {  	v49 =	vld [tilespmem:s13+$0x620];
	v40 =	vsub.f32 v18, v36;
	v5 =	vadd.f32 v7, v5;
	v7 =	vmul.f32 v14, v14  }
0x256: {  	v50 =	vld [tilespmem:s13+$0x6620]  }
0x257: {  	v52 =	vld [tilespmem:s13+$0x630];
	v43 =	vsub.f32 v19, v37;
	v5 =	vadd.f32 v7, v5;
	v7 =	vmul.f32 v40, v40  }
0x258: {  	v53 =	vld [tilespmem:s13+$0x6630]  }
0x259: {  	v54 =	vld [tilespmem:s13+$0x640];
	v46 =	vsub.f32 v20, v38;
	v5 =	vadd.f32 v7, v5;
	v7 =	vmul.f32 v43, v43  }
0x25a: {  	v6 =	vld [tilespmem:s13+$0x6610];
	[tilespmem:s13+$0xC210] =	vst v8  }
0x25b: {  	v55 =	vld [tilespmem:s13+$0x6640];
	[tilespmem:s13+$0xC220] =	vst v13;
	v48 =	vsub.f32 v42, v41;
	v5 =	vadd.f32 v7, v5;
	v7 =	vmul.f32 v46, v46  }
0x25c: {  	v57 =	vld [tilespmem:s13+$0x650];
	[tilespmem:s13+$0xC230] =	vst v14  }
0x25d: {  	v58 =	vld [tilespmem:s13+$0x6650];
	v51 =	vsub.f32 v45, v44;
	[tilespmem:s13+$0xC240] =	vst v40;
	v5 =	vadd.f32 v7, v5;
	v7 =	vmul.f32 v48, v48  }
0x25e: {  	v60 =	vld [tilespmem:s13+$0x660];
	[tilespmem:s13+$0xC250] =	vst v43  }
0x25f: {  	v61 =	vld [tilespmem:s13+$0x6660];
	v6 =	vsub.f32 v6, v47;
	[tilespmem:s13+$0xC260] =	vst v46;
	v5 =	vadd.f32 v7, v5;
	v7 =	vmul.f32 v51, v51  }
0x260: {  	v62 =	vld [tilespmem:s13+$0x670];
	[tilespmem:s13+$0xC270] =	vst v48  }
0x261: {  	v56 =	vsub.f32 v50, v49;
	[tilespmem:s13+$0xC610] =	vst v6;
	v6 =	vmul.f32 v6, v6;
	v5 =	vadd.f32 v7, v5;
	v7 =	vld [tilespmem:s13+$0x6670]  }
0x262: {  	v59 =	vsub.f32 v53, v52;
	[tilespmem:s13+$0xC600] =	vst v51  }
0x263: {  	v10 =	vsub.f32 v58, v57;
	[tilespmem:s13+$0xC620] =	vst v56;
	v9 =	vmul.f32 v56, v56;
	v5 =	vadd.f32 v6, v5  }
0x264: {  	v63 =	vsub.f32 v61, v60;
	[tilespmem:s13+$0xC630] =	vst v59  }
0x265: {  	v8 =	vmul.f32 v59, v59;
	[tilespmem:s13+$0xC650] =	vst v10;
	v6 =	vsub.f32 v55, v54;
	v5 =	vadd.f32 v9, v5  }
0x266: {  	[tilespmem:s13+$0xC660] =	vst v63;
	v7 =	vsub.f32 v7, v62  }
0x267: {  	[tilespmem:s13+$0xC640] =	vst v6;
	v6 =	vmul.f32 v6, v6;
	v5 =	vadd.f32 v8, v5  }
0x268: {  	s14 =	rddreg [dreg:$0x11];
	[tilespmem:s13+$0xC670] =	vst v7  }
0x269: {  	v5 =	vadd.f32 v6, v5;
	v6 =	vmul.f32 v10, v10;
	[hbm4b:s14+s3] =	stream.linear.scatter [tilespmem:s28], [sflag:$0x2], $0x6000, $0x38;
	[tilespmem:$0x14500] =	vst v63  }
0x26a: {  	_ =	swait.ge [sflag:s20], $0x6000  }
0x26b: {  	v5 =	vadd.f32 v6, v5;
	v6 =	vmul.f32 v63, v63;
	[sflag:s20] =	ssyncset.done $0x0  }
0x26c: {  	[sflag:s20] =	ssyncadd.s32 $0xFFFFA000  }
0x26d: {  	v5 =	vadd.f32 v6, v5;
	v6 =	vmul.f32 v7, v7;
	[hbm4b:s16+s3] =	stream.linear.scatter [tilespmem:s9], [sflag:$0x2], $0x6000, $0x38;
	[tilespmem:$0x14500] =	vst v63  }
0x26e: {  	_ =	swait.ge [sflag:s20], $0x6000  }
0x26f: {  	v5 =	vadd.f32 v6, v5;
	[sflag:s20] =	ssyncset.done $0x0  }
0x270: {  	[sflag:s20] =	ssyncadd.s32 $0xFFFFA000  }
0x271: {  	s15 =	simm.s32 $0x12200;
	[tilespmem:$0x12200] =	vst v5  }
0x272: {  	[hbm4b:s17+s3] =	stream.linear.scatter [tilespmem:s15], [sflag:$0x2], $0x80, $0x38;
	[tilespmem:$0x14500] =	vst v63  }
0x273: {  	s10 =	sadd.s32 $0x1, s10;
	_ =	swait.ge [sflag:s20], $0x80  }
0x274: {  	s12 =	simm.s32 @!p0 $0x1;
	p1 =	sne.s32 s10, s19;
	[sflag:s20] =	ssyncset.done $0x0  }
0x275: {  	s11 =	sshrl.u32 @!p0 s2, $0x3;
	s13 =	simm.s32 @!p0 $0x20;
	[sflag:s20] =	ssyncadd.s32 $0xFFFFFF80  }
0x276: {  	s14 =	simm.s32 @!p0 $0x10;
	s15 =	simm.s32 @!p0 $0x1C02;
	[bflag:$0x0] =	sbarrier.arrive $0xFFFF  }
0x277: {  	[hbm:s18@s13], [sflag:s15] =	dma.strided @!p0 [spmem:s11@s14], $0x400, s12, $0x10   }
.Ltmp5:
0x278: {  	_ = 	snop;
	(pc) =	sbr.rel @p1 .LBB2_1-.Ltmp5, $4  }
0x279: {  	s11 =	simm.s32 @!p0 $0x2  }
0x27a: {  	_ =	swait.ge @!p0 [sflag:s11], $0x400  }
0x27b: {  	[sflag:s11] =	ssyncset.done @!p0 $0x0  }
0x27c: {  	s13 =	simm.s32 $0x80;
	s14 =	simm.s32 $0x100;
	[sflag:s11] =	ssyncadd.s32 @!p0 $0xFFFFFC00  }
0x27d: {  	_ =	sfence.sel $0x180000  }
0x27e: {  	[bflag:$0x0] =	sbarrier.arrive $0xFFFF  }
0x27f: {  	_ =	strace $0x90000047  }
0x280: {  	[bflag:$0x2] =	sbarrier.arrive $0xFFFF  }
0x281: {  	s0 =	rddreg [dreg:$0x6]  }
0x282: {  	s0 =	sadd.s32 @!p0 $0x100000, s0  }
0x283: {  	[sflag:s0] =	ssyncadd.tile.s32 @!p0 $0x1;
	_ =	shalt  }
.Lfunc_end2:
_tile_overlayer_lowered:
.L_overlay_start_2:
0x284: {  	(tag) =	ssettag $0x2  }
0x285: {  	s0 =	rddreg [dreg:$0x0];
	s2 =	stileid.u32  }
0x286: {  	s1 =	rddreg [dreg:$0x1];
	p0 =	sne.s32 s2, $0x0  }
0x287: {  	s3 =	rddreg [dreg:$0x2];
	[bflag:$0x3] =	sbarrier.arrive $0xFFFF;
	s2 =	simm.s32 @!p0 $0x1C02  }
0x288: {  	[timem:s3], [sflag:s2] =	dma.local @!p0 [hbm:s0], s1  }
0x289: {  	s0 =	simm.s32 @!p0 $0x2  }
0x28a: {  	_ =	swait.ge @!p0 [sflag:s0], s1  }
0x28b: {  	s1 =	ssub.s32 @!p0 $0x0, s1;
	[sflag:s0] =	ssyncset.done @!p0 $0x0  }
0x28c: {  	[sflag:s0] =	ssyncadd.s32 @!p0 s1  }
0x28d: {  	[bflag:$0x3] =	sbarrier.arrive $0xFFFF  }
0x28e: {  	_ =	shalt  }

</sc_bundles>
